<compile_context>
chip_gen: v7x
topology: tpu7x:2x2x1
jax: 0.10.2.dev20260603
libtpu: 0.0.44.dev20260713+nightly
codegen_flags: <defaults>
</compile_context>

<pallas_src>
import functools

import jax
import jax.numpy as jnp
from jax import lax
from jax.experimental import pallas as pl
from jax.experimental.pallas import tpu as pltpu
from jax.experimental.pallas import tpu_sc as plsc

_K = 20
_B, _N, _D = 4, 2048, 3
_RB = 512
_CB = 2048
_MASKLOW = ~2047
_FBIG = 0x7F000000


def _sq_dist(xb, xt):
    x2 = jnp.sum(xb * xb, axis=1, keepdims=True)
    y2 = jnp.sum(xt * xt, axis=0, keepdims=True)
    mm = jax.lax.dot_general(xb.astype(jnp.bfloat16), xt.astype(jnp.bfloat16),
                             (((1,), (0,)), ((), ())),
                             preferred_element_type=jnp.float32)
    return jnp.maximum((x2 + y2) - 2.0 * mm, 0.0)


def _knn_kernel(xb_ref, xt_ref, outs_ref, outi_ref):
    xb = xb_ref[0]
    xt = xt_ref[0]
    n = xt.shape[1]
    rb = xb.shape[0]

    d2 = _sq_dist(xb, xt)
    col = jax.lax.broadcasted_iota(jnp.int32, (rb, n), 1)
    pi = (jax.lax.bitcast_convert_type(d2, jnp.int32) & _MASKLOW) | col
    packed = jax.lax.bitcast_convert_type(pi, jnp.float32)
    fbig = jax.lax.bitcast_convert_type(jnp.int32(_FBIG), jnp.float32)

    a = packed[:, :n // 2]
    b = packed[:, n // 2:]
    lo = jnp.minimum(a, b)
    hi = jnp.maximum(a, b)
    sumd = jnp.zeros((rb, 1), jnp.float32)
    idxs = []
    for t in range(_K + 1):
        m = jnp.min(lo, axis=1, keepdims=True)
        if t > 0:
            sumd = sumd + jnp.sqrt(m)
            idxs.append(jax.lax.bitcast_convert_type(m, jnp.int32) & 2047)
        sel = lo == m
        lo = jnp.where(sel, hi, lo)
        hi = jnp.where(sel, fbig, hi)
    outs_ref[0] = sumd
    outi_ref[0] = jnp.concatenate(idxs, axis=1)


_NW = 32
_PW = (2 * _B * _N) // _NW


def _moments_sc_kernel(x9t_hbm, idx_hbm, out_hbm, x9_v, idx_v, acc_v):
    wid = lax.axis_index("s") * 2 + lax.axis_index("c")
    cloud = wid // (_NW // (2 * _B))
    pltpu.sync_copy(x9t_hbm.at[cloud], x9_v)
    pltpu.sync_copy(idx_hbm.at[wid], idx_v)

    def group(g, carry):
        base = pl.multiple_of(g * 16, 16)
        accs = [jnp.zeros((16,), jnp.float32) for _ in range(9)]
        for t in range(_K):
            iv = idx_v[t, pl.ds(base, 16)]
            for c in range(9):
                accs[c] = accs[c] + plsc.load_gather(x9_v, [iv + (c * _N)])
        for c in range(9):
            acc_v[c, pl.ds(base, 16)] = accs[c]
        return carry

    lax.fori_loop(0, _PW // 16, group, 0)
    pltpu.sync_copy(acc_v, out_hbm.at[wid])


def _moments_sc(x9t, idx):
    mesh = plsc.VectorSubcoreMesh(core_axis_name="c", subcore_axis_name="s")
    f = functools.partial(
        pl.kernel,
        mesh=mesh,
        out_type=jax.ShapeDtypeStruct((_NW, 9, _PW), jnp.float32),
        scratch_types=[
            pltpu.VMEM((9 * _N,), jnp.float32),
            pltpu.VMEM((_K, _PW), jnp.int32),
            pltpu.VMEM((9, _PW), jnp.float32),
        ],
        compiler_params=pltpu.CompilerParams(needs_layout_passes=False),
    )(_moments_sc_kernel)
    return f(x9t, idx)


def _acos(x):
    a = jnp.abs(x)
    p = jnp.float32(-0.0012624911)
    for c in (0.0066700901, -0.0170881256, 0.0308918810, -0.0501743046,
              0.0889789874, -0.2145988016, 1.5707963050):
        p = p * a + jnp.float32(c)
    r = p * jnp.sqrt(jnp.maximum(1.0 - a, 0.0))
    return jnp.where(x < 0.0, jnp.float32(3.14159265358979) - r, r)


def _eig_kernel(p_ref, sd_ref, out_ref):
    rows = [p_ref[r:r + 1, :] for r in range(9)]
    s1x, s1y, s1z, sxx, sxy, sxz, syy, syz, szz = rows
    sumd = sd_ref[...]
    k = jnp.float32(_K)
    c00 = sxx - s1x * s1x / k
    c01 = sxy - s1x * s1y / k
    c02 = sxz - s1x * s1z / k
    c11 = syy - s1y * s1y / k
    c12 = syz - s1y * s1z / k
    c22 = szz - s1z * s1z / k

    q = (c00 + c11 + c22) * jnp.float32(1.0 / 3.0)
    b00, b11, b22 = c00 - q, c11 - q, c22 - q
    p1 = c01 * c01 + c02 * c02 + c12 * c12
    p2 = b00 * b00 + b11 * b11 + b22 * b22 + 2.0 * p1
    p = jnp.sqrt(jnp.maximum(p2 * jnp.float32(1.0 / 6.0), 0.0))
    psafe = jnp.maximum(p, jnp.float32(1e-20))
    det = (b00 * (b11 * b22 - c12 * c12)
           - c01 * (c01 * b22 - c12 * c02)
           + c02 * (c01 * c12 - b11 * c02))
    r = det / (2.0 * psafe * psafe * psafe)
    r = jnp.clip(r, -1.0, 1.0)
    phi = _acos(r) * jnp.float32(1.0 / 3.0)
    ph2 = phi * phi
    cphi = (1.0 + ph2 * (-0.5 + ph2 * (jnp.float32(1.0 / 24.0)
            + ph2 * (jnp.float32(-1.0 / 720.0) + ph2 * jnp.float32(1.0 / 40320.0)))))
    sphi = phi * (1.0 + ph2 * (jnp.float32(-1.0 / 6.0) + ph2 *
                  (jnp.float32(1.0 / 120.0) + ph2 * jnp.float32(-1.0 / 5040.0))))
    half3 = jnp.float32(0.8660254037844386)
    lam0 = q + 2.0 * p * (-0.5 * cphi - half3 * sphi)
    a00, a11, a22 = c00 - lam0, c11 - lam0, c22 - lam0
    v1x = c01 * c12 - c02 * a11
    v1y = c02 * c01 - a00 * c12
    v1z = a00 * a11 - c01 * c01
    v2x = c01 * a22 - c02 * c12
    v2y = c02 * c02 - a00 * a22
    v2z = a00 * c12 - c01 * c02
    v3x = a11 * a22 - c12 * c12
    v3y = c12 * c02 - c01 * a22
    v3z = c01 * c12 - a11 * c02
    n1 = v1x * v1x + v1y * v1y + v1z * v1z
    n2 = v2x * v2x + v2y * v2y + v2z * v2z
    n3 = v3x * v3x + v3y * v3y + v3z * v3z
    use2 = n2 > n1
    bx = jnp.where(use2, v2x, v1x)
    by = jnp.where(use2, v2y, v1y)
    bz = jnp.where(use2, v2z, v1z)
    bn = jnp.where(use2, n2, n1)
    use3 = n3 > bn
    bx = jnp.where(use3, v3x, bx)
    by = jnp.where(use3, v3y, by)
    bz = jnp.where(use3, v3z, bz)
    bn = jnp.where(use3, n3, bn)
    inv = jax.lax.rsqrt(jnp.maximum(bn, jnp.float32(1e-30)))
    nx, ny, nz = bx * inv, by * inv, bz * inv

    tr = c00 + c11 + c22
    curv = lam0 / (tr + jnp.float32(1e-8))
    meand = sumd * jnp.float32(1.0 / _K)
    zero = jnp.zeros_like(nx)
    out_ref[...] = jnp.concatenate(
        [nx, ny, nz, curv, meand, zero, zero, zero], axis=0)


def _loss_kernel(pb_ref, gt_t_ref, ps_ref, gs_ref, sums_ref, psums_ref):
    b = pl.program_id(0)
    i = pl.program_id(1)
    first = jnp.logical_and(b == 0, i == 0)

    @pl.when(first)
    def _():
        sums_ref[...] = jnp.zeros_like(sums_ref)

    @pl.when(i == 0)
    def _():
        psums_ref[...] = jnp.zeros_like(psums_ref)

    pb = pb_ref[0]
    gt_t = gt_t_ref[0]
    ps = ps_ref[0]
    gs = gs_ref[0]
    rb = pb.shape[0]
    n = gt_t.shape[1]

    d2 = _sq_dist(pb, gt_t)
    col = jax.lax.broadcasted_iota(jnp.int32, (rb, n), 1)
    m = jnp.min(d2, axis=1, keepdims=True)
    colf = col.astype(jnp.float32)
    amin = jnp.min(jnp.where(d2 == m, colf, jnp.float32(n)),
                   axis=1, keepdims=True)
    sel = jnp.logical_and(d2 == m, colf == amin).astype(jnp.bfloat16)
    gsh = gs.astype(jnp.bfloat16)
    gsl = (gs - gsh.astype(jnp.float32)).astype(jnp.bfloat16)
    dn = (((1,), (1,)), ((), ()))
    corr = (jax.lax.dot_general(sel, gsh, dn,
                                preferred_element_type=jnp.float32)
            + jax.lax.dot_general(sel, gsl, dn,
                                  preferred_element_type=jnp.float32))

    pn = ps[:, 0:3]
    sdot = jnp.sum(pn * corr[:, 0:3], axis=1, keepdims=True)
    gmc = corr[:, 4:5]
    gcc = corr[:, 3:4]

    pm = ps[:, 4:5]
    pc = ps[:, 3:4]
    s_absdot = jnp.sum(jnp.abs(sdot), keepdims=True)
    s_sl = jnp.sum(jnp.abs(pm - gmc) / (gmc + jnp.float32(1e-8)),
                   keepdims=True)
    s_cc = jnp.sum(jnp.abs(pc - gcc), keepdims=True)

    y = pb[:, 1:2]
    z = pb[:, 2:3]
    f32 = jnp.float32
    m1 = jnp.logical_and(y > f32(-0.1), y < f32(0.1)).astype(jnp.float32)
    m2 = (z > f32(0.3)).astype(jnp.float32)
    m3 = (y > f32(0.2)).astype(jnp.float32)

    def s(v):
        return jnp.sum(v, keepdims=True)

    row = jnp.concatenate([
        s(m1), s(m1 * y), s(m1 * y * y),
        s(m2), s(m2 * z), s(m2 * z * z),
        s(m3), s(m3 * y), s(m3 * y * y),
        s((y < f32(-0.2)).astype(jnp.float32)),
        s(m2 * (y > f32(0.0)).astype(jnp.float32)),
        jnp.zeros((1, 5), jnp.float32)], axis=1)
    psums_ref[0] = psums_ref[0] + row

    grow = jnp.concatenate(
        [s_absdot, s_sl, s_cc, jnp.zeros((1, 13), jnp.float32)], axis=1)
    sums_ref[...] = sums_ref[...] + grow


def _masked_var(c, sv, svv):
    mean_num = svv - sv * sv / jnp.maximum(c, 1.0)
    return mean_num / jnp.maximum(c - 1.0, 1.0)


@jax.jit
def kernel(pred_points, gt_points, category_ids):
    B, N = pred_points.shape[0], pred_points.shape[1]
    nb = N // _RB
    X = jnp.concatenate([pred_points, gt_points], axis=0)
    XT = jnp.swapaxes(X, 1, 2)
    ii = jnp.array([0, 0, 0, 1, 1, 2])
    jj = jnp.array([0, 1, 2, 1, 2, 2])
    X9 = jnp.concatenate([X, X[..., ii] * X[..., jj]], axis=-1)

    sumd, idx = pl.pallas_call(
        _knn_kernel,
        grid=(2 * B, nb),
        in_specs=[
            pl.BlockSpec((1, _RB, 3), lambda b, i: (b, i, 0)),
            pl.BlockSpec((1, 3, N), lambda b, i: (b, 0, 0)),
        ],
        out_specs=[
            pl.BlockSpec((1, _RB, 1), lambda b, i: (b, i, 0)),
            pl.BlockSpec((1, _RB, _K), lambda b, i: (b, i, 0)),
        ],
        out_shape=[
            jax.ShapeDtypeStruct((2 * B, N, 1), jnp.float32),
            jax.ShapeDtypeStruct((2 * B, N, _K), jnp.int32),
        ],
        compiler_params=pltpu.CompilerParams(
            dimension_semantics=("parallel", "arbitrary")),
    )(X, XT)

    x9t = X9.transpose(0, 2, 1).reshape(2 * B, 9 * N)
    idx_w = idx.reshape(_NW, _PW, _K).transpose(0, 2, 1)
    mom_w = _moments_sc(x9t, idx_w)
    Q = mom_w.transpose(1, 0, 2).reshape(9, 2 * B * N)
    sumd_row = sumd.reshape(1, 2 * B * N)

    ncb = (2 * B * N) // _CB
    E = pl.pallas_call(
        _eig_kernel,
        grid=(ncb,),
        in_specs=[pl.BlockSpec((9, _CB), lambda c: (0, c)),
                  pl.BlockSpec((1, _CB), lambda c: (0, c))],
        out_specs=pl.BlockSpec((8, _CB), lambda c: (0, c)),
        out_shape=jax.ShapeDtypeStruct((8, 2 * B * N), jnp.float32),
        compiler_params=pltpu.CompilerParams(
            dimension_semantics=("arbitrary",)),
    )(Q, sumd_row)

    Epred = E[:, :B * N].reshape(8, B, N).transpose(1, 2, 0)
    Egt = E[:, B * N:].reshape(8, B, N).transpose(1, 0, 2)
    GtT = XT[B:]

    sums, psums = pl.pallas_call(
        _loss_kernel,
        grid=(B, nb),
        in_specs=[
            pl.BlockSpec((1, _RB, 3), lambda b, i: (b, i, 0)),
            pl.BlockSpec((1, 3, N), lambda b, i: (b, 0, 0)),
            pl.BlockSpec((1, _RB, 8), lambda b, i: (b, i, 0)),
            pl.BlockSpec((1, 8, N), lambda b, i: (b, 0, 0)),
        ],
        out_specs=[
            pl.BlockSpec((1, 16), lambda b, i: (0, 0)),
            pl.BlockSpec((1, 1, 16), lambda b, i: (b, 0, 0)),
        ],
        out_shape=[
            jax.ShapeDtypeStruct((1, 16), jnp.float32),
            jax.ShapeDtypeStruct((B, 1, 16), jnp.float32),
        ],
    )(pred_points, GtT, Epred, Egt)

    bn = jnp.float32(B * N)
    nl = 1.0 - sums[0, 0] / bn
    sl = sums[0, 1] / bn
    cl = sums[0, 2] / bn

    psums = psums[:, 0, :]
    c1, sy1, syy1 = psums[:, 0], psums[:, 1], psums[:, 2]
    c2, sz2, szz2 = psums[:, 3], psums[:, 4], psums[:, 5]
    c3, sy3, syy3 = psums[:, 6], psums[:, 7], psums[:, 8]
    lc, bc = psums[:, 9], psums[:, 10]
    v1 = _masked_var(c1, sy1, syy1)
    v2 = _masked_var(c2, sz2, szz2)
    v8 = _masked_var(c3, sy3, syy3)
    branch2 = jnp.where(c1 > 0, v1, 0.0) * 10.0 + jnp.where(
        c2 > 0, jnp.maximum(0.05 - v2, 0.0) * 5.0, 0.0)
    branch8 = jnp.where(c3 > 0, v8, 0.0) * 10.0 + jnp.where(lc < 10.0, 0.1, 0.0)
    cond7 = jnp.logical_or(bc < 10.0, bc / jnp.float32(N) < 0.1)
    branch7 = jnp.where(c1 > 0, v1, 0.0) * 5.0 + jnp.where(cond7, 0.1, 0.0)
    cats = category_ids
    contrib = jnp.where(cats == 2, branch2,
                        jnp.where(cats == 8, branch8,
                                  jnp.where(cats == 7, branch7, 0.0)))
    ploss = jnp.sum(contrib) / jnp.float32(B)

    return nl + sl + cl + ploss

# --- scband reference (transcript-rebuilt; emitter-appended) ---
"""Pipeline reference for scband-shape-consistency-regularizer-25074019074119 (READ-ONLY COPY).

The authoritative reference and input builder live on the scoring server;
editing this copy changes nothing except your own understanding.
"""

import jax, jax.numpy as jnp
import numpy as np

K = 20

def cdist(x, y):
    x2 = jnp.sum(x * x, axis=-1)[..., :, None]
    y2 = jnp.sum(y * y, axis=-1)[..., None, :]
    d2 = x2 + y2 - 2.0 * jnp.matmul(x, jnp.swapaxes(y, -1, -2))
    d2 = jnp.maximum(d2, 0.0)
    safe = jnp.where(d2 > 0.0, d2, 1.0)
    return jnp.where(d2 > 0.0, jnp.sqrt(safe), 0.0)

def knn_idx(dist, k):
    return jnp.argsort(dist, axis=-1)[..., 1:k + 1]

def gather_points(arr, idx):
    return jax.vmap(lambda a, i: a[i])(arr, idx)

def local_cov_eig(points, k):
    dist = cdist(points, points)
    idx = knn_idx(dist, k)
    neighbors = gather_points(points, idx)
    centered = neighbors - jnp.mean(neighbors, axis=2, keepdims=True)
    cov = jnp.einsum('bnki,bnkj->bnij', centered, centered)
    return jnp.linalg.eigh(cov)

def estimate_normals(points, k=K):
    _, eigvecs = local_cov_eig(points, k)
    normals = eigvecs[..., :, 0]
    n = jnp.linalg.norm(normals, axis=-1, keepdims=True)
    return normals / jnp.maximum(n, 1e-12)

def estimate_curvature(points, k=K):
    eigvals, _ = local_cov_eig(points, k)
    return eigvals[..., 0] / (jnp.sum(eigvals, axis=-1) + 1e-8)

def normal_consistency_loss(pred, gt):
    pn = estimate_normals(pred)
    gn = estimate_normals(gt)
    d = cdist(pred, gt)
    mi = jnp.argmin(d, axis=-1)
    corr = gather_points(gn, mi)
    dot = jnp.sum(pn * corr, axis=-1)
    return jnp.mean(1.0 - jnp.mean(jnp.abs(dot), axis=1))

def local_structure_loss(pred, gt, k=K):
    pd = cdist(pred, pred)
    gd = cdist(gt, gt)
    pnn = knn_idx(pd, k)
    gnn = knn_idx(gd, k)
    pnd = jnp.take_along_axis(pd, pnn, axis=-1)
    gnd = jnp.take_along_axis(gd, gnn, axis=-1)
    pm = jnp.mean(pnd, axis=-1)
    gm = jnp.mean(gnd, axis=-1)
    d = cdist(pred, gt)
    mi = jnp.argmin(d, axis=-1)
    corr = jnp.take_along_axis(gm, mi, axis=-1)
    sl = jnp.abs(pm - corr) / (corr + 1e-8)
    return jnp.mean(jnp.mean(sl, axis=1))

def curvature_consistency(pred, gt, k=K):
    pc = estimate_curvature(pred, k)
    gc = estimate_curvature(gt, k)
    d = cdist(pred, gt)
    mi = jnp.argmin(d, axis=-1)
    corr = jnp.take_along_axis(gc, mi, axis=-1)
    return jnp.mean(jnp.mean(jnp.abs(pc - corr), axis=1))

def masked_var(vals, mask):
    m = mask.astype(vals.dtype)
    c = jnp.sum(m)
    mean = jnp.sum(vals * m) / jnp.maximum(c, 1.0)
    var = jnp.sum(m * (vals - mean) ** 2) / jnp.maximum(c - 1.0, 1.0)
    return var, c

def shape_prior_loss(points, cats):
    B = points.shape[0]
    N = points.shape[1]
    loss = jnp.asarray(0.0, dtype=points.dtype)
    for b in range(B):
        cat = cats[b]
        y = points[b, :, 1]
        z = points[b, :, 2]
        v, c = masked_var(y, (y > -0.1) & (y < 0.1))
        branch2 = jnp.where(c > 0, v, 0.0) * 10.0
        v2, c2 = masked_var(z, z > 0.3)
        branch2 = branch2 + jnp.where(c2 > 0, jnp.maximum(0.05 - v2, 0.0) * 5.0, 0.0)
        v8, c8 = masked_var(y, y > 0.2)
        branch8 = jnp.where(c8 > 0, v8, 0.0) * 10.0
        lc = jnp.sum((y < -0.2).astype(points.dtype))
        branch8 = branch8 + jnp.where(lc < 10.0, 0.1, 0.0)
        v7, c7 = masked_var(y, (y > -0.1) & (y < 0.1))
        branch7 = jnp.where(c7 > 0, v7, 0.0) * 5.0
        bc = jnp.sum(((z > 0.3) & (y > 0.0)).astype(points.dtype))
        cond = (bc < 10.0) | (bc / float(N) < 0.1)
        branch7 = branch7 + jnp.where(cond, 0.1, 0.0)
        contrib = jnp.where(cat == 2, branch2,
                            jnp.where(cat == 8, branch8,
                                      jnp.where(cat == 7, branch7, 0.0)))
        loss = loss + contrib
    return loss / float(B)

def setup_inputs(seed: int = 0):
    key = jax.random.key(seed)
    k1, k2, k3 = jax.random.split(key, 3)
    B, N = 4, 2048
    pred_points = jax.random.normal(k1, (B, N, 3), dtype=jnp.float32)
    gt_points = jax.random.normal(k2, (B, N, 3), dtype=jnp.float32)
    category_ids = jax.random.randint(k3, (B,), 0, 10, dtype=jnp.int32)
    return {"pred_points": pred_points, "gt_points": gt_points, "category_ids": category_ids}

def reference(pred_points, gt_points, category_ids):
    cats = category_ids
    nl = normal_consistency_loss(pred_points, gt_points)
    sl = local_structure_loss(pred_points, gt_points)
    pl = shape_prior_loss(pred_points, cats)
    cl = curvature_consistency(pred_points, gt_points)
    return nl + sl + pl + cl

if __name__ == "__main__":
    import jax
    _d = setup_inputs()
    print(jax.jit(kernel)(*tuple(_d.values())))

</pallas_src>

<mosaic_0001>
#map = affine_map<(d0, d1) -> (0, 0)>
#map1 = affine_map<(d0, d1) -> (0, 0, 0)>
module attributes {stable_mosaic.version = 14 : i64} {
  func.func @_moments_sc_kernel(%arg0: i32, %arg1: i32, %arg2: memref<8x18432xf32, #tpu.memory_space<hbm>>, %arg3: memref<32x20x512xi32, #tpu.memory_space<hbm>>, %arg4: memref<32x9x512xf32, #tpu.memory_space<hbm>>, %arg5: memref<18432xf32, #tpu.memory_space<vmem>>, %arg6: memref<20x512xi32, #tpu.memory_space<vmem>>, %arg7: memref<9x512xf32, #tpu.memory_space<vmem>>) attributes {dimension_semantics = [#tpu.dimension_semantics<core_parallel>, #tpu.dimension_semantics<subcore_parallel>], iteration_bounds = array<i64: 2, 16>, scalar_prefetch = 0 : i64, scratch_operands = 3 : i64, tpu.core_type = #tpu.core_type<sc_vector_subcore>, window_params = [{transform_indices = #map}, {transform_indices = #map1}, {transform_indices = #map1}]} {
    %mul3A = arith.constant 2 : i32
    %mul3A_0 = arith.muli %arg1, %mul3A : i32
    %add3A = arith.addi %mul3A_0, %arg0 : i32
    %jit3A = arith.constant 4 : i32
    %div3A = arith.divsi %add3A, %jit3A : i32
    %sign3A = arith.constant 0 : i32
    %sign3A_1 = arith.cmpi sgt, %add3A, %sign3A : i32
    %sign3A_2 = arith.extui %sign3A_1 : i1 to i32
    %sign3A_3 = arith.constant 0 : i32
    %sign3A_4 = arith.cmpi slt, %add3A, %sign3A_3 : i32
    %sign3A_5 = arith.extui %sign3A_4 : i1 to i32
    %sign3A_6 = arith.subi %sign3A_2, %sign3A_5 : i32
    %sign3A_7 = arith.constant 0 : i32
    %sign3A_8 = arith.cmpi sgt, %jit3A, %sign3A_7 : i32
    %sign3A_9 = arith.extui %sign3A_8 : i1 to i32
    %sign3A_10 = arith.constant 0 : i32
    %sign3A_11 = arith.cmpi slt, %jit3A, %sign3A_10 : i32
    %sign3A_12 = arith.extui %sign3A_11 : i1 to i32
    %sign3A_13 = arith.subi %sign3A_9, %sign3A_12 : i32
    %ne3A = arith.cmpi ne, %sign3A_6, %sign3A_13 : i32
    %rem3A = arith.remsi %add3A, %jit3A : i32
    %ne3A_14 = arith.constant 0 : i32
    %ne3A_15 = arith.cmpi ne, %rem3A, %ne3A_14 : i32
    %and3A = arith.andi %ne3A, %ne3A_15 : i1
    %sub3A = arith.constant 1 : i32
    %sub3A_16 = arith.subi %div3A, %sub3A : i32
    %select_n3A = arith.select %and3A, %sub3A_16, %div3A : i32
    "tpu.region"() ({
      %run_scoped3A = tpu.sem_alloc : memref<!tpu.dma_semaphore, #tpu.memory_space<semaphore_mem>>
      %dma_start3A = arith.constant 0 : i32
      %dma_start3A_22 = tpu.memref_slice %arg2[%select_n3A, %dma_start3A] : memref<8x18432xf32, #tpu.memory_space<hbm>> -> memref<1x18432xf32, #tpu.memory_space<hbm>>
      %dma_start3A_23 = tpu.memref_squeeze %dma_start3A_22 : memref<1x18432xf32, #tpu.memory_space<hbm>> -> memref<18432xf32, #tpu.memory_space<hbm>>
      %dma_start3A_24 = arith.constant 0 : i32
      %dma_start3A_25 = tpu.memref_slice %arg2[%select_n3A, %dma_start3A_24] : memref<8x18432xf32, #tpu.memory_space<hbm>> -> memref<1x18432xf32, #tpu.memory_space<hbm>>
      %dma_start3A_26 = tpu.memref_squeeze %dma_start3A_25 : memref<1x18432xf32, #tpu.memory_space<hbm>> -> memref<18432xf32, #tpu.memory_space<hbm>>
      tpu.enqueue_dma source(%dma_start3A_26 : memref<18432xf32, #tpu.memory_space<hbm>>) target(%arg5 : memref<18432xf32, #tpu.memory_space<vmem>>) target_semaphore(%run_scoped3A : memref<!tpu.dma_semaphore, #tpu.memory_space<semaphore_mem>>)
      %dma_wait3A = arith.constant 0 : i32
      %dma_wait3A_27 = tpu.memref_slice %arg2[%select_n3A, %dma_wait3A] : memref<8x18432xf32, #tpu.memory_space<hbm>> -> memref<1x18432xf32, #tpu.memory_space<hbm>>
      %dma_wait3A_28 = tpu.memref_squeeze %dma_wait3A_27 : memref<1x18432xf32, #tpu.memory_space<hbm>> -> memref<18432xf32, #tpu.memory_space<hbm>>
      %dma_wait3A_29 = arith.constant 0 : i32
      %dma_wait3A_30 = tpu.memref_slice %arg2[%select_n3A, %dma_wait3A_29] : memref<8x18432xf32, #tpu.memory_space<hbm>> -> memref<1x18432xf32, #tpu.memory_space<hbm>>
      %dma_wait3A_31 = tpu.memref_squeeze %dma_wait3A_30 : memref<1x18432xf32, #tpu.memory_space<hbm>> -> memref<18432xf32, #tpu.memory_space<hbm>>
      tpu.wait_dma2 semaphore(%run_scoped3A : memref<!tpu.dma_semaphore, #tpu.memory_space<semaphore_mem>>) src(%dma_wait3A_31 : memref<18432xf32, #tpu.memory_space<hbm>>) dst(%arg5 : memref<18432xf32, #tpu.memory_space<vmem>>)
      tpu.yield
    }) : () -> ()
    "tpu.region"() ({
      %run_scoped3A = tpu.sem_alloc : memref<!tpu.dma_semaphore, #tpu.memory_space<semaphore_mem>>
      %dma_start3A = arith.constant 0 : i32
      %dma_start3A_22 = arith.constant 0 : i32
      %dma_start3A_23 = tpu.memref_slice %arg3[%add3A, %dma_start3A, %dma_start3A_22] : memref<32x20x512xi32, #tpu.memory_space<hbm>> -> memref<1x20x512xi32, #tpu.memory_space<hbm>>
      %dma_start3A_24 = tpu.memref_squeeze %dma_start3A_23 : memref<1x20x512xi32, #tpu.memory_space<hbm>> -> memref<20x512xi32, #tpu.memory_space<hbm>>
      %dma_start3A_25 = arith.constant 0 : i32
      %dma_start3A_26 = arith.constant 0 : i32
      %dma_start3A_27 = tpu.memref_slice %arg3[%add3A, %dma_start3A_25, %dma_start3A_26] : memref<32x20x512xi32, #tpu.memory_space<hbm>> -> memref<1x20x512xi32, #tpu.memory_space<hbm>>
      %dma_start3A_28 = tpu.memref_squeeze %dma_start3A_27 : memref<1x20x512xi32, #tpu.memory_space<hbm>> -> memref<20x512xi32, #tpu.memory_space<hbm>>
      tpu.enqueue_dma source(%dma_start3A_28 : memref<20x512xi32, #tpu.memory_space<hbm>>) target(%arg6 : memref<20x512xi32, #tpu.memory_space<vmem>>) target_semaphore(%run_scoped3A : memref<!tpu.dma_semaphore, #tpu.memory_space<semaphore_mem>>)
      %dma_wait3A = arith.constant 0 : i32
      %dma_wait3A_29 = arith.constant 0 : i32
      %dma_wait3A_30 = tpu.memref_slice %arg3[%add3A, %dma_wait3A, %dma_wait3A_29] : memref<32x20x512xi32, #tpu.memory_space<hbm>> -> memref<1x20x512xi32, #tpu.memory_space<hbm>>
      %dma_wait3A_31 = tpu.memref_squeeze %dma_wait3A_30 : memref<1x20x512xi32, #tpu.memory_space<hbm>> -> memref<20x512xi32, #tpu.memory_space<hbm>>
      %dma_wait3A_32 = arith.constant 0 : i32
      %dma_wait3A_33 = arith.constant 0 : i32
      %dma_wait3A_34 = tpu.memref_slice %arg3[%add3A, %dma_wait3A_32, %dma_wait3A_33] : memref<32x20x512xi32, #tpu.memory_space<hbm>> -> memref<1x20x512xi32, #tpu.memory_space<hbm>>
      %dma_wait3A_35 = tpu.memref_squeeze %dma_wait3A_34 : memref<1x20x512xi32, #tpu.memory_space<hbm>> -> memref<20x512xi32, #tpu.memory_space<hbm>>
      tpu.wait_dma2 semaphore(%run_scoped3A : memref<!tpu.dma_semaphore, #tpu.memory_space<semaphore_mem>>) src(%dma_wait3A_35 : memref<20x512xi32, #tpu.memory_space<hbm>>) dst(%arg6 : memref<20x512xi32, #tpu.memory_space<vmem>>)
      tpu.yield
    }) : () -> ()
    %scan3A = arith.constant 0 : i32
    %scan3A_17 = arith.constant 0 : i32
    %scan3A_18 = arith.constant 32 : i32
    %scan3A_19 = arith.addi %scan3A_17, %scan3A_18 : i32
    %scan3A_20 = arith.constant 1 : i32
    scf.for %scan3A_22 = %scan3A_17 to %scan3A_19 step %scan3A_20  : i32 {
      %mul3A_23 = arith.constant 16 : i32
      %mul3A_24 = arith.muli %scan3A_22, %mul3A_23 : i32
      %multiple_of3A = tpu.assume_multiple %mul3A_24, 16 : i32
      %broadcast_in_dim3A = arith.constant 0.000000e+00 : f32
      %broadcast_in_dim3A_25 = vector.broadcast %broadcast_in_dim3A : f32 to vector<16xf32>
      %broadcast_in_dim3A_26 = arith.constant 0.000000e+00 : f32
      %broadcast_in_dim3A_27 = vector.broadcast %broadcast_in_dim3A_26 : f32 to vector<16xf32>
      %broadcast_in_dim3A_28 = arith.constant 0.000000e+00 : f32
      %broadcast_in_dim3A_29 = vector.broadcast %broadcast_in_dim3A_28 : f32 to vector<16xf32>
      %broadcast_in_dim3A_30 = arith.constant 0.000000e+00 : f32
      %broadcast_in_dim3A_31 = vector.broadcast %broadcast_in_dim3A_30 : f32 to vector<16xf32>
      %broadcast_in_dim3A_32 = arith.constant 0.000000e+00 : f32
      %broadcast_in_dim3A_33 = vector.broadcast %broadcast_in_dim3A_32 : f32 to vector<16xf32>
      %broadcast_in_dim3A_34 = arith.constant 0.000000e+00 : f32
      %broadcast_in_dim3A_35 = vector.broadcast %broadcast_in_dim3A_34 : f32 to vector<16xf32>
      %broadcast_in_dim3A_36 = arith.constant 0.000000e+00 : f32
      %broadcast_in_dim3A_37 = vector.broadcast %broadcast_in_dim3A_36 : f32 to vector<16xf32>
      %broadcast_in_dim3A_38 = arith.constant 0.000000e+00 : f32
      %broadcast_in_dim3A_39 = vector.broadcast %broadcast_in_dim3A_38 : f32 to vector<16xf32>
      %broadcast_in_dim3A_40 = arith.constant 0.000000e+00 : f32
      %broadcast_in_dim3A_41 = vector.broadcast %broadcast_in_dim3A_40 : f32 to vector<16xf32>
      %get3A = arith.constant 0 : i32
      %get3A_42 = arith.index_cast %get3A : i32 to index
      %get3A_43 = arith.index_cast %multiple_of3A : i32 to index
      %get3A_44 = tpu.vector_load %arg6[%get3A_42, %get3A_43] {strides = array<i32>} : memref<20x512xi32, #tpu.memory_space<vmem>>, vector<16xi32>,
      %add3A_45 = arith.constant 0 : i32
      %add3A_46 = vector.broadcast %add3A_45 : i32 to vector<16xi32>
      %add3A_47 = arith.addi %get3A_44, %add3A_46 : vector<16xi32>
      %gather3A = tpu.vector_load_idx %arg5[%add3A_47] : memref<18432xf32, #tpu.memory_space<vmem>>[vector<16xi32>], vector<16xf32>,
      %add3A_48 = arith.addf %broadcast_in_dim3A_25, %gather3A : vector<16xf32>
      %add3A_49 = arith.constant 2048 : i32
      %add3A_50 = vector.broadcast %add3A_49 : i32 to vector<16xi32>
      %add3A_51 = arith.addi %get3A_44, %add3A_50 : vector<16xi32>
      %gather3A_52 = tpu.vector_load_idx %arg5[%add3A_51] : memref<18432xf32, #tpu.memory_space<vmem>>[vector<16xi32>], vector<16xf32>,
      %add3A_53 = arith.addf %broadcast_in_dim3A_27, %gather3A_52 : vector<16xf32>
      %add3A_54 = arith.constant 4096 : i32
      %add3A_55 = vector.broadcast %add3A_54 : i32 to vector<16xi32>
      %add3A_56 = arith.addi %get3A_44, %add3A_55 : vector<16xi32>
      %gather3A_57 = tpu.vector_load_idx %arg5[%add3A_56] : memref<18432xf32, #tpu.memory_space<vmem>>[vector<16xi32>], vector<16xf32>,
      %add3A_58 = arith.addf %broadcast_in_dim3A_29, %gather3A_57 : vector<16xf32>
      %add3A_59 = arith.constant 6144 : i32
      %add3A_60 = vector.broadcast %add3A_59 : i32 to vector<16xi32>
      %add3A_61 = arith.addi %get3A_44, %add3A_60 : vector<16xi32>
      %gather3A_62 = tpu.vector_load_idx %arg5[%add3A_61] : memref<18432xf32, #tpu.memory_space<vmem>>[vector<16xi32>], vector<16xf32>,
      %add3A_63 = arith.addf %broadcast_in_dim3A_31, %gather3A_62 : vector<16xf32>
      %add3A_64 = arith.constant 8192 : i32
      %add3A_65 = vector.broadcast %add3A_64 : i32 to vector<16xi32>
      %add3A_66 = arith.addi %get3A_44, %add3A_65 : vector<16xi32>
      %gather3A_67 = tpu.vector_load_idx %arg5[%add3A_66] : memref<18432xf32, #tpu.memory_space<vmem>>[vector<16xi32>], vector<16xf32>,
      %add3A_68 = arith.addf %broadcast_in_dim3A_33, %gather3A_67 : vector<16xf32>
      %add3A_69 = arith.constant 10240 : i32
      %add3A_70 = vector.broadcast %add3A_69 : i32 to vector<16xi32>
      %add3A_71 = arith.addi %get3A_44, %add3A_70 : vector<16xi32>
      %gather3A_72 = tpu.vector_load_idx %arg5[%add3A_71] : memref<18432xf32, #tpu.memory_space<vmem>>[vector<16xi32>], vector<16xf32>,
      %add3A_73 = arith.addf %broadcast_in_dim3A_35, %gather3A_72 : vector<16xf32>
      %add3A_74 = arith.constant 12288 : i32
      %add3A_75 = vector.broadcast %add3A_74 : i32 to vector<16xi32>
      %add3A_76 = arith.addi %get3A_44, %add3A_75 : vector<16xi32>
      %gather3A_77 = tpu.vector_load_idx %arg5[%add3A_76] : memref<18432xf32, #tpu.memory_space<vmem>>[vector<16xi32>], vector<16xf32>,
      %add3A_78 = arith.addf %broadcast_in_dim3A_37, %gather3A_77 : vector<16xf32>
      %add3A_79 = arith.constant 14336 : i32
      %add3A_80 = vector.broadcast %add3A_79 : i32 to vector<16xi32>
      %add3A_81 = arith.addi %get3A_44, %add3A_80 : vector<16xi32>
      %gather3A_82 = tpu.vector_load_idx %arg5[%add3A_81] : memref<18432xf32, #tpu.memory_space<vmem>>[vector<16xi32>], vector<16xf32>,
      %add3A_83 = arith.addf %broadcast_in_dim3A_39, %gather3A_82 : vector<16xf32>
      %add3A_84 = arith.constant 16384 : i32
      %add3A_85 = vector.broadcast %add3A_84 : i32 to vector<16xi32>
      %add3A_86 = arith.addi %get3A_44, %add3A_85 : vector<16xi32>
      %gather3A_87 = tpu.vector_load_idx %arg5[%add3A_86] : memref<18432xf32, #tpu.memory_space<vmem>>[vector<16xi32>], vector<16xf32>,
      %add3A_88 = arith.addf %broadcast_in_dim3A_41, %gather3A_87 : vector<16xf32>
      %get3A_89 = arith.constant 1 : i32
      %get3A_90 = arith.index_cast %get3A_89 : i32 to index
      %get3A_91 = arith.index_cast %multiple_of3A : i32 to index
      %get3A_92 = tpu.vector_load %arg6[%get3A_90, %get3A_91] {strides = array<i32>} : memref<20x512xi32, #tpu.memory_space<vmem>>, vector<16xi32>,
      %add3A_93 = arith.constant 0 : i32
      %add3A_94 = vector.broadcast %add3A_93 : i32 to vector<16xi32>
      %add3A_95 = arith.addi %get3A_92, %add3A_94 : vector<16xi32>
      %gather3A_96 = tpu.vector_load_idx %arg5[%add3A_95] : memref<18432xf32, #tpu.memory_space<vmem>>[vector<16xi32>], vector<16xf32>,
      %add3A_97 = arith.addf %add3A_48, %gather3A_96 : vector<16xf32>
      %add3A_98 = arith.constant 2048 : i32
      %add3A_99 = vector.broadcast %add3A_98 : i32 to vector<16xi32>
      %add3A_100 = arith.addi %get3A_92, %add3A_99 : vector<16xi32>
      %gather3A_101 = tpu.vector_load_idx %arg5[%add3A_100] : memref<18432xf32, #tpu.memory_space<vmem>>[vector<16xi32>], vector<16xf32>,
      %add3A_102 = arith.addf %add3A_53, %gather3A_101 : vector<16xf32>
      %add3A_103 = arith.constant 4096 : i32
      %add3A_104 = vector.broadcast %add3A_103 : i32 to vector<16xi32>
      %add3A_105 = arith.addi %get3A_92, %add3A_104 : vector<16xi32>
      %gather3A_106 = tpu.vector_load_idx %arg5[%add3A_105] : memref<18432xf32, #tpu.memory_space<vmem>>[vector<16xi32>], vector<16xf32>,
      %add3A_107 = arith.addf %add3A_58, %gather3A_106 : vector<16xf32>
      %add3A_108 = arith.constant 6144 : i32
      %add3A_109 = vector.broadcast %add3A_108 : i32 to vector<16xi32>
      %add3A_110 = arith.addi %get3A_92, %add3A_109 : vector<16xi32>
      %gather3A_111 = tpu.vector_load_idx %arg5[%add3A_110] : memref<18432xf32, #tpu.memory_space<vmem>>[vector<16xi32>], vector<16xf32>,
      %add3A_112 = arith.addf %add3A_63, %gather3A_111 : vector<16xf32>
      %add3A_113 = arith.constant 8192 : i32
      %add3A_114 = vector.broadcast %add3A_113 : i32 to vector<16xi32>
      %add3A_115 = arith.addi %get3A_92, %add3A_114 : vector<16xi32>
      %gather3A_116 = tpu.vector_load_idx %arg5[%add3A_115] : memref<18432xf32, #tpu.memory_space<vmem>>[vector<16xi32>], vector<16xf32>,
      %add3A_117 = arith.addf %add3A_68, %gather3A_116 : vector<16xf32>
      %add3A_118 = arith.constant 10240 : i32
      %add3A_119 = vector.broadcast %add3A_118 : i32 to vector<16xi32>
      %add3A_120 = arith.addi %get3A_92, %add3A_119 : vector<16xi32>
      %gather3A_121 = tpu.vector_load_idx %arg5[%add3A_120] : memref<18432xf32, #tpu.memory_space<vmem>>[vector<16xi32>], vector<16xf32>,
      %add3A_122 = arith.addf %add3A_73, %gather3A_121 : vector<16xf32>
      %add3A_123 = arith.constant 12288 : i32
      %add3A_124 = vector.broadcast %add3A_123 : i32 to vector<16xi32>
      %add3A_125 = arith.addi %get3A_92, %add3A_124 : vector<16xi32>
      %gather3A_126 = tpu.vector_load_idx %arg5[%add3A_125] : memref<18432xf32, #tpu.memory_space<vmem>>[vector<16xi32>], vector<16xf32>,
      %add3A_127 = arith.addf %add3A_78, %gather3A_126 : vector<16xf32>
      %add3A_128 = arith.constant 14336 : i32
      %add3A_129 = vector.broadcast %add3A_128 : i32 to vector<16xi32>
      %add3A_130 = arith.addi %get3A_92, %add3A_129 : vector<16xi32>
      %gather3A_131 = tpu.vector_load_idx %arg5[%add3A_130] : memref<18432xf32, #tpu.memory_space<vmem>>[vector<16xi32>], vector<16xf32>,
      %add3A_132 = arith.addf %add3A_83, %gather3A_131 : vector<16xf32>
      %add3A_133 = arith.constant 16384 : i32
      %add3A_134 = vector.broadcast %add3A_133 : i32 to vector<16xi32>
      %add3A_135 = arith.addi %get3A_92, %add3A_134 : vector<16xi32>
      %gather3A_136 = tpu.vector_load_idx %arg5[%add3A_135] : memref<18432xf32, #tpu.memory_space<vmem>>[vector<16xi32>], vector<16xf32>,
      %add3A_137 = arith.addf %add3A_88, %gather3A_136 : vector<16xf32>
      %get3A_138 = arith.constant 2 : i32
      %get3A_139 = arith.index_cast %get3A_138 : i32 to index
      %get3A_140 = arith.index_cast %multiple_of3A : i32 to index
      %get3A_141 = tpu.vector_load %arg6[%get3A_139, %get3A_140] {strides = array<i32>} : memref<20x512xi32, #tpu.memory_space<vmem>>, vector<16xi32>,
      %add3A_142 = arith.constant 0 : i32
      %add3A_143 = vector.broadcast %add3A_142 : i32 to vector<16xi32>
      %add3A_144 = arith.addi %get3A_141, %add3A_143 : vector<16xi32>
      %gather3A_145 = tpu.vector_load_idx %arg5[%add3A_144] : memref<18432xf32, #tpu.memory_space<vmem>>[vector<16xi32>], vector<16xf32>,
      %add3A_146 = arith.addf %add3A_97, %gather3A_145 : vector<16xf32>
      %add3A_147 = arith.constant 2048 : i32
      %add3A_148 = vector.broadcast %add3A_147 : i32 to vector<16xi32>
      %add3A_149 = arith.addi %get3A_141, %add3A_148 : vector<16xi32>
      %gather3A_150 = tpu.vector_load_idx %arg5[%add3A_149] : memref<18432xf32, #tpu.memory_space<vmem>>[vector<16xi32>], vector<16xf32>,
      %add3A_151 = arith.addf %add3A_102, %gather3A_150 : vector<16xf32>
      %add3A_152 = arith.constant 4096 : i32
      %add3A_153 = vector.broadcast %add3A_152 : i32 to vector<16xi32>
      %add3A_154 = arith.addi %get3A_141, %add3A_153 : vector<16xi32>
      %gather3A_155 = tpu.vector_load_idx %arg5[%add3A_154] : memref<18432xf32, #tpu.memory_space<vmem>>[vector<16xi32>], vector<16xf32>,
      %add3A_156 = arith.addf %add3A_107, %gather3A_155 : vector<16xf32>
      %add3A_157 = arith.constant 6144 : i32
      %add3A_158 = vector.broadcast %add3A_157 : i32 to vector<16xi32>
      %add3A_159 = arith.addi %get3A_141, %add3A_158 : vector<16xi32>
      %gather3A_160 = tpu.vector_load_idx %arg5[%add3A_159] : memref<18432xf32, #tpu.memory_space<vmem>>[vector<16xi32>], vector<16xf32>,
      %add3A_161 = arith.addf %add3A_112, %gather3A_160 : vector<16xf32>
      %add3A_162 = arith.constant 8192 : i32
      %add3A_163 = vector.broadcast %add3A_162 : i32 to vector<16xi32>
      %add3A_164 = arith.addi %get3A_141, %add3A_163 : vector<16xi32>
      %gather3A_165 = tpu.vector_load_idx %arg5[%add3A_164] : memref<18432xf32, #tpu.memory_space<vmem>>[vector<16xi32>], vector<16xf32>,
      %add3A_166 = arith.addf %add3A_117, %gather3A_165 : vector<16xf32>
      %add3A_167 = arith.constant 10240 : i32
      %add3A_168 = vector.broadcast %add3A_167 : i32 to vector<16xi32>
      %add3A_169 = arith.addi %get3A_141, %add3A_168 : vector<16xi32>
      %gather3A_170 = tpu.vector_load_idx %arg5[%add3A_169] : memref<18432xf32, #tpu.memory_space<vmem>>[vector<16xi32>], vector<16xf32>,
      %add3A_171 = arith.addf %add3A_122, %gather3A_170 : vector<16xf32>
      %add3A_172 = arith.constant 12288 : i32
      %add3A_173 = vector.broadcast %add3A_172 : i32 to vector<16xi32>
      %add3A_174 = arith.addi %get3A_141, %add3A_173 : vector<16xi32>
      %gather3A_175 = tpu.vector_load_idx %arg5[%add3A_174] : memref<18432xf32, #tpu.memory_space<vmem>>[vector<16xi32>], vector<16xf32>,
      %add3A_176 = arith.addf %add3A_127, %gather3A_175 : vector<16xf32>
      %add3A_177 = arith.constant 14336 : i32
      %add3A_178 = vector.broadcast %add3A_177 : i32 to vector<16xi32>
      %add3A_179 = arith.addi %get3A_141, %add3A_178 : vector<16xi32>
      %gather3A_180 = tpu.vector_load_idx %arg5[%add3A_179] : memref<18432xf32, #tpu.memory_space<vmem>>[vector<16xi32>], vector<16xf32>,
      %add3A_181 = arith.addf %add3A_132, %gather3A_180 : vector<16xf32>
      %add3A_182 = arith.constant 16384 : i32
      %add3A_183 = vector.broadcast %add3A_182 : i32 to vector<16xi32>
      %add3A_184 = arith.addi %get3A_141, %add3A_183 : vector<16xi32>
      %gather3A_185 = tpu.vector_load_idx %arg5[%add3A_184] : memref<18432xf32, #tpu.memory_space<vmem>>[vector<16xi32>], vector<16xf32>,
      %add3A_186 = arith.addf %add3A_137, %gather3A_185 : vector<16xf32>
      %get3A_187 = arith.constant 3 : i32
      %get3A_188 = arith.index_cast %get3A_187 : i32 to index
      %get3A_189 = arith.index_cast %multiple_of3A : i32 to index
      %get3A_190 = tpu.vector_load %arg6[%get3A_188, %get3A_189] {strides = array<i32>} : memref<20x512xi32, #tpu.memory_space<vmem>>, vector<16xi32>,
      %add3A_191 = arith.constant 0 : i32
      %add3A_192 = vector.broadcast %add3A_191 : i32 to vector<16xi32>
      %add3A_193 = arith.addi %get3A_190, %add3A_192 : vector<16xi32>
      %gather3A_194 = tpu.vector_load_idx %arg5[%add3A_193] : memref<18432xf32, #tpu.memory_space<vmem>>[vector<16xi32>], vector<16xf32>,
      %add3A_195 = arith.addf %add3A_146, %gather3A_194 : vector<16xf32>
      %add3A_196 = arith.constant 2048 : i32
      %add3A_197 = vector.broadcast %add3A_196 : i32 to vector<16xi32>
      %add3A_198 = arith.addi %get3A_190, %add3A_197 : vector<16xi32>
      %gather3A_199 = tpu.vector_load_idx %arg5[%add3A_198] : memref<18432xf32, #tpu.memory_space<vmem>>[vector<16xi32>], vector<16xf32>,
      %add3A_200 = arith.addf %add3A_151, %gather3A_199 : vector<16xf32>
      %add3A_201 = arith.constant 4096 : i32
      %add3A_202 = vector.broadcast %add3A_201 : i32 to vector<16xi32>
      %add3A_203 = arith.addi %get3A_190, %add3A_202 : vector<16xi32>
      %gather3A_204 = tpu.vector_load_idx %arg5[%add3A_203] : memref<18432xf32, #tpu.memory_space<vmem>>[vector<16xi32>], vector<16xf32>,
      %add3A_205 = arith.addf %add3A_156, %gather3A_204 : vector<16xf32>
      %add3A_206 = arith.constant 6144 : i32
      %add3A_207 = vector.broadcast %add3A_206 : i32 to vector<16xi32>
      %add3A_208 = arith.addi %get3A_190, %add3A_207 : vector<16xi32>
      %gather3A_209 = tpu.vector_load_idx %arg5[%add3A_208] : memref<18432xf32, #tpu.memory_space<vmem>>[vector<16xi32>], vector<16xf32>,
      %add3A_210 = arith.addf %add3A_161, %gather3A_209 : vector<16xf32>
      %add3A_211 = arith.constant 8192 : i32
      %add3A_212 = vector.broadcast %add3A_211 : i32 to vector<16xi32>
      %add3A_213 = arith.addi %get3A_190, %add3A_212 : vector<16xi32>
      %gather3A_214 = tpu.vector_load_idx %arg5[%add3A_213] : memref<18432xf32, #tpu.memory_space<vmem>>[vector<16xi32>], vector<16xf32>,
      %add3A_215 = arith.addf %add3A_166, %gather3A_214 : vector<16xf32>
      %add3A_216 = arith.constant 10240 : i32
      %add3A_217 = vector.broadcast %add3A_216 : i32 to vector<16xi32>
      %add3A_218 = arith.addi %get3A_190, %add3A_217 : vector<16xi32>
      %gather3A_219 = tpu.vector_load_idx %arg5[%add3A_218] : memref<18432xf32, #tpu.memory_space<vmem>>[vector<16xi32>], vector<16xf32>,
      %add3A_220 = arith.addf %add3A_171, %gather3A_219 : vector<16xf32>
      %add3A_221 = arith.constant 12288 : i32
      %add3A_222 = vector.broadcast %add3A_221 : i32 to vector<16xi32>
      %add3A_223 = arith.addi %get3A_190, %add3A_222 : vector<16xi32>
      %gather3A_224 = tpu.vector_load_idx %arg5[%add3A_223] : memref<18432xf32, #tpu.memory_space<vmem>>[vector<16xi32>], vector<16xf32>,
      %add3A_225 = arith.addf %add3A_176, %gather3A_224 : vector<16xf32>
      %add3A_226 = arith.constant 14336 : i32
      %add3A_227 = vector.broadcast %add3A_226 : i32 to vector<16xi32>
      %add3A_228 = arith.addi %get3A_190, %add3A_227 : vector<16xi32>
      %gather3A_229 = tpu.vector_load_idx %arg5[%add3A_228] : memref<18432xf32, #tpu.memory_space<vmem>>[vector<16xi32>], vector<16xf32>,
      %add3A_230 = arith.addf %add3A_181, %gather3A_229 : vector<16xf32>
      %add3A_231 = arith.constant 16384 : i32
      %add3A_232 = vector.broadcast %add3A_231 : i32 to vector<16xi32>
      %add3A_233 = arith.addi %get3A_190, %add3A_232 : vector<16xi32>
      %gather3A_234 = tpu.vector_load_idx %arg5[%add3A_233] : memref<18432xf32, #tpu.memory_space<vmem>>[vector<16xi32>], vector<16xf32>,
      %add3A_235 = arith.addf %add3A_186, %gather3A_234 : vector<16xf32>
      %get3A_236 = arith.constant 4 : i32
      %get3A_237 = arith.index_cast %get3A_236 : i32 to index
      %get3A_238 = arith.index_cast %multiple_of3A : i32 to index
      %get3A_239 = tpu.vector_load %arg6[%get3A_237, %get3A_238] {strides = array<i32>} : memref<20x512xi32, #tpu.memory_space<vmem>>, vector<16xi32>,
      %add3A_240 = arith.constant 0 : i32
      %add3A_241 = vector.broadcast %add3A_240 : i32 to vector<16xi32>
      %add3A_242 = arith.addi %get3A_239, %add3A_241 : vector<16xi32>
      %gather3A_243 = tpu.vector_load_idx %arg5[%add3A_242] : memref<18432xf32, #tpu.memory_space<vmem>>[vector<16xi32>], vector<16xf32>,
      %add3A_244 = arith.addf %add3A_195, %gather3A_243 : vector<16xf32>
      %add3A_245 = arith.constant 2048 : i32
      %add3A_246 = vector.broadcast %add3A_245 : i32 to vector<16xi32>
      %add3A_247 = arith.addi %get3A_239, %add3A_246 : vector<16xi32>
      %gather3A_248 = tpu.vector_load_idx %arg5[%add3A_247] : memref<18432xf32, #tpu.memory_space<vmem>>[vector<16xi32>], vector<16xf32>,
      %add3A_249 = arith.addf %add3A_200, %gather3A_248 : vector<16xf32>
      %add3A_250 = arith.constant 4096 : i32
      %add3A_251 = vector.broadcast %add3A_250 : i32 to vector<16xi32>
      %add3A_252 = arith.addi %get3A_239, %add3A_251 : vector<16xi32>
      %gather3A_253 = tpu.vector_load_idx %arg5[%add3A_252] : memref<18432xf32, #tpu.memory_space<vmem>>[vector<16xi32>], vector<16xf32>,
      %add3A_254 = arith.addf %add3A_205, %gather3A_253 : vector<16xf32>
      %add3A_255 = arith.constant 6144 : i32
      %add3A_256 = vector.broadcast %add3A_255 : i32 to vector<16xi32>
      %add3A_257 = arith.addi %get3A_239, %add3A_256 : vector<16xi32>
      %gather3A_258 = tpu.vector_load_idx %arg5[%add3A_257] : memref<18432xf32, #tpu.memory_space<vmem>>[vector<16xi32>], vector<16xf32>,
      %add3A_259 = arith.addf %add3A_210, %gather3A_258 : vector<16xf32>
      %add3A_260 = arith.constant 8192 : i32
      %add3A_261 = vector.broadcast %add3A_260 : i32 to vector<16xi32>
      %add3A_262 = arith.addi %get3A_239, %add3A_261 : vector<16xi32>
      %gather3A_263 = tpu.vector_load_idx %arg5[%add3A_262] : memref<18432xf32, #tpu.memory_space<vmem>>[vector<16xi32>], vector<16xf32>,
      %add3A_264 = arith.addf %add3A_215, %gather3A_263 : vector<16xf32>
      %add3A_265 = arith.constant 10240 : i32
      %add3A_266 = vector.broadcast %add3A_265 : i32 to vector<16xi32>
      %add3A_267 = arith.addi %get3A_239, %add3A_266 : vector<16xi32>
      %gather3A_268 = tpu.vector_load_idx %arg5[%add3A_267] : memref<18432xf32, #tpu.memory_space<vmem>>[vector<16xi32>], vector<16xf32>,
      %add3A_269 = arith.addf %add3A_220, %gather3A_268 : vector<16xf32>
      %add3A_270 = arith.constant 12288 : i32
      %add3A_271 = vector.broadcast %add3A_270 : i32 to vector<16xi32>
      %add3A_272 = arith.addi %get3A_239, %add3A_271 : vector<16xi32>
      %gather3A_273 = tpu.vector_load_idx %arg5[%add3A_272] : memref<18432xf32, #tpu.memory_space<vmem>>[vector<16xi32>], vector<16xf32>,
      %add3A_274 = arith.addf %add3A_225, %gather3A_273 : vector<16xf32>
      %add3A_275 = arith.constant 14336 : i32
      %add3A_276 = vector.broadcast %add3A_275 : i32 to vector<16xi32>
      %add3A_277 = arith.addi %get3A_239, %add3A_276 : vector<16xi32>
      %gather3A_278 = tpu.vector_load_idx %arg5[%add3A_277] : memref<18432xf32, #tpu.memory_space<vmem>>[vector<16xi32>], vector<16xf32>,
      %add3A_279 = arith.addf %add3A_230, %gather3A_278 : vector<16xf32>
      %add3A_280 = arith.constant 16384 : i32
      %add3A_281 = vector.broadcast %add3A_280 : i32 to vector<16xi32>
      %add3A_282 = arith.addi %get3A_239, %add3A_281 : vector<16xi32>
      %gather3A_283 = tpu.vector_load_idx %arg5[%add3A_282] : memref<18432xf32, #tpu.memory_space<vmem>>[vector<16xi32>], vector<16xf32>,
      %add3A_284 = arith.addf %add3A_235, %gather3A_283 : vector<16xf32>
      %get3A_285 = arith.constant 5 : i32
      %get3A_286 = arith.index_cast %get3A_285 : i32 to index
      %get3A_287 = arith.index_cast %multiple_of3A : i32 to index
      %get3A_288 = tpu.vector_load %arg6[%get3A_286, %get3A_287] {strides = array<i32>} : memref<20x512xi32, #tpu.memory_space<vmem>>, vector<16xi32>,
      %add3A_289 = arith.constant 0 : i32
      %add3A_290 = vector.broadcast %add3A_289 : i32 to vector<16xi32>
      %add3A_291 = arith.addi %get3A_288, %add3A_290 : vector<16xi32>
      %gather3A_292 = tpu.vector_load_idx %arg5[%add3A_291] : memref<18432xf32, #tpu.memory_space<vmem>>[vector<16xi32>], vector<16xf32>,
      %add3A_293 = arith.addf %add3A_244, %gather3A_292 : vector<16xf32>
      %add3A_294 = arith.constant 2048 : i32
      %add3A_295 = vector.broadcast %add3A_294 : i32 to vector<16xi32>
      %add3A_296 = arith.addi %get3A_288, %add3A_295 : vector<16xi32>
      %gather3A_297 = tpu.vector_load_idx %arg5[%add3A_296] : memref<18432xf32, #tpu.memory_space<vmem>>[vector<16xi32>], vector<16xf32>,
      %add3A_298 = arith.addf %add3A_249, %gather3A_297 : vector<16xf32>
      %add3A_299 = arith.constant 4096 : i32
      %add3A_300 = vector.broadcast %add3A_299 : i32 to vector<16xi32>
      %add3A_301 = arith.addi %get3A_288, %add3A_300 : vector<16xi32>
      %gather3A_302 = tpu.vector_load_idx %arg5[%add3A_301] : memref<18432xf32, #tpu.memory_space<vmem>>[vector<16xi32>], vector<16xf32>,
      %add3A_303 = arith.addf %add3A_254, %gather3A_302 : vector<16xf32>
      %add3A_304 = arith.constant 6144 : i32
      %add3A_305 = vector.broadcast %add3A_304 : i32 to vector<16xi32>
      %add3A_306 = arith.addi %get3A_288, %add3A_305 : vector<16xi32>
      %gather3A_307 = tpu.vector_load_idx %arg5[%add3A_306] : memref<18432xf32, #tpu.memory_space<vmem>>[vector<16xi32>], vector<16xf32>,
      %add3A_308 = arith.addf %add3A_259, %gather3A_307 : vector<16xf32>
      %add3A_309 = arith.constant 8192 : i32
      %add3A_310 = vector.broadcast %add3A_309 : i32 to vector<16xi32>
      %add3A_311 = arith.addi %get3A_288, %add3A_310 : vector<16xi32>
      %gather3A_312 = tpu.vector_load_idx %arg5[%add3A_311] : memref<18432xf32, #tpu.memory_space<vmem>>[vector<16xi32>], vector<16xf32>,
      %add3A_313 = arith.addf %add3A_264, %gather3A_312 : vector<16xf32>
      %add3A_314 = arith.constant 10240 : i32
      %add3A_315 = vector.broadcast %add3A_314 : i32 to vector<16xi32>
      %add3A_316 = arith.addi %get3A_288, %add3A_315 : vector<16xi32>
      %gather3A_317 = tpu.vector_load_idx %arg5[%add3A_316] : memref<18432xf32, #tpu.memory_space<vmem>>[vector<16xi32>], vector<16xf32>,
      %add3A_318 = arith.addf %add3A_269, %gather3A_317 : vector<16xf32>
      %add3A_319 = arith.constant 12288 : i32
      %add3A_320 = vector.broadcast %add3A_319 : i32 to vector<16xi32>
      %add3A_321 = arith.addi %get3A_288, %add3A_320 : vector<16xi32>
      %gather3A_322 = tpu.vector_load_idx %arg5[%add3A_321] : memref<18432xf32, #tpu.memory_space<vmem>>[vector<16xi32>], vector<16xf32>,
      %add3A_323 = arith.addf %add3A_274, %gather3A_322 : vector<16xf32>
      %add3A_324 = arith.constant 14336 : i32
      %add3A_325 = vector.broadcast %add3A_324 : i32 to vector<16xi32>
      %add3A_326 = arith.addi %get3A_288, %add3A_325 : vector<16xi32>
      %gather3A_327 = tpu.vector_load_idx %arg5[%add3A_326] : memref<18432xf32, #tpu.memory_space<vmem>>[vector<16xi32>], vector<16xf32>,
      %add3A_328 = arith.addf %add3A_279, %gather3A_327 : vector<16xf32>
      %add3A_329 = arith.constant 16384 : i32
      %add3A_330 = vector.broadcast %add3A_329 : i32 to vector<16xi32>
      %add3A_331 = arith.addi %get3A_288, %add3A_330 : vector<16xi32>
      %gather3A_332 = tpu.vector_load_idx %arg5[%add3A_331] : memref<18432xf32, #tpu.memory_space<vmem>>[vector<16xi32>], vector<16xf32>,
      %add3A_333 = arith.addf %add3A_284, %gather3A_332 : vector<16xf32>
      %get3A_334 = arith.constant 6 : i32
      %get3A_335 = arith.index_cast %get3A_334 : i32 to index
      %get3A_336 = arith.index_cast %multiple_of3A : i32 to index
      %get3A_337 = tpu.vector_load %arg6[%get3A_335, %get3A_336] {strides = array<i32>} : memref<20x512xi32, #tpu.memory_space<vmem>>, vector<16xi32>,
      %add3A_338 = arith.constant 0 : i32
      %add3A_339 = vector.broadcast %add3A_338 : i32 to vector<16xi32>
      %add3A_340 = arith.addi %get3A_337, %add3A_339 : vector<16xi32>
      %gather3A_341 = tpu.vector_load_idx %arg5[%add3A_340] : memref<18432xf32, #tpu.memory_space<vmem>>[vector<16xi32>], vector<16xf32>,
      %add3A_342 = arith.addf %add3A_293, %gather3A_341 : vector<16xf32>
      %add3A_343 = arith.constant 2048 : i32
      %add3A_344 = vector.broadcast %add3A_343 : i32 to vector<16xi32>
      %add3A_345 = arith.addi %get3A_337, %add3A_344 : vector<16xi32>
      %gather3A_346 = tpu.vector_load_idx %arg5[%add3A_345] : memref<18432xf32, #tpu.memory_space<vmem>>[vector<16xi32>], vector<16xf32>,
      %add3A_347 = arith.addf %add3A_298, %gather3A_346 : vector<16xf32>
      %add3A_348 = arith.constant 4096 : i32
      %add3A_349 = vector.broadcast %add3A_348 : i32 to vector<16xi32>
      %add3A_350 = arith.addi %get3A_337, %add3A_349 : vector<16xi32>
      %gather3A_351 = tpu.vector_load_idx %arg5[%add3A_350] : memref<18432xf32, #tpu.memory_space<vmem>>[vector<16xi32>], vector<16xf32>,
      %add3A_352 = arith.addf %add3A_303, %gather3A_351 : vector<16xf32>
      %add3A_353 = arith.constant 6144 : i32
      %add3A_354 = vector.broadcast %add3A_353 : i32 to vector<16xi32>
      %add3A_355 = arith.addi %get3A_337, %add3A_354 : vector<16xi32>
      %gather3A_356 = tpu.vector_load_idx %arg5[%add3A_355] : memref<18432xf32, #tpu.memory_space<vmem>>[vector<16xi32>], vector<16xf32>,
      %add3A_357 = arith.addf %add3A_308, %gather3A_356 : vector<16xf32>
      %add3A_358 = arith.constant 8192 : i32
      %add3A_359 = vector.broadcast %add3A_358 : i32 to vector<16xi32>
      %add3A_360 = arith.addi %get3A_337, %add3A_359 : vector<16xi32>
      %gather3A_361 = tpu.vector_load_idx %arg5[%add3A_360] : memref<18432xf32, #tpu.memory_space<vmem>>[vector<16xi32>], vector<16xf32>,
      %add3A_362 = arith.addf %add3A_313, %gather3A_361 : vector<16xf32>
      %add3A_363 = arith.constant 10240 : i32
      %add3A_364 = vector.broadcast %add3A_363 : i32 to vector<16xi32>
      %add3A_365 = arith.addi %get3A_337, %add3A_364 : vector<16xi32>
      %gather3A_366 = tpu.vector_load_idx %arg5[%add3A_365] : memref<18432xf32, #tpu.memory_space<vmem>>[vector<16xi32>], vector<16xf32>,
      %add3A_367 = arith.addf %add3A_318, %gather3A_366 : vector<16xf32>
      %add3A_368 = arith.constant 12288 : i32
      %add3A_369 = vector.broadcast %add3A_368 : i32 to vector<16xi32>
      %add3A_370 = arith.addi %get3A_337, %add3A_369 : vector<16xi32>
      %gather3A_371 = tpu.vector_load_idx %arg5[%add3A_370] : memref<18432xf32, #tpu.memory_space<vmem>>[vector<16xi32>], vector<16xf32>,
      %add3A_372 = arith.addf %add3A_323, %gather3A_371 : vector<16xf32>
      %add3A_373 = arith.constant 14336 : i32
      %add3A_374 = vector.broadcast %add3A_373 : i32 to vector<16xi32>
      %add3A_375 = arith.addi %get3A_337, %add3A_374 : vector<16xi32>
      %gather3A_376 = tpu.vector_load_idx %arg5[%add3A_375] : memref<18432xf32, #tpu.memory_space<vmem>>[vector<16xi32>], vector<16xf32>,
      %add3A_377 = arith.addf %add3A_328, %gather3A_376 : vector<16xf32>
      %add3A_378 = arith.constant 16384 : i32
      %add3A_379 = vector.broadcast %add3A_378 : i32 to vector<16xi32>
      %add3A_380 = arith.addi %get3A_337, %add3A_379 : vector<16xi32>
      %gather3A_381 = tpu.vector_load_idx %arg5[%add3A_380] : memref<18432xf32, #tpu.memory_space<vmem>>[vector<16xi32>], vector<16xf32>,
      %add3A_382 = arith.addf %add3A_333, %gather3A_381 : vector<16xf32>
      %get3A_383 = arith.constant 7 : i32
      %get3A_384 = arith.index_cast %get3A_383 : i32 to index
      %get3A_385 = arith.index_cast %multiple_of3A : i32 to index
      %get3A_386 = tpu.vector_load %arg6[%get3A_384, %get3A_385] {strides = array<i32>} : memref<20x512xi32, #tpu.memory_space<vmem>>, vector<16xi32>,
      %add3A_387 = arith.constant 0 : i32
      %add3A_388 = vector.broadcast %add3A_387 : i32 to vector<16xi32>
      %add3A_389 = arith.addi %get3A_386, %add3A_388 : vector<16xi32>
      %gather3A_390 = tpu.vector_load_idx %arg5[%add3A_389] : memref<18432xf32, #tpu.memory_space<vmem>>[vector<16xi32>], vector<16xf32>,
      %add3A_391 = arith.addf %add3A_342, %gather3A_390 : vector<16xf32>
      %add3A_392 = arith.constant 2048 : i32
      %add3A_393 = vector.broadcast %add3A_392 : i32 to vector<16xi32>
      %add3A_394 = arith.addi %get3A_386, %add3A_393 : vector<16xi32>
      %gather3A_395 = tpu.vector_load_idx %arg5[%add3A_394] : memref<18432xf32, #tpu.memory_space<vmem>>[vector<16xi32>], vector<16xf32>,
      %add3A_396 = arith.addf %add3A_347, %gather3A_395 : vector<16xf32>
      %add3A_397 = arith.constant 4096 : i32
      %add3A_398 = vector.broadcast %add3A_397 : i32 to vector<16xi32>
      %add3A_399 = arith.addi %get3A_386, %add3A_398 : vector<16xi32>
      %gather3A_400 = tpu.vector_load_idx %arg5[%add3A_399] : memref<18432xf32, #tpu.memory_space<vmem>>[vector<16xi32>], vector<16xf32>,
      %add3A_401 = arith.addf %add3A_352, %gather3A_400 : vector<16xf32>
      %add3A_402 = arith.constant 6144 : i32
      %add3A_403 = vector.broadcast %add3A_402 : i32 to vector<16xi32>
      %add3A_404 = arith.addi %get3A_386, %add3A_403 : vector<16xi32>
      %gather3A_405 = tpu.vector_load_idx %arg5[%add3A_404] : memref<18432xf32, #tpu.memory_space<vmem>>[vector<16xi32>], vector<16xf32>,
      %add3A_406 = arith.addf %add3A_357, %gather3A_405 : vector<16xf32>
      %add3A_407 = arith.constant 8192 : i32
      %add3A_408 = vector.broadcast %add3A_407 : i32 to vector<16xi32>
      %add3A_409 = arith.addi %get3A_386, %add3A_408 : vector<16xi32>
      %gather3A_410 = tpu.vector_load_idx %arg5[%add3A_409] : memref<18432xf32, #tpu.memory_space<vmem>>[vector<16xi32>], vector<16xf32>,
      %add3A_411 = arith.addf %add3A_362, %gather3A_410 : vector<16xf32>
      %add3A_412 = arith.constant 10240 : i32
      %add3A_413 = vector.broadcast %add3A_412 : i32 to vector<16xi32>
      %add3A_414 = arith.addi %get3A_386, %add3A_413 : vector<16xi32>
      %gather3A_415 = tpu.vector_load_idx %arg5[%add3A_414] : memref<18432xf32, #tpu.memory_space<vmem>>[vector<16xi32>], vector<16xf32>,
      %add3A_416 = arith.addf %add3A_367, %gather3A_415 : vector<16xf32>
      %add3A_417 = arith.constant 12288 : i32
      %add3A_418 = vector.broadcast %add3A_417 : i32 to vector<16xi32>
      %add3A_419 = arith.addi %get3A_386, %add3A_418 : vector<16xi32>
      %gather3A_420 = tpu.vector_load_idx %arg5[%add3A_419] : memref<18432xf32, #tpu.memory_space<vmem>>[vector<16xi32>], vector<16xf32>,
      %add3A_421 = arith.addf %add3A_372, %gather3A_420 : vector<16xf32>
      %add3A_422 = arith.constant 14336 : i32
      %add3A_423 = vector.broadcast %add3A_422 : i32 to vector<16xi32>
      %add3A_424 = arith.addi %get3A_386, %add3A_423 : vector<16xi32>
      %gather3A_425 = tpu.vector_load_idx %arg5[%add3A_424] : memref<18432xf32, #tpu.memory_space<vmem>>[vector<16xi32>], vector<16xf32>,
      %add3A_426 = arith.addf %add3A_377, %gather3A_425 : vector<16xf32>
      %add3A_427 = arith.constant 16384 : i32
      %add3A_428 = vector.broadcast %add3A_427 : i32 to vector<16xi32>
      %add3A_429 = arith.addi %get3A_386, %add3A_428 : vector<16xi32>
      %gather3A_430 = tpu.vector_load_idx %arg5[%add3A_429] : memref<18432xf32, #tpu.memory_space<vmem>>[vector<16xi32>], vector<16xf32>,
      %add3A_431 = arith.addf %add3A_382, %gather3A_430 : vector<16xf32>
      %get3A_432 = arith.constant 8 : i32
      %get3A_433 = arith.index_cast %get3A_432 : i32 to index
      %get3A_434 = arith.index_cast %multiple_of3A : i32 to index
      %get3A_435 = tpu.vector_load %arg6[%get3A_433, %get3A_434] {strides = array<i32>} : memref<20x512xi32, #tpu.memory_space<vmem>>, vector<16xi32>,
      %add3A_436 = arith.constant 0 : i32
      %add3A_437 = vector.broadcast %add3A_436 : i32 to vector<16xi32>
      %add3A_438 = arith.addi %get3A_435, %add3A_437 : vector<16xi32>
      %gather3A_439 = tpu.vector_load_idx %arg5[%add3A_438] : memref<18432xf32, #tpu.memory_space<vmem>>[vector<16xi32>], vector<16xf32>,
      %add3A_440 = arith.addf %add3A_391, %gather3A_439 : vector<16xf32>
      %add3A_441 = arith.constant 2048 : i32
      %add3A_442 = vector.broadcast %add3A_441 : i32 to vector<16xi32>
      %add3A_443 = arith.addi %get3A_435, %add3A_442 : vector<16xi32>
      %gather3A_444 = tpu.vector_load_idx %arg5[%add3A_443] : memref<18432xf32, #tpu.memory_space<vmem>>[vector<16xi32>], vector<16xf32>,
      %add3A_445 = arith.addf %add3A_396, %gather3A_444 : vector<16xf32>
      %add3A_446 = arith.constant 4096 : i32
      %add3A_447 = vector.broadcast %add3A_446 : i32 to vector<16xi32>
      %add3A_448 = arith.addi %get3A_435, %add3A_447 : vector<16xi32>
      %gather3A_449 = tpu.vector_load_idx %arg5[%add3A_448] : memref<18432xf32, #tpu.memory_space<vmem>>[vector<16xi32>], vector<16xf32>,
      %add3A_450 = arith.addf %add3A_401, %gather3A_449 : vector<16xf32>
      %add3A_451 = arith.constant 6144 : i32
      %add3A_452 = vector.broadcast %add3A_451 : i32 to vector<16xi32>
      %add3A_453 = arith.addi %get3A_435, %add3A_452 : vector<16xi32>
      %gather3A_454 = tpu.vector_load_idx %arg5[%add3A_453] : memref<18432xf32, #tpu.memory_space<vmem>>[vector<16xi32>], vector<16xf32>,
      %add3A_455 = arith.addf %add3A_406, %gather3A_454 : vector<16xf32>
      %add3A_456 = arith.constant 8192 : i32
      %add3A_457 = vector.broadcast %add3A_456 : i32 to vector<16xi32>
      %add3A_458 = arith.addi %get3A_435, %add3A_457 : vector<16xi32>
      %gather3A_459 = tpu.vector_load_idx %arg5[%add3A_458] : memref<18432xf32, #tpu.memory_space<vmem>>[vector<16xi32>], vector<16xf32>,
      %add3A_460 = arith.addf %add3A_411, %gather3A_459 : vector<16xf32>
      %add3A_461 = arith.constant 10240 : i32
      %add3A_462 = vector.broadcast %add3A_461 : i32 to vector<16xi32>
      %add3A_463 = arith.addi %get3A_435, %add3A_462 : vector<16xi32>
      %gather3A_464 = tpu.vector_load_idx %arg5[%add3A_463] : memref<18432xf32, #tpu.memory_space<vmem>>[vector<16xi32>], vector<16xf32>,
      %add3A_465 = arith.addf %add3A_416, %gather3A_464 : vector<16xf32>
      %add3A_466 = arith.constant 12288 : i32
      %add3A_467 = vector.broadcast %add3A_466 : i32 to vector<16xi32>
      %add3A_468 = arith.addi %get3A_435, %add3A_467 : vector<16xi32>
      %gather3A_469 = tpu.vector_load_idx %arg5[%add3A_468] : memref<18432xf32, #tpu.memory_space<vmem>>[vector<16xi32>], vector<16xf32>,
      %add3A_470 = arith.addf %add3A_421, %gather3A_469 : vector<16xf32>
      %add3A_471 = arith.constant 14336 : i32
      %add3A_472 = vector.broadcast %add3A_471 : i32 to vector<16xi32>
      %add3A_473 = arith.addi %get3A_435, %add3A_472 : vector<16xi32>
      %gather3A_474 = tpu.vector_load_idx %arg5[%add3A_473] : memref<18432xf32, #tpu.memory_space<vmem>>[vector<16xi32>], vector<16xf32>,
      %add3A_475 = arith.addf %add3A_426, %gather3A_474 : vector<16xf32>
      %add3A_476 = arith.constant 16384 : i32
      %add3A_477 = vector.broadcast %add3A_476 : i32 to vector<16xi32>
      %add3A_478 = arith.addi %get3A_435, %add3A_477 : vector<16xi32>
      %gather3A_479 = tpu.vector_load_idx %arg5[%add3A_478] : memref<18432xf32, #tpu.memory_space<vmem>>[vector<16xi32>], vector<16xf32>,
      %add3A_480 = arith.addf %add3A_431, %gather3A_479 : vector<16xf32>
      %get3A_481 = arith.constant 9 : i32
      %get3A_482 = arith.index_cast %get3A_481 : i32 to index
      %get3A_483 = arith.index_cast %multiple_of3A : i32 to index
      %get3A_484 = tpu.vector_load %arg6[%get3A_482, %get3A_483] {strides = array<i32>} : memref<20x512xi32, #tpu.memory_space<vmem>>, vector<16xi32>,
      %add3A_485 = arith.constant 0 : i32
      %add3A_486 = vector.broadcast %add3A_485 : i32 to vector<16xi32>
      %add3A_487 = arith.addi %get3A_484, %add3A_486 : vector<16xi32>
      %gather3A_488 = tpu.vector_load_idx %arg5[%add3A_487] : memref<18432xf32, #tpu.memory_space<vmem>>[vector<16xi32>], vector<16xf32>,
      %add3A_489 = arith.addf %add3A_440, %gather3A_488 : vector<16xf32>
      %add3A_490 = arith.constant 2048 : i32
      %add3A_491 = vector.broadcast %add3A_490 : i32 to vector<16xi32>
      %add3A_492 = arith.addi %get3A_484, %add3A_491 : vector<16xi32>
      %gather3A_493 = tpu.vector_load_idx %arg5[%add3A_492] : memref<18432xf32, #tpu.memory_space<vmem>>[vector<16xi32>], vector<16xf32>,
      %add3A_494 = arith.addf %add3A_445, %gather3A_493 : vector<16xf32>
      %add3A_495 = arith.constant 4096 : i32
      %add3A_496 = vector.broadcast %add3A_495 : i32 to vector<16xi32>
      %add3A_497 = arith.addi %get3A_484, %add3A_496 : vector<16xi32>
      %gather3A_498 = tpu.vector_load_idx %arg5[%add3A_497] : memref<18432xf32, #tpu.memory_space<vmem>>[vector<16xi32>], vector<16xf32>,
      %add3A_499 = arith.addf %add3A_450, %gather3A_498 : vector<16xf32>
      %add3A_500 = arith.constant 6144 : i32
      %add3A_501 = vector.broadcast %add3A_500 : i32 to vector<16xi32>
      %add3A_502 = arith.addi %get3A_484, %add3A_501 : vector<16xi32>
      %gather3A_503 = tpu.vector_load_idx %arg5[%add3A_502] : memref<18432xf32, #tpu.memory_space<vmem>>[vector<16xi32>], vector<16xf32>,
      %add3A_504 = arith.addf %add3A_455, %gather3A_503 : vector<16xf32>
      %add3A_505 = arith.constant 8192 : i32
      %add3A_506 = vector.broadcast %add3A_505 : i32 to vector<16xi32>
      %add3A_507 = arith.addi %get3A_484, %add3A_506 : vector<16xi32>
      %gather3A_508 = tpu.vector_load_idx %arg5[%add3A_507] : memref<18432xf32, #tpu.memory_space<vmem>>[vector<16xi32>], vector<16xf32>,
      %add3A_509 = arith.addf %add3A_460, %gather3A_508 : vector<16xf32>
      %add3A_510 = arith.constant 10240 : i32
      %add3A_511 = vector.broadcast %add3A_510 : i32 to vector<16xi32>
      %add3A_512 = arith.addi %get3A_484, %add3A_511 : vector<16xi32>
      %gather3A_513 = tpu.vector_load_idx %arg5[%add3A_512] : memref<18432xf32, #tpu.memory_space<vmem>>[vector<16xi32>], vector<16xf32>,
      %add3A_514 = arith.addf %add3A_465, %gather3A_513 : vector<16xf32>
      %add3A_515 = arith.constant 12288 : i32
      %add3A_516 = vector.broadcast %add3A_515 : i32 to vector<16xi32>
      %add3A_517 = arith.addi %get3A_484, %add3A_516 : vector<16xi32>
      %gather3A_518 = tpu.vector_load_idx %arg5[%add3A_517] : memref<18432xf32, #tpu.memory_space<vmem>>[vector<16xi32>], vector<16xf32>,
      %add3A_519 = arith.addf %add3A_470, %gather3A_518 : vector<16xf32>
      %add3A_520 = arith.constant 14336 : i32
      %add3A_521 = vector.broadcast %add3A_520 : i32 to vector<16xi32>
      %add3A_522 = arith.addi %get3A_484, %add3A_521 : vector<16xi32>
      %gather3A_523 = tpu.vector_load_idx %arg5[%add3A_522] : memref<18432xf32, #tpu.memory_space<vmem>>[vector<16xi32>], vector<16xf32>,
      %add3A_524 = arith.addf %add3A_475, %gather3A_523 : vector<16xf32>
      %add3A_525 = arith.constant 16384 : i32
      %add3A_526 = vector.broadcast %add3A_525 : i32 to vector<16xi32>
      %add3A_527 = arith.addi %get3A_484, %add3A_526 : vector<16xi32>
      %gather3A_528 = tpu.vector_load_idx %arg5[%add3A_527] : memref<18432xf32, #tpu.memory_space<vmem>>[vector<16xi32>], vector<16xf32>,
      %add3A_529 = arith.addf %add3A_480, %gather3A_528 : vector<16xf32>
      %get3A_530 = arith.constant 10 : i32
      %get3A_531 = arith.index_cast %get3A_530 : i32 to index
      %get3A_532 = arith.index_cast %multiple_of3A : i32 to index
      %get3A_533 = tpu.vector_load %arg6[%get3A_531, %get3A_532] {strides = array<i32>} : memref<20x512xi32, #tpu.memory_space<vmem>>, vector<16xi32>,
      %add3A_534 = arith.constant 0 : i32
      %add3A_535 = vector.broadcast %add3A_534 : i32 to vector<16xi32>
      %add3A_536 = arith.addi %get3A_533, %add3A_535 : vector<16xi32>
      %gather3A_537 = tpu.vector_load_idx %arg5[%add3A_536] : memref<18432xf32, #tpu.memory_space<vmem>>[vector<16xi32>], vector<16xf32>,
      %add3A_538 = arith.addf %add3A_489, %gather3A_537 : vector<16xf32>
      %add3A_539 = arith.constant 2048 : i32
      %add3A_540 = vector.broadcast %add3A_539 : i32 to vector<16xi32>
      %add3A_541 = arith.addi %get3A_533, %add3A_540 : vector<16xi32>
      %gather3A_542 = tpu.vector_load_idx %arg5[%add3A_541] : memref<18432xf32, #tpu.memory_space<vmem>>[vector<16xi32>], vector<16xf32>,
      %add3A_543 = arith.addf %add3A_494, %gather3A_542 : vector<16xf32>
      %add3A_544 = arith.constant 4096 : i32
      %add3A_545 = vector.broadcast %add3A_544 : i32 to vector<16xi32>
      %add3A_546 = arith.addi %get3A_533, %add3A_545 : vector<16xi32>
      %gather3A_547 = tpu.vector_load_idx %arg5[%add3A_546] : memref<18432xf32, #tpu.memory_space<vmem>>[vector<16xi32>], vector<16xf32>,
      %add3A_548 = arith.addf %add3A_499, %gather3A_547 : vector<16xf32>
      %add3A_549 = arith.constant 6144 : i32
      %add3A_550 = vector.broadcast %add3A_549 : i32 to vector<16xi32>
      %add3A_551 = arith.addi %get3A_533, %add3A_550 : vector<16xi32>
      %gather3A_552 = tpu.vector_load_idx %arg5[%add3A_551] : memref<18432xf32, #tpu.memory_space<vmem>>[vector<16xi32>], vector<16xf32>,
      %add3A_553 = arith.addf %add3A_504, %gather3A_552 : vector<16xf32>
      %add3A_554 = arith.constant 8192 : i32
      %add3A_555 = vector.broadcast %add3A_554 : i32 to vector<16xi32>
      %add3A_556 = arith.addi %get3A_533, %add3A_555 : vector<16xi32>
      %gather3A_557 = tpu.vector_load_idx %arg5[%add3A_556] : memref<18432xf32, #tpu.memory_space<vmem>>[vector<16xi32>], vector<16xf32>,
      %add3A_558 = arith.addf %add3A_509, %gather3A_557 : vector<16xf32>
      %add3A_559 = arith.constant 10240 : i32
      %add3A_560 = vector.broadcast %add3A_559 : i32 to vector<16xi32>
      %add3A_561 = arith.addi %get3A_533, %add3A_560 : vector<16xi32>
      %gather3A_562 = tpu.vector_load_idx %arg5[%add3A_561] : memref<18432xf32, #tpu.memory_space<vmem>>[vector<16xi32>], vector<16xf32>,
      %add3A_563 = arith.addf %add3A_514, %gather3A_562 : vector<16xf32>
      %add3A_564 = arith.constant 12288 : i32
      %add3A_565 = vector.broadcast %add3A_564 : i32 to vector<16xi32>
      %add3A_566 = arith.addi %get3A_533, %add3A_565 : vector<16xi32>
      %gather3A_567 = tpu.vector_load_idx %arg5[%add3A_566] : memref<18432xf32, #tpu.memory_space<vmem>>[vector<16xi32>], vector<16xf32>,
      %add3A_568 = arith.addf %add3A_519, %gather3A_567 : vector<16xf32>
      %add3A_569 = arith.constant 14336 : i32
      %add3A_570 = vector.broadcast %add3A_569 : i32 to vector<16xi32>
      %add3A_571 = arith.addi %get3A_533, %add3A_570 : vector<16xi32>
      %gather3A_572 = tpu.vector_load_idx %arg5[%add3A_571] : memref<18432xf32, #tpu.memory_space<vmem>>[vector<16xi32>], vector<16xf32>,
      %add3A_573 = arith.addf %add3A_524, %gather3A_572 : vector<16xf32>
      %add3A_574 = arith.constant 16384 : i32
      %add3A_575 = vector.broadcast %add3A_574 : i32 to vector<16xi32>
      %add3A_576 = arith.addi %get3A_533, %add3A_575 : vector<16xi32>
      %gather3A_577 = tpu.vector_load_idx %arg5[%add3A_576] : memref<18432xf32, #tpu.memory_space<vmem>>[vector<16xi32>], vector<16xf32>,
      %add3A_578 = arith.addf %add3A_529, %gather3A_577 : vector<16xf32>
      %get3A_579 = arith.constant 11 : i32
      %get3A_580 = arith.index_cast %get3A_579 : i32 to index
      %get3A_581 = arith.index_cast %multiple_of3A : i32 to index
      %get3A_582 = tpu.vector_load %arg6[%get3A_580, %get3A_581] {strides = array<i32>} : memref<20x512xi32, #tpu.memory_space<vmem>>, vector<16xi32>,
      %add3A_583 = arith.constant 0 : i32
      %add3A_584 = vector.broadcast %add3A_583 : i32 to vector<16xi32>
      %add3A_585 = arith.addi %get3A_582, %add3A_584 : vector<16xi32>
      %gather3A_586 = tpu.vector_load_idx %arg5[%add3A_585] : memref<18432xf32, #tpu.memory_space<vmem>>[vector<16xi32>], vector<16xf32>,
      %add3A_587 = arith.addf %add3A_538, %gather3A_586 : vector<16xf32>
      %add3A_588 = arith.constant 2048 : i32
      %add3A_589 = vector.broadcast %add3A_588 : i32 to vector<16xi32>
      %add3A_590 = arith.addi %get3A_582, %add3A_589 : vector<16xi32>
      %gather3A_591 = tpu.vector_load_idx %arg5[%add3A_590] : memref<18432xf32, #tpu.memory_space<vmem>>[vector<16xi32>], vector<16xf32>,
      %add3A_592 = arith.addf %add3A_543, %gather3A_591 : vector<16xf32>
      %add3A_593 = arith.constant 4096 : i32
      %add3A_594 = vector.broadcast %add3A_593 : i32 to vector<16xi32>
      %add3A_595 = arith.addi %get3A_582, %add3A_594 : vector<16xi32>
      %gather3A_596 = tpu.vector_load_idx %arg5[%add3A_595] : memref<18432xf32, #tpu.memory_space<vmem>>[vector<16xi32>], vector<16xf32>,
      %add3A_597 = arith.addf %add3A_548, %gather3A_596 : vector<16xf32>
      %add3A_598 = arith.constant 6144 : i32
      %add3A_599 = vector.broadcast %add3A_598 : i32 to vector<16xi32>
      %add3A_600 = arith.addi %get3A_582, %add3A_599 : vector<16xi32>
      %gather3A_601 = tpu.vector_load_idx %arg5[%add3A_600] : memref<18432xf32, #tpu.memory_space<vmem>>[vector<16xi32>], vector<16xf32>,
      %add3A_602 = arith.addf %add3A_553, %gather3A_601 : vector<16xf32>
      %add3A_603 = arith.constant 8192 : i32
      %add3A_604 = vector.broadcast %add3A_603 : i32 to vector<16xi32>
      %add3A_605 = arith.addi %get3A_582, %add3A_604 : vector<16xi32>
      %gather3A_606 = tpu.vector_load_idx %arg5[%add3A_605] : memref<18432xf32, #tpu.memory_space<vmem>>[vector<16xi32>], vector<16xf32>,
      %add3A_607 = arith.addf %add3A_558, %gather3A_606 : vector<16xf32>
      %add3A_608 = arith.constant 10240 : i32
      %add3A_609 = vector.broadcast %add3A_608 : i32 to vector<16xi32>
      %add3A_610 = arith.addi %get3A_582, %add3A_609 : vector<16xi32>
      %gather3A_611 = tpu.vector_load_idx %arg5[%add3A_610] : memref<18432xf32, #tpu.memory_space<vmem>>[vector<16xi32>], vector<16xf32>,
      %add3A_612 = arith.addf %add3A_563, %gather3A_611 : vector<16xf32>
      %add3A_613 = arith.constant 12288 : i32
      %add3A_614 = vector.broadcast %add3A_613 : i32 to vector<16xi32>
      %add3A_615 = arith.addi %get3A_582, %add3A_614 : vector<16xi32>
      %gather3A_616 = tpu.vector_load_idx %arg5[%add3A_615] : memref<18432xf32, #tpu.memory_space<vmem>>[vector<16xi32>], vector<16xf32>,
      %add3A_617 = arith.addf %add3A_568, %gather3A_616 : vector<16xf32>
      %add3A_618 = arith.constant 14336 : i32
      %add3A_619 = vector.broadcast %add3A_618 : i32 to vector<16xi32>
      %add3A_620 = arith.addi %get3A_582, %add3A_619 : vector<16xi32>
      %gather3A_621 = tpu.vector_load_idx %arg5[%add3A_620] : memref<18432xf32, #tpu.memory_space<vmem>>[vector<16xi32>], vector<16xf32>,
      %add3A_622 = arith.addf %add3A_573, %gather3A_621 : vector<16xf32>
      %add3A_623 = arith.constant 16384 : i32
      %add3A_624 = vector.broadcast %add3A_623 : i32 to vector<16xi32>
      %add3A_625 = arith.addi %get3A_582, %add3A_624 : vector<16xi32>
      %gather3A_626 = tpu.vector_load_idx %arg5[%add3A_625] : memref<18432xf32, #tpu.memory_space<vmem>>[vector<16xi32>], vector<16xf32>,
      %add3A_627 = arith.addf %add3A_578, %gather3A_626 : vector<16xf32>
      %get3A_628 = arith.constant 12 : i32
      %get3A_629 = arith.index_cast %get3A_628 : i32 to index
      %get3A_630 = arith.index_cast %multiple_of3A : i32 to index
      %get3A_631 = tpu.vector_load %arg6[%get3A_629, %get3A_630] {strides = array<i32>} : memref<20x512xi32, #tpu.memory_space<vmem>>, vector<16xi32>,
      %add3A_632 = arith.constant 0 : i32
      %add3A_633 = vector.broadcast %add3A_632 : i32 to vector<16xi32>
      %add3A_634 = arith.addi %get3A_631, %add3A_633 : vector<16xi32>
      %gather3A_635 = tpu.vector_load_idx %arg5[%add3A_634] : memref<18432xf32, #tpu.memory_space<vmem>>[vector<16xi32>], vector<16xf32>,
      %add3A_636 = arith.addf %add3A_587, %gather3A_635 : vector<16xf32>
      %add3A_637 = arith.constant 2048 : i32
      %add3A_638 = vector.broadcast %add3A_637 : i32 to vector<16xi32>
      %add3A_639 = arith.addi %get3A_631, %add3A_638 : vector<16xi32>
      %gather3A_640 = tpu.vector_load_idx %arg5[%add3A_639] : memref<18432xf32, #tpu.memory_space<vmem>>[vector<16xi32>], vector<16xf32>,
      %add3A_641 = arith.addf %add3A_592, %gather3A_640 : vector<16xf32>
      %add3A_642 = arith.constant 4096 : i32
      %add3A_643 = vector.broadcast %add3A_642 : i32 to vector<16xi32>
      %add3A_644 = arith.addi %get3A_631, %add3A_643 : vector<16xi32>
      %gather3A_645 = tpu.vector_load_idx %arg5[%add3A_644] : memref<18432xf32, #tpu.memory_space<vmem>>[vector<16xi32>], vector<16xf32>,
      %add3A_646 = arith.addf %add3A_597, %gather3A_645 : vector<16xf32>
      %add3A_647 = arith.constant 6144 : i32
      %add3A_648 = vector.broadcast %add3A_647 : i32 to vector<16xi32>
      %add3A_649 = arith.addi %get3A_631, %add3A_648 : vector<16xi32>
      %gather3A_650 = tpu.vector_load_idx %arg5[%add3A_649] : memref<18432xf32, #tpu.memory_space<vmem>>[vector<16xi32>], vector<16xf32>,
      %add3A_651 = arith.addf %add3A_602, %gather3A_650 : vector<16xf32>
      %add3A_652 = arith.constant 8192 : i32
      %add3A_653 = vector.broadcast %add3A_652 : i32 to vector<16xi32>
      %add3A_654 = arith.addi %get3A_631, %add3A_653 : vector<16xi32>
      %gather3A_655 = tpu.vector_load_idx %arg5[%add3A_654] : memref<18432xf32, #tpu.memory_space<vmem>>[vector<16xi32>], vector<16xf32>,
      %add3A_656 = arith.addf %add3A_607, %gather3A_655 : vector<16xf32>
      %add3A_657 = arith.constant 10240 : i32
      %add3A_658 = vector.broadcast %add3A_657 : i32 to vector<16xi32>
      %add3A_659 = arith.addi %get3A_631, %add3A_658 : vector<16xi32>
      %gather3A_660 = tpu.vector_load_idx %arg5[%add3A_659] : memref<18432xf32, #tpu.memory_space<vmem>>[vector<16xi32>], vector<16xf32>,
      %add3A_661 = arith.addf %add3A_612, %gather3A_660 : vector<16xf32>
      %add3A_662 = arith.constant 12288 : i32
      %add3A_663 = vector.broadcast %add3A_662 : i32 to vector<16xi32>
      %add3A_664 = arith.addi %get3A_631, %add3A_663 : vector<16xi32>
      %gather3A_665 = tpu.vector_load_idx %arg5[%add3A_664] : memref<18432xf32, #tpu.memory_space<vmem>>[vector<16xi32>], vector<16xf32>,
      %add3A_666 = arith.addf %add3A_617, %gather3A_665 : vector<16xf32>
      %add3A_667 = arith.constant 14336 : i32
      %add3A_668 = vector.broadcast %add3A_667 : i32 to vector<16xi32>
      %add3A_669 = arith.addi %get3A_631, %add3A_668 : vector<16xi32>
      %gather3A_670 = tpu.vector_load_idx %arg5[%add3A_669] : memref<18432xf32, #tpu.memory_space<vmem>>[vector<16xi32>], vector<16xf32>,
      %add3A_671 = arith.addf %add3A_622, %gather3A_670 : vector<16xf32>
      %add3A_672 = arith.constant 16384 : i32
      %add3A_673 = vector.broadcast %add3A_672 : i32 to vector<16xi32>
      %add3A_674 = arith.addi %get3A_631, %add3A_673 : vector<16xi32>
      %gather3A_675 = tpu.vector_load_idx %arg5[%add3A_674] : memref<18432xf32, #tpu.memory_space<vmem>>[vector<16xi32>], vector<16xf32>,
      %add3A_676 = arith.addf %add3A_627, %gather3A_675 : vector<16xf32>
      %get3A_677 = arith.constant 13 : i32
      %get3A_678 = arith.index_cast %get3A_677 : i32 to index
      %get3A_679 = arith.index_cast %multiple_of3A : i32 to index
      %get3A_680 = tpu.vector_load %arg6[%get3A_678, %get3A_679] {strides = array<i32>} : memref<20x512xi32, #tpu.memory_space<vmem>>, vector<16xi32>,
      %add3A_681 = arith.constant 0 : i32
      %add3A_682 = vector.broadcast %add3A_681 : i32 to vector<16xi32>
      %add3A_683 = arith.addi %get3A_680, %add3A_682 : vector<16xi32>
      %gather3A_684 = tpu.vector_load_idx %arg5[%add3A_683] : memref<18432xf32, #tpu.memory_space<vmem>>[vector<16xi32>], vector<16xf32>,
      %add3A_685 = arith.addf %add3A_636, %gather3A_684 : vector<16xf32>
      %add3A_686 = arith.constant 2048 : i32
      %add3A_687 = vector.broadcast %add3A_686 : i32 to vector<16xi32>
      %add3A_688 = arith.addi %get3A_680, %add3A_687 : vector<16xi32>
      %gather3A_689 = tpu.vector_load_idx %arg5[%add3A_688] : memref<18432xf32, #tpu.memory_space<vmem>>[vector<16xi32>], vector<16xf32>,
      %add3A_690 = arith.addf %add3A_641, %gather3A_689 : vector<16xf32>
      %add3A_691 = arith.constant 4096 : i32
      %add3A_692 = vector.broadcast %add3A_691 : i32 to vector<16xi32>
      %add3A_693 = arith.addi %get3A_680, %add3A_692 : vector<16xi32>
      %gather3A_694 = tpu.vector_load_idx %arg5[%add3A_693] : memref<18432xf32, #tpu.memory_space<vmem>>[vector<16xi32>], vector<16xf32>,
      %add3A_695 = arith.addf %add3A_646, %gather3A_694 : vector<16xf32>
      %add3A_696 = arith.constant 6144 : i32
      %add3A_697 = vector.broadcast %add3A_696 : i32 to vector<16xi32>
      %add3A_698 = arith.addi %get3A_680, %add3A_697 : vector<16xi32>
      %gather3A_699 = tpu.vector_load_idx %arg5[%add3A_698] : memref<18432xf32, #tpu.memory_space<vmem>>[vector<16xi32>], vector<16xf32>,
      %add3A_700 = arith.addf %add3A_651, %gather3A_699 : vector<16xf32>
      %add3A_701 = arith.constant 8192 : i32
      %add3A_702 = vector.broadcast %add3A_701 : i32 to vector<16xi32>
      %add3A_703 = arith.addi %get3A_680, %add3A_702 : vector<16xi32>
      %gather3A_704 = tpu.vector_load_idx %arg5[%add3A_703] : memref<18432xf32, #tpu.memory_space<vmem>>[vector<16xi32>], vector<16xf32>,
      %add3A_705 = arith.addf %add3A_656, %gather3A_704 : vector<16xf32>
      %add3A_706 = arith.constant 10240 : i32
      %add3A_707 = vector.broadcast %add3A_706 : i32 to vector<16xi32>
      %add3A_708 = arith.addi %get3A_680, %add3A_707 : vector<16xi32>
      %gather3A_709 = tpu.vector_load_idx %arg5[%add3A_708] : memref<18432xf32, #tpu.memory_space<vmem>>[vector<16xi32>], vector<16xf32>,
      %add3A_710 = arith.addf %add3A_661, %gather3A_709 : vector<16xf32>
      %add3A_711 = arith.constant 12288 : i32
      %add3A_712 = vector.broadcast %add3A_711 : i32 to vector<16xi32>
      %add3A_713 = arith.addi %get3A_680, %add3A_712 : vector<16xi32>
      %gather3A_714 = tpu.vector_load_idx %arg5[%add3A_713] : memref<18432xf32, #tpu.memory_space<vmem>>[vector<16xi32>], vector<16xf32>,
      %add3A_715 = arith.addf %add3A_666, %gather3A_714 : vector<16xf32>
      %add3A_716 = arith.constant 14336 : i32
      %add3A_717 = vector.broadcast %add3A_716 : i32 to vector<16xi32>
      %add3A_718 = arith.addi %get3A_680, %add3A_717 : vector<16xi32>
      %gather3A_719 = tpu.vector_load_idx %arg5[%add3A_718] : memref<18432xf32, #tpu.memory_space<vmem>>[vector<16xi32>], vector<16xf32>,
      %add3A_720 = arith.addf %add3A_671, %gather3A_719 : vector<16xf32>
      %add3A_721 = arith.constant 16384 : i32
      %add3A_722 = vector.broadcast %add3A_721 : i32 to vector<16xi32>
      %add3A_723 = arith.addi %get3A_680, %add3A_722 : vector<16xi32>
      %gather3A_724 = tpu.vector_load_idx %arg5[%add3A_723] : memref<18432xf32, #tpu.memory_space<vmem>>[vector<16xi32>], vector<16xf32>,
      %add3A_725 = arith.addf %add3A_676, %gather3A_724 : vector<16xf32>
      %get3A_726 = arith.constant 14 : i32
      %get3A_727 = arith.index_cast %get3A_726 : i32 to index
      %get3A_728 = arith.index_cast %multiple_of3A : i32 to index
      %get3A_729 = tpu.vector_load %arg6[%get3A_727, %get3A_728] {strides = array<i32>} : memref<20x512xi32, #tpu.memory_space<vmem>>, vector<16xi32>,
      %add3A_730 = arith.constant 0 : i32
      %add3A_731 = vector.broadcast %add3A_730 : i32 to vector<16xi32>
      %add3A_732 = arith.addi %get3A_729, %add3A_731 : vector<16xi32>
      %gather3A_733 = tpu.vector_load_idx %arg5[%add3A_732] : memref<18432xf32, #tpu.memory_space<vmem>>[vector<16xi32>], vector<16xf32>,
      %add3A_734 = arith.addf %add3A_685, %gather3A_733 : vector<16xf32>
      %add3A_735 = arith.constant 2048 : i32
      %add3A_736 = vector.broadcast %add3A_735 : i32 to vector<16xi32>
      %add3A_737 = arith.addi %get3A_729, %add3A_736 : vector<16xi32>
      %gather3A_738 = tpu.vector_load_idx %arg5[%add3A_737] : memref<18432xf32, #tpu.memory_space<vmem>>[vector<16xi32>], vector<16xf32>,
      %add3A_739 = arith.addf %add3A_690, %gather3A_738 : vector<16xf32>
      %add3A_740 = arith.constant 4096 : i32
      %add3A_741 = vector.broadcast %add3A_740 : i32 to vector<16xi32>
      %add3A_742 = arith.addi %get3A_729, %add3A_741 : vector<16xi32>
      %gather3A_743 = tpu.vector_load_idx %arg5[%add3A_742] : memref<18432xf32, #tpu.memory_space<vmem>>[vector<16xi32>], vector<16xf32>,
      %add3A_744 = arith.addf %add3A_695, %gather3A_743 : vector<16xf32>
      %add3A_745 = arith.constant 6144 : i32
      %add3A_746 = vector.broadcast %add3A_745 : i32 to vector<16xi32>
      %add3A_747 = arith.addi %get3A_729, %add3A_746 : vector<16xi32>
      %gather3A_748 = tpu.vector_load_idx %arg5[%add3A_747] : memref<18432xf32, #tpu.memory_space<vmem>>[vector<16xi32>], vector<16xf32>,
      %add3A_749 = arith.addf %add3A_700, %gather3A_748 : vector<16xf32>
      %add3A_750 = arith.constant 8192 : i32
      %add3A_751 = vector.broadcast %add3A_750 : i32 to vector<16xi32>
      %add3A_752 = arith.addi %get3A_729, %add3A_751 : vector<16xi32>
      %gather3A_753 = tpu.vector_load_idx %arg5[%add3A_752] : memref<18432xf32, #tpu.memory_space<vmem>>[vector<16xi32>], vector<16xf32>,
      %add3A_754 = arith.addf %add3A_705, %gather3A_753 : vector<16xf32>
      %add3A_755 = arith.constant 10240 : i32
      %add3A_756 = vector.broadcast %add3A_755 : i32 to vector<16xi32>
      %add3A_757 = arith.addi %get3A_729, %add3A_756 : vector<16xi32>
      %gather3A_758 = tpu.vector_load_idx %arg5[%add3A_757] : memref<18432xf32, #tpu.memory_space<vmem>>[vector<16xi32>], vector<16xf32>,
      %add3A_759 = arith.addf %add3A_710, %gather3A_758 : vector<16xf32>
      %add3A_760 = arith.constant 12288 : i32
      %add3A_761 = vector.broadcast %add3A_760 : i32 to vector<16xi32>
      %add3A_762 = arith.addi %get3A_729, %add3A_761 : vector<16xi32>
      %gather3A_763 = tpu.vector_load_idx %arg5[%add3A_762] : memref<18432xf32, #tpu.memory_space<vmem>>[vector<16xi32>], vector<16xf32>,
      %add3A_764 = arith.addf %add3A_715, %gather3A_763 : vector<16xf32>
      %add3A_765 = arith.constant 14336 : i32
      %add3A_766 = vector.broadcast %add3A_765 : i32 to vector<16xi32>
      %add3A_767 = arith.addi %get3A_729, %add3A_766 : vector<16xi32>
      %gather3A_768 = tpu.vector_load_idx %arg5[%add3A_767] : memref<18432xf32, #tpu.memory_space<vmem>>[vector<16xi32>], vector<16xf32>,
      %add3A_769 = arith.addf %add3A_720, %gather3A_768 : vector<16xf32>
      %add3A_770 = arith.constant 16384 : i32
      %add3A_771 = vector.broadcast %add3A_770 : i32 to vector<16xi32>
      %add3A_772 = arith.addi %get3A_729, %add3A_771 : vector<16xi32>
      %gather3A_773 = tpu.vector_load_idx %arg5[%add3A_772] : memref<18432xf32, #tpu.memory_space<vmem>>[vector<16xi32>], vector<16xf32>,
      %add3A_774 = arith.addf %add3A_725, %gather3A_773 : vector<16xf32>
      %get3A_775 = arith.constant 15 : i32
      %get3A_776 = arith.index_cast %get3A_775 : i32 to index
      %get3A_777 = arith.index_cast %multiple_of3A : i32 to index
      %get3A_778 = tpu.vector_load %arg6[%get3A_776, %get3A_777] {strides = array<i32>} : memref<20x512xi32, #tpu.memory_space<vmem>>, vector<16xi32>,
      %add3A_779 = arith.constant 0 : i32
      %add3A_780 = vector.broadcast %add3A_779 : i32 to vector<16xi32>
      %add3A_781 = arith.addi %get3A_778, %add3A_780 : vector<16xi32>
      %gather3A_782 = tpu.vector_load_idx %arg5[%add3A_781] : memref<18432xf32, #tpu.memory_space<vmem>>[vector<16xi32>], vector<16xf32>,
      %add3A_783 = arith.addf %add3A_734, %gather3A_782 : vector<16xf32>
      %add3A_784 = arith.constant 2048 : i32
      %add3A_785 = vector.broadcast %add3A_784 : i32 to vector<16xi32>
      %add3A_786 = arith.addi %get3A_778, %add3A_785 : vector<16xi32>
      %gather3A_787 = tpu.vector_load_idx %arg5[%add3A_786] : memref<18432xf32, #tpu.memory_space<vmem>>[vector<16xi32>], vector<16xf32>,
      %add3A_788 = arith.addf %add3A_739, %gather3A_787 : vector<16xf32>
      %add3A_789 = arith.constant 4096 : i32
      %add3A_790 = vector.broadcast %add3A_789 : i32 to vector<16xi32>
      %add3A_791 = arith.addi %get3A_778, %add3A_790 : vector<16xi32>
      %gather3A_792 = tpu.vector_load_idx %arg5[%add3A_791] : memref<18432xf32, #tpu.memory_space<vmem>>[vector<16xi32>], vector<16xf32>,
      %add3A_793 = arith.addf %add3A_744, %gather3A_792 : vector<16xf32>
      %add3A_794 = arith.constant 6144 : i32
      %add3A_795 = vector.broadcast %add3A_794 : i32 to vector<16xi32>
      %add3A_796 = arith.addi %get3A_778, %add3A_795 : vector<16xi32>
      %gather3A_797 = tpu.vector_load_idx %arg5[%add3A_796] : memref<18432xf32, #tpu.memory_space<vmem>>[vector<16xi32>], vector<16xf32>,
      %add3A_798 = arith.addf %add3A_749, %gather3A_797 : vector<16xf32>
      %add3A_799 = arith.constant 8192 : i32
      %add3A_800 = vector.broadcast %add3A_799 : i32 to vector<16xi32>
      %add3A_801 = arith.addi %get3A_778, %add3A_800 : vector<16xi32>
      %gather3A_802 = tpu.vector_load_idx %arg5[%add3A_801] : memref<18432xf32, #tpu.memory_space<vmem>>[vector<16xi32>], vector<16xf32>,
      %add3A_803 = arith.addf %add3A_754, %gather3A_802 : vector<16xf32>
      %add3A_804 = arith.constant 10240 : i32
      %add3A_805 = vector.broadcast %add3A_804 : i32 to vector<16xi32>
      %add3A_806 = arith.addi %get3A_778, %add3A_805 : vector<16xi32>
      %gather3A_807 = tpu.vector_load_idx %arg5[%add3A_806] : memref<18432xf32, #tpu.memory_space<vmem>>[vector<16xi32>], vector<16xf32>,
      %add3A_808 = arith.addf %add3A_759, %gather3A_807 : vector<16xf32>
      %add3A_809 = arith.constant 12288 : i32
      %add3A_810 = vector.broadcast %add3A_809 : i32 to vector<16xi32>
      %add3A_811 = arith.addi %get3A_778, %add3A_810 : vector<16xi32>
      %gather3A_812 = tpu.vector_load_idx %arg5[%add3A_811] : memref<18432xf32, #tpu.memory_space<vmem>>[vector<16xi32>], vector<16xf32>,
      %add3A_813 = arith.addf %add3A_764, %gather3A_812 : vector<16xf32>
      %add3A_814 = arith.constant 14336 : i32
      %add3A_815 = vector.broadcast %add3A_814 : i32 to vector<16xi32>
      %add3A_816 = arith.addi %get3A_778, %add3A_815 : vector<16xi32>
      %gather3A_817 = tpu.vector_load_idx %arg5[%add3A_816] : memref<18432xf32, #tpu.memory_space<vmem>>[vector<16xi32>], vector<16xf32>,
      %add3A_818 = arith.addf %add3A_769, %gather3A_817 : vector<16xf32>
      %add3A_819 = arith.constant 16384 : i32
      %add3A_820 = vector.broadcast %add3A_819 : i32 to vector<16xi32>
      %add3A_821 = arith.addi %get3A_778, %add3A_820 : vector<16xi32>
      %gather3A_822 = tpu.vector_load_idx %arg5[%add3A_821] : memref<18432xf32, #tpu.memory_space<vmem>>[vector<16xi32>], vector<16xf32>,
      %add3A_823 = arith.addf %add3A_774, %gather3A_822 : vector<16xf32>
      %get3A_824 = arith.constant 16 : i32
      %get3A_825 = arith.index_cast %get3A_824 : i32 to index
      %get3A_826 = arith.index_cast %multiple_of3A : i32 to index
      %get3A_827 = tpu.vector_load %arg6[%get3A_825, %get3A_826] {strides = array<i32>} : memref<20x512xi32, #tpu.memory_space<vmem>>, vector<16xi32>,
      %add3A_828 = arith.constant 0 : i32
      %add3A_829 = vector.broadcast %add3A_828 : i32 to vector<16xi32>
      %add3A_830 = arith.addi %get3A_827, %add3A_829 : vector<16xi32>
      %gather3A_831 = tpu.vector_load_idx %arg5[%add3A_830] : memref<18432xf32, #tpu.memory_space<vmem>>[vector<16xi32>], vector<16xf32>,
      %add3A_832 = arith.addf %add3A_783, %gather3A_831 : vector<16xf32>
      %add3A_833 = arith.constant 2048 : i32
      %add3A_834 = vector.broadcast %add3A_833 : i32 to vector<16xi32>
      %add3A_835 = arith.addi %get3A_827, %add3A_834 : vector<16xi32>
      %gather3A_836 = tpu.vector_load_idx %arg5[%add3A_835] : memref<18432xf32, #tpu.memory_space<vmem>>[vector<16xi32>], vector<16xf32>,
      %add3A_837 = arith.addf %add3A_788, %gather3A_836 : vector<16xf32>
      %add3A_838 = arith.constant 4096 : i32
      %add3A_839 = vector.broadcast %add3A_838 : i32 to vector<16xi32>
      %add3A_840 = arith.addi %get3A_827, %add3A_839 : vector<16xi32>
      %gather3A_841 = tpu.vector_load_idx %arg5[%add3A_840] : memref<18432xf32, #tpu.memory_space<vmem>>[vector<16xi32>], vector<16xf32>,
      %add3A_842 = arith.addf %add3A_793, %gather3A_841 : vector<16xf32>
      %add3A_843 = arith.constant 6144 : i32
      %add3A_844 = vector.broadcast %add3A_843 : i32 to vector<16xi32>
      %add3A_845 = arith.addi %get3A_827, %add3A_844 : vector<16xi32>
      %gather3A_846 = tpu.vector_load_idx %arg5[%add3A_845] : memref<18432xf32, #tpu.memory_space<vmem>>[vector<16xi32>], vector<16xf32>,
      %add3A_847 = arith.addf %add3A_798, %gather3A_846 : vector<16xf32>
      %add3A_848 = arith.constant 8192 : i32
      %add3A_849 = vector.broadcast %add3A_848 : i32 to vector<16xi32>
      %add3A_850 = arith.addi %get3A_827, %add3A_849 : vector<16xi32>
      %gather3A_851 = tpu.vector_load_idx %arg5[%add3A_850] : memref<18432xf32, #tpu.memory_space<vmem>>[vector<16xi32>], vector<16xf32>,
      %add3A_852 = arith.addf %add3A_803, %gather3A_851 : vector<16xf32>
      %add3A_853 = arith.constant 10240 : i32
      %add3A_854 = vector.broadcast %add3A_853 : i32 to vector<16xi32>
      %add3A_855 = arith.addi %get3A_827, %add3A_854 : vector<16xi32>
      %gather3A_856 = tpu.vector_load_idx %arg5[%add3A_855] : memref<18432xf32, #tpu.memory_space<vmem>>[vector<16xi32>], vector<16xf32>,
      %add3A_857 = arith.addf %add3A_808, %gather3A_856 : vector<16xf32>
      %add3A_858 = arith.constant 12288 : i32
      %add3A_859 = vector.broadcast %add3A_858 : i32 to vector<16xi32>
      %add3A_860 = arith.addi %get3A_827, %add3A_859 : vector<16xi32>
      %gather3A_861 = tpu.vector_load_idx %arg5[%add3A_860] : memref<18432xf32, #tpu.memory_space<vmem>>[vector<16xi32>], vector<16xf32>,
      %add3A_862 = arith.addf %add3A_813, %gather3A_861 : vector<16xf32>
      %add3A_863 = arith.constant 14336 : i32
      %add3A_864 = vector.broadcast %add3A_863 : i32 to vector<16xi32>
      %add3A_865 = arith.addi %get3A_827, %add3A_864 : vector<16xi32>
      %gather3A_866 = tpu.vector_load_idx %arg5[%add3A_865] : memref<18432xf32, #tpu.memory_space<vmem>>[vector<16xi32>], vector<16xf32>,
      %add3A_867 = arith.addf %add3A_818, %gather3A_866 : vector<16xf32>
      %add3A_868 = arith.constant 16384 : i32
      %add3A_869 = vector.broadcast %add3A_868 : i32 to vector<16xi32>
      %add3A_870 = arith.addi %get3A_827, %add3A_869 : vector<16xi32>
      %gather3A_871 = tpu.vector_load_idx %arg5[%add3A_870] : memref<18432xf32, #tpu.memory_space<vmem>>[vector<16xi32>], vector<16xf32>,
      %add3A_872 = arith.addf %add3A_823, %gather3A_871 : vector<16xf32>
      %get3A_873 = arith.constant 17 : i32
      %get3A_874 = arith.index_cast %get3A_873 : i32 to index
      %get3A_875 = arith.index_cast %multiple_of3A : i32 to index
      %get3A_876 = tpu.vector_load %arg6[%get3A_874, %get3A_875] {strides = array<i32>} : memref<20x512xi32, #tpu.memory_space<vmem>>, vector<16xi32>,
      %add3A_877 = arith.constant 0 : i32
      %add3A_878 = vector.broadcast %add3A_877 : i32 to vector<16xi32>
      %add3A_879 = arith.addi %get3A_876, %add3A_878 : vector<16xi32>
      %gather3A_880 = tpu.vector_load_idx %arg5[%add3A_879] : memref<18432xf32, #tpu.memory_space<vmem>>[vector<16xi32>], vector<16xf32>,
      %add3A_881 = arith.addf %add3A_832, %gather3A_880 : vector<16xf32>
      %add3A_882 = arith.constant 2048 : i32
      %add3A_883 = vector.broadcast %add3A_882 : i32 to vector<16xi32>
      %add3A_884 = arith.addi %get3A_876, %add3A_883 : vector<16xi32>
      %gather3A_885 = tpu.vector_load_idx %arg5[%add3A_884] : memref<18432xf32, #tpu.memory_space<vmem>>[vector<16xi32>], vector<16xf32>,
      %add3A_886 = arith.addf %add3A_837, %gather3A_885 : vector<16xf32>
      %add3A_887 = arith.constant 4096 : i32
      %add3A_888 = vector.broadcast %add3A_887 : i32 to vector<16xi32>
      %add3A_889 = arith.addi %get3A_876, %add3A_888 : vector<16xi32>
      %gather3A_890 = tpu.vector_load_idx %arg5[%add3A_889] : memref<18432xf32, #tpu.memory_space<vmem>>[vector<16xi32>], vector<16xf32>,
      %add3A_891 = arith.addf %add3A_842, %gather3A_890 : vector<16xf32>
      %add3A_892 = arith.constant 6144 : i32
      %add3A_893 = vector.broadcast %add3A_892 : i32 to vector<16xi32>
      %add3A_894 = arith.addi %get3A_876, %add3A_893 : vector<16xi32>
      %gather3A_895 = tpu.vector_load_idx %arg5[%add3A_894] : memref<18432xf32, #tpu.memory_space<vmem>>[vector<16xi32>], vector<16xf32>,
      %add3A_896 = arith.addf %add3A_847, %gather3A_895 : vector<16xf32>
      %add3A_897 = arith.constant 8192 : i32
      %add3A_898 = vector.broadcast %add3A_897 : i32 to vector<16xi32>
      %add3A_899 = arith.addi %get3A_876, %add3A_898 : vector<16xi32>
      %gather3A_900 = tpu.vector_load_idx %arg5[%add3A_899] : memref<18432xf32, #tpu.memory_space<vmem>>[vector<16xi32>], vector<16xf32>,
      %add3A_901 = arith.addf %add3A_852, %gather3A_900 : vector<16xf32>
      %add3A_902 = arith.constant 10240 : i32
      %add3A_903 = vector.broadcast %add3A_902 : i32 to vector<16xi32>
      %add3A_904 = arith.addi %get3A_876, %add3A_903 : vector<16xi32>
      %gather3A_905 = tpu.vector_load_idx %arg5[%add3A_904] : memref<18432xf32, #tpu.memory_space<vmem>>[vector<16xi32>], vector<16xf32>,
      %add3A_906 = arith.addf %add3A_857, %gather3A_905 : vector<16xf32>
      %add3A_907 = arith.constant 12288 : i32
      %add3A_908 = vector.broadcast %add3A_907 : i32 to vector<16xi32>
      %add3A_909 = arith.addi %get3A_876, %add3A_908 : vector<16xi32>
      %gather3A_910 = tpu.vector_load_idx %arg5[%add3A_909] : memref<18432xf32, #tpu.memory_space<vmem>>[vector<16xi32>], vector<16xf32>,
      %add3A_911 = arith.addf %add3A_862, %gather3A_910 : vector<16xf32>
      %add3A_912 = arith.constant 14336 : i32
      %add3A_913 = vector.broadcast %add3A_912 : i32 to vector<16xi32>
      %add3A_914 = arith.addi %get3A_876, %add3A_913 : vector<16xi32>
      %gather3A_915 = tpu.vector_load_idx %arg5[%add3A_914] : memref<18432xf32, #tpu.memory_space<vmem>>[vector<16xi32>], vector<16xf32>,
      %add3A_916 = arith.addf %add3A_867, %gather3A_915 : vector<16xf32>
      %add3A_917 = arith.constant 16384 : i32
      %add3A_918 = vector.broadcast %add3A_917 : i32 to vector<16xi32>
      %add3A_919 = arith.addi %get3A_876, %add3A_918 : vector<16xi32>
      %gather3A_920 = tpu.vector_load_idx %arg5[%add3A_919] : memref<18432xf32, #tpu.memory_space<vmem>>[vector<16xi32>], vector<16xf32>,
      %add3A_921 = arith.addf %add3A_872, %gather3A_920 : vector<16xf32>
      %get3A_922 = arith.constant 18 : i32
      %get3A_923 = arith.index_cast %get3A_922 : i32 to index
      %get3A_924 = arith.index_cast %multiple_of3A : i32 to index
      %get3A_925 = tpu.vector_load %arg6[%get3A_923, %get3A_924] {strides = array<i32>} : memref<20x512xi32, #tpu.memory_space<vmem>>, vector<16xi32>,
      %add3A_926 = arith.constant 0 : i32
      %add3A_927 = vector.broadcast %add3A_926 : i32 to vector<16xi32>
      %add3A_928 = arith.addi %get3A_925, %add3A_927 : vector<16xi32>
      %gather3A_929 = tpu.vector_load_idx %arg5[%add3A_928] : memref<18432xf32, #tpu.memory_space<vmem>>[vector<16xi32>], vector<16xf32>,
      %add3A_930 = arith.addf %add3A_881, %gather3A_929 : vector<16xf32>
      %add3A_931 = arith.constant 2048 : i32
      %add3A_932 = vector.broadcast %add3A_931 : i32 to vector<16xi32>
      %add3A_933 = arith.addi %get3A_925, %add3A_932 : vector<16xi32>
      %gather3A_934 = tpu.vector_load_idx %arg5[%add3A_933] : memref<18432xf32, #tpu.memory_space<vmem>>[vector<16xi32>], vector<16xf32>,
      %add3A_935 = arith.addf %add3A_886, %gather3A_934 : vector<16xf32>
      %add3A_936 = arith.constant 4096 : i32
      %add3A_937 = vector.broadcast %add3A_936 : i32 to vector<16xi32>
      %add3A_938 = arith.addi %get3A_925, %add3A_937 : vector<16xi32>
      %gather3A_939 = tpu.vector_load_idx %arg5[%add3A_938] : memref<18432xf32, #tpu.memory_space<vmem>>[vector<16xi32>], vector<16xf32>,
      %add3A_940 = arith.addf %add3A_891, %gather3A_939 : vector<16xf32>
      %add3A_941 = arith.constant 6144 : i32
      %add3A_942 = vector.broadcast %add3A_941 : i32 to vector<16xi32>
      %add3A_943 = arith.addi %get3A_925, %add3A_942 : vector<16xi32>
      %gather3A_944 = tpu.vector_load_idx %arg5[%add3A_943] : memref<18432xf32, #tpu.memory_space<vmem>>[vector<16xi32>], vector<16xf32>,
      %add3A_945 = arith.addf %add3A_896, %gather3A_944 : vector<16xf32>
      %add3A_946 = arith.constant 8192 : i32
      %add3A_947 = vector.broadcast %add3A_946 : i32 to vector<16xi32>
      %add3A_948 = arith.addi %get3A_925, %add3A_947 : vector<16xi32>
      %gather3A_949 = tpu.vector_load_idx %arg5[%add3A_948] : memref<18432xf32, #tpu.memory_space<vmem>>[vector<16xi32>], vector<16xf32>,
      %add3A_950 = arith.addf %add3A_901, %gather3A_949 : vector<16xf32>
      %add3A_951 = arith.constant 10240 : i32
      %add3A_952 = vector.broadcast %add3A_951 : i32 to vector<16xi32>
      %add3A_953 = arith.addi %get3A_925, %add3A_952 : vector<16xi32>
      %gather3A_954 = tpu.vector_load_idx %arg5[%add3A_953] : memref<18432xf32, #tpu.memory_space<vmem>>[vector<16xi32>], vector<16xf32>,
      %add3A_955 = arith.addf %add3A_906, %gather3A_954 : vector<16xf32>
      %add3A_956 = arith.constant 12288 : i32
      %add3A_957 = vector.broadcast %add3A_956 : i32 to vector<16xi32>
      %add3A_958 = arith.addi %get3A_925, %add3A_957 : vector<16xi32>
      %gather3A_959 = tpu.vector_load_idx %arg5[%add3A_958] : memref<18432xf32, #tpu.memory_space<vmem>>[vector<16xi32>], vector<16xf32>,
      %add3A_960 = arith.addf %add3A_911, %gather3A_959 : vector<16xf32>
      %add3A_961 = arith.constant 14336 : i32
      %add3A_962 = vector.broadcast %add3A_961 : i32 to vector<16xi32>
      %add3A_963 = arith.addi %get3A_925, %add3A_962 : vector<16xi32>
      %gather3A_964 = tpu.vector_load_idx %arg5[%add3A_963] : memref<18432xf32, #tpu.memory_space<vmem>>[vector<16xi32>], vector<16xf32>,
      %add3A_965 = arith.addf %add3A_916, %gather3A_964 : vector<16xf32>
      %add3A_966 = arith.constant 16384 : i32
      %add3A_967 = vector.broadcast %add3A_966 : i32 to vector<16xi32>
      %add3A_968 = arith.addi %get3A_925, %add3A_967 : vector<16xi32>
      %gather3A_969 = tpu.vector_load_idx %arg5[%add3A_968] : memref<18432xf32, #tpu.memory_space<vmem>>[vector<16xi32>], vector<16xf32>,
      %add3A_970 = arith.addf %add3A_921, %gather3A_969 : vector<16xf32>
      %get3A_971 = arith.constant 19 : i32
      %get3A_972 = arith.index_cast %get3A_971 : i32 to index
      %get3A_973 = arith.index_cast %multiple_of3A : i32 to index
      %get3A_974 = tpu.vector_load %arg6[%get3A_972, %get3A_973] {strides = array<i32>} : memref<20x512xi32, #tpu.memory_space<vmem>>, vector<16xi32>,
      %add3A_975 = arith.constant 0 : i32
      %add3A_976 = vector.broadcast %add3A_975 : i32 to vector<16xi32>
      %add3A_977 = arith.addi %get3A_974, %add3A_976 : vector<16xi32>
      %gather3A_978 = tpu.vector_load_idx %arg5[%add3A_977] : memref<18432xf32, #tpu.memory_space<vmem>>[vector<16xi32>], vector<16xf32>,
      %add3A_979 = arith.addf %add3A_930, %gather3A_978 : vector<16xf32>
      %add3A_980 = arith.constant 2048 : i32
      %add3A_981 = vector.broadcast %add3A_980 : i32 to vector<16xi32>
      %add3A_982 = arith.addi %get3A_974, %add3A_981 : vector<16xi32>
      %gather3A_983 = tpu.vector_load_idx %arg5[%add3A_982] : memref<18432xf32, #tpu.memory_space<vmem>>[vector<16xi32>], vector<16xf32>,
      %add3A_984 = arith.addf %add3A_935, %gather3A_983 : vector<16xf32>
      %add3A_985 = arith.constant 4096 : i32
      %add3A_986 = vector.broadcast %add3A_985 : i32 to vector<16xi32>
      %add3A_987 = arith.addi %get3A_974, %add3A_986 : vector<16xi32>
      %gather3A_988 = tpu.vector_load_idx %arg5[%add3A_987] : memref<18432xf32, #tpu.memory_space<vmem>>[vector<16xi32>], vector<16xf32>,
      %add3A_989 = arith.addf %add3A_940, %gather3A_988 : vector<16xf32>
      %add3A_990 = arith.constant 6144 : i32
      %add3A_991 = vector.broadcast %add3A_990 : i32 to vector<16xi32>
      %add3A_992 = arith.addi %get3A_974, %add3A_991 : vector<16xi32>
      %gather3A_993 = tpu.vector_load_idx %arg5[%add3A_992] : memref<18432xf32, #tpu.memory_space<vmem>>[vector<16xi32>], vector<16xf32>,
      %add3A_994 = arith.addf %add3A_945, %gather3A_993 : vector<16xf32>
      %add3A_995 = arith.constant 8192 : i32
      %add3A_996 = vector.broadcast %add3A_995 : i32 to vector<16xi32>
      %add3A_997 = arith.addi %get3A_974, %add3A_996 : vector<16xi32>
      %gather3A_998 = tpu.vector_load_idx %arg5[%add3A_997] : memref<18432xf32, #tpu.memory_space<vmem>>[vector<16xi32>], vector<16xf32>,
      %add3A_999 = arith.addf %add3A_950, %gather3A_998 : vector<16xf32>
      %add3A_1000 = arith.constant 10240 : i32
      %add3A_1001 = vector.broadcast %add3A_1000 : i32 to vector<16xi32>
      %add3A_1002 = arith.addi %get3A_974, %add3A_1001 : vector<16xi32>
      %gather3A_1003 = tpu.vector_load_idx %arg5[%add3A_1002] : memref<18432xf32, #tpu.memory_space<vmem>>[vector<16xi32>], vector<16xf32>,
      %add3A_1004 = arith.addf %add3A_955, %gather3A_1003 : vector<16xf32>
      %add3A_1005 = arith.constant 12288 : i32
      %add3A_1006 = vector.broadcast %add3A_1005 : i32 to vector<16xi32>
      %add3A_1007 = arith.addi %get3A_974, %add3A_1006 : vector<16xi32>
      %gather3A_1008 = tpu.vector_load_idx %arg5[%add3A_1007] : memref<18432xf32, #tpu.memory_space<vmem>>[vector<16xi32>], vector<16xf32>,
      %add3A_1009 = arith.addf %add3A_960, %gather3A_1008 : vector<16xf32>
      %add3A_1010 = arith.constant 14336 : i32
      %add3A_1011 = vector.broadcast %add3A_1010 : i32 to vector<16xi32>
      %add3A_1012 = arith.addi %get3A_974, %add3A_1011 : vector<16xi32>
      %gather3A_1013 = tpu.vector_load_idx %arg5[%add3A_1012] : memref<18432xf32, #tpu.memory_space<vmem>>[vector<16xi32>], vector<16xf32>,
      %add3A_1014 = arith.addf %add3A_965, %gather3A_1013 : vector<16xf32>
      %add3A_1015 = arith.constant 16384 : i32
      %add3A_1016 = vector.broadcast %add3A_1015 : i32 to vector<16xi32>
      %add3A_1017 = arith.addi %get3A_974, %add3A_1016 : vector<16xi32>
      %gather3A_1018 = tpu.vector_load_idx %arg5[%add3A_1017] : memref<18432xf32, #tpu.memory_space<vmem>>[vector<16xi32>], vector<16xf32>,
      %add3A_1019 = arith.addf %add3A_970, %gather3A_1018 : vector<16xf32>
      %swap3A = arith.constant 0 : i32
      %swap3A_1020 = arith.index_cast %swap3A : i32 to index
      %swap3A_1021 = arith.index_cast %multiple_of3A : i32 to index
      %swap3A_1022 = tpu.vector_load %arg7[%swap3A_1020, %swap3A_1021] {strides = array<i32>} : memref<9x512xf32, #tpu.memory_space<vmem>>, vector<16xf32>,
      tpu.vector_store %arg7[%swap3A_1020, %swap3A_1021], %add3A_979 {strides = array<i32>} : memref<9x512xf32, #tpu.memory_space<vmem>>, vector<16xf32>,
      %swap3A_1023 = arith.constant 1 : i32
      %swap3A_1024 = arith.index_cast %swap3A_1023 : i32 to index
      %swap3A_1025 = arith.index_cast %multiple_of3A : i32 to index
      %swap3A_1026 = tpu.vector_load %arg7[%swap3A_1024, %swap3A_1025] {strides = array<i32>} : memref<9x512xf32, #tpu.memory_space<vmem>>, vector<16xf32>,
      tpu.vector_store %arg7[%swap3A_1024, %swap3A_1025], %add3A_984 {strides = array<i32>} : memref<9x512xf32, #tpu.memory_space<vmem>>, vector<16xf32>,
      %swap3A_1027 = arith.constant 2 : i32
      %swap3A_1028 = arith.index_cast %swap3A_1027 : i32 to index
      %swap3A_1029 = arith.index_cast %multiple_of3A : i32 to index
      %swap3A_1030 = tpu.vector_load %arg7[%swap3A_1028, %swap3A_1029] {strides = array<i32>} : memref<9x512xf32, #tpu.memory_space<vmem>>, vector<16xf32>,
      tpu.vector_store %arg7[%swap3A_1028, %swap3A_1029], %add3A_989 {strides = array<i32>} : memref<9x512xf32, #tpu.memory_space<vmem>>, vector<16xf32>,
      %swap3A_1031 = arith.constant 3 : i32
      %swap3A_1032 = arith.index_cast %swap3A_1031 : i32 to index
      %swap3A_1033 = arith.index_cast %multiple_of3A : i32 to index
      %swap3A_1034 = tpu.vector_load %arg7[%swap3A_1032, %swap3A_1033] {strides = array<i32>} : memref<9x512xf32, #tpu.memory_space<vmem>>, vector<16xf32>,
      tpu.vector_store %arg7[%swap3A_1032, %swap3A_1033], %add3A_994 {strides = array<i32>} : memref<9x512xf32, #tpu.memory_space<vmem>>, vector<16xf32>,
      %swap3A_1035 = arith.constant 4 : i32
      %swap3A_1036 = arith.index_cast %swap3A_1035 : i32 to index
      %swap3A_1037 = arith.index_cast %multiple_of3A : i32 to index
      %swap3A_1038 = tpu.vector_load %arg7[%swap3A_1036, %swap3A_1037] {strides = array<i32>} : memref<9x512xf32, #tpu.memory_space<vmem>>, vector<16xf32>,
      tpu.vector_store %arg7[%swap3A_1036, %swap3A_1037], %add3A_999 {strides = array<i32>} : memref<9x512xf32, #tpu.memory_space<vmem>>, vector<16xf32>,
      %swap3A_1039 = arith.constant 5 : i32
      %swap3A_1040 = arith.index_cast %swap3A_1039 : i32 to index
      %swap3A_1041 = arith.index_cast %multiple_of3A : i32 to index
      %swap3A_1042 = tpu.vector_load %arg7[%swap3A_1040, %swap3A_1041] {strides = array<i32>} : memref<9x512xf32, #tpu.memory_space<vmem>>, vector<16xf32>,
      tpu.vector_store %arg7[%swap3A_1040, %swap3A_1041], %add3A_1004 {strides = array<i32>} : memref<9x512xf32, #tpu.memory_space<vmem>>, vector<16xf32>,
      %swap3A_1043 = arith.constant 6 : i32
      %swap3A_1044 = arith.index_cast %swap3A_1043 : i32 to index
      %swap3A_1045 = arith.index_cast %multiple_of3A : i32 to index
      %swap3A_1046 = tpu.vector_load %arg7[%swap3A_1044, %swap3A_1045] {strides = array<i32>} : memref<9x512xf32, #tpu.memory_space<vmem>>, vector<16xf32>,
      tpu.vector_store %arg7[%swap3A_1044, %swap3A_1045], %add3A_1009 {strides = array<i32>} : memref<9x512xf32, #tpu.memory_space<vmem>>, vector<16xf32>,
      %swap3A_1047 = arith.constant 7 : i32
      %swap3A_1048 = arith.index_cast %swap3A_1047 : i32 to index
      %swap3A_1049 = arith.index_cast %multiple_of3A : i32 to index
      %swap3A_1050 = tpu.vector_load %arg7[%swap3A_1048, %swap3A_1049] {strides = array<i32>} : memref<9x512xf32, #tpu.memory_space<vmem>>, vector<16xf32>,
      tpu.vector_store %arg7[%swap3A_1048, %swap3A_1049], %add3A_1014 {strides = array<i32>} : memref<9x512xf32, #tpu.memory_space<vmem>>, vector<16xf32>,
      %swap3A_1051 = arith.constant 8 : i32
      %swap3A_1052 = arith.index_cast %swap3A_1051 : i32 to index
      %swap3A_1053 = arith.index_cast %multiple_of3A : i32 to index
      %swap3A_1054 = tpu.vector_load %arg7[%swap3A_1052, %swap3A_1053] {strides = array<i32>} : memref<9x512xf32, #tpu.memory_space<vmem>>, vector<16xf32>,
      tpu.vector_store %arg7[%swap3A_1052, %swap3A_1053], %add3A_1019 {strides = array<i32>} : memref<9x512xf32, #tpu.memory_space<vmem>>, vector<16xf32>,
    }
    %scan3A_21 = arith.constant 32 : i32
    "tpu.region"() ({
      %run_scoped3A = tpu.sem_alloc : memref<!tpu.dma_semaphore, #tpu.memory_space<semaphore_mem>>
      %dma_start3A = arith.constant 0 : i32
      %dma_start3A_22 = arith.constant 0 : i32
      %dma_start3A_23 = tpu.memref_slice %arg4[%add3A, %dma_start3A, %dma_start3A_22] : memref<32x9x512xf32, #tpu.memory_space<hbm>> -> memref<1x9x512xf32, #tpu.memory_space<hbm>>
      %dma_start3A_24 = tpu.memref_squeeze %dma_start3A_23 : memref<1x9x512xf32, #tpu.memory_space<hbm>> -> memref<9x512xf32, #tpu.memory_space<hbm>>
      %dma_start3A_25 = arith.constant 0 : i32
      %dma_start3A_26 = arith.constant 0 : i32
      %dma_start3A_27 = tpu.memref_slice %arg4[%add3A, %dma_start3A_25, %dma_start3A_26] : memref<32x9x512xf32, #tpu.memory_space<hbm>> -> memref<1x9x512xf32, #tpu.memory_space<hbm>>
      %dma_start3A_28 = tpu.memref_squeeze %dma_start3A_27 : memref<1x9x512xf32, #tpu.memory_space<hbm>> -> memref<9x512xf32, #tpu.memory_space<hbm>>
      tpu.enqueue_dma source(%arg7 : memref<9x512xf32, #tpu.memory_space<vmem>>) target(%dma_start3A_28 : memref<9x512xf32, #tpu.memory_space<hbm>>) target_semaphore(%run_scoped3A : memref<!tpu.dma_semaphore, #tpu.memory_space<semaphore_mem>>)
      %dma_wait3A = arith.constant 0 : i32
      %dma_wait3A_29 = arith.constant 0 : i32
      %dma_wait3A_30 = tpu.memref_slice %arg4[%add3A, %dma_wait3A, %dma_wait3A_29] : memref<32x9x512xf32, #tpu.memory_space<hbm>> -> memref<1x9x512xf32, #tpu.memory_space<hbm>>
      %dma_wait3A_31 = tpu.memref_squeeze %dma_wait3A_30 : memref<1x9x512xf32, #tpu.memory_space<hbm>> -> memref<9x512xf32, #tpu.memory_space<hbm>>
      %dma_wait3A_32 = arith.constant 0 : i32
      %dma_wait3A_33 = arith.constant 0 : i32
      %dma_wait3A_34 = tpu.memref_slice %arg4[%add3A, %dma_wait3A_32, %dma_wait3A_33] : memref<32x9x512xf32, #tpu.memory_space<hbm>> -> memref<1x9x512xf32, #tpu.memory_space<hbm>>
      %dma_wait3A_35 = tpu.memref_squeeze %dma_wait3A_34 : memref<1x9x512xf32, #tpu.memory_space<hbm>> -> memref<9x512xf32, #tpu.memory_space<hbm>>
      tpu.wait_dma2 semaphore(%run_scoped3A : memref<!tpu.dma_semaphore, #tpu.memory_space<semaphore_mem>>) src(%arg7 : memref<9x512xf32, #tpu.memory_space<vmem>>) dst(%dma_wait3A_35 : memref<9x512xf32, #tpu.memory_space<hbm>>)
      tpu.yield
    }) : () -> ()
    return
  }
}

module attributes {stable_mosaic.version = 14 : i64} {
  func.func @_knn_kernel(%arg0: i32, %arg1: i32, %arg2: memref<1x512x3xf32, #tpu.memory_space<vmem>>, %arg3: memref<1x3x2048xf32, #tpu.memory_space<vmem>>, %arg4: memref<1x512x1xf32, #tpu.memory_space<vmem>>, %arg5: memref<1x512x20xi32, #tpu.memory_space<vmem>>) attributes {dimension_semantics = [#tpu.dimension_semantics<parallel>, #tpu.dimension_semantics<arbitrary>], iteration_bounds = array<i64: 8, 4>, scalar_prefetch = 0 : i64, scratch_operands = 0 : i64, tpu.core_type = #tpu.core_type<tc>, window_params = [{transform_indices = @transform_0, window_bounds = array<i64: 1, 512, 3>}, {transform_indices = @transform_1, window_bounds = array<i64: 1, 3, 2048>}, {transform_indices = @transform_2, window_bounds = array<i64: 1, 512, 1>}, {transform_indices = @transform_3, window_bounds = array<i64: 1, 512, 20>}]} {
    %get3A = arith.constant 0 : index
    %get3A_0 = arith.constant 0 : index
    %get3A_1 = arith.constant 0 : index
    %get3A_2 = vector.load %arg2[%get3A, %get3A_0, %get3A_1] : memref<1x512x3xf32, #tpu.memory_space<vmem>>, vector<1x512x3xf32>
    %get3A_3 = vector.shape_cast %get3A_2 : vector<1x512x3xf32> to vector<512x3xf32>
    %get3A_4 = arith.constant 0 : index
    %get3A_5 = arith.constant 0 : index
    %get3A_6 = arith.constant 0 : index
    %get3A_7 = vector.load %arg3[%get3A_4, %get3A_5, %get3A_6] : memref<1x3x2048xf32, #tpu.memory_space<vmem>>, vector<1x3x2048xf32>
    %get3A_8 = vector.shape_cast %get3A_7 : vector<1x3x2048xf32> to vector<3x2048xf32>
    %mul3A = arith.mulf %get3A_3, %get3A_3 : vector<512x3xf32>
    %reduce_sum3A = arith.constant dense<0.000000e+00> : vector<512xf32>
    %reduce_sum3A_9 = vector.multi_reduction <add>, %mul3A, %reduce_sum3A [1] : vector<512x3xf32> to vector<512xf32>
    %broadcast_in_dim3A = vector.shape_cast %reduce_sum3A_9 : vector<512xf32> to vector<512x1xf32>
    %mul3A_10 = arith.mulf %get3A_8, %get3A_8 : vector<3x2048xf32>
    %reduce_sum3A_11 = arith.constant dense<0.000000e+00> : vector<2048xf32>
    %reduce_sum3A_12 = vector.multi_reduction <add>, %mul3A_10, %reduce_sum3A_11 [0] : vector<3x2048xf32> to vector<2048xf32>
    %broadcast_in_dim3A_13 = vector.shape_cast %reduce_sum3A_12 : vector<2048xf32> to vector<1x2048xf32>
    %convert_element_type3A = arith.truncf %get3A_3 : vector<512x3xf32> to vector<512x3xbf16>
    %convert_element_type3A_14 = arith.truncf %get3A_8 : vector<3x2048xf32> to vector<3x2048xbf16>
    %dot_general3A = arith.constant dense<0.000000e+00> : vector<512x2048xf32>
    %dot_general3A_15 = tpu.matmul %convert_element_type3A, %convert_element_type3A_14, %dot_general3A {dimension_numbers = #tpu.dot_dimension_numbers<[1], [0], [0], [1], [0, 0, 1, 1], [], []>, transpose_lhs_hint = false} : vector<512x3xbf16>, vector<3x2048xbf16>, vector<512x2048xf32> -> vector<512x2048xf32>
    %add3A = vector.broadcast %broadcast_in_dim3A : vector<512x1xf32> to vector<512x2048xf32>
    %add3A_16 = vector.broadcast %broadcast_in_dim3A_13 : vector<1x2048xf32> to vector<512x2048xf32>
    %add3A_17 = arith.addf %add3A, %add3A_16 : vector<512x2048xf32>
    %mul3A_18 = arith.constant 2.000000e+00 : f32
    %mul3A_19 = vector.broadcast %mul3A_18 : f32 to vector<512x2048xf32>
    %mul3A_20 = arith.mulf %mul3A_19, %dot_general3A_15 : vector<512x2048xf32>
    %sub3A = arith.subf %add3A_17, %mul3A_20 : vector<512x2048xf32>
    %max3A = arith.constant 0.000000e+00 : f32
    %max3A_21 = vector.broadcast %max3A : f32 to vector<512x2048xf32>
    %max3A_22 = arith.maximumf %sub3A, %max3A_21 : vector<512x2048xf32>
    %iota3A = tpu.iota {dimensions = array<i32: 1>} : vector<512x2048xi32>
    %bitcast_convert_type3A = tpu.bitcast %max3A_22 : vector<512x2048xf32> -> vector<512x2048xi32>
    %and3A = arith.constant -2048 : i32
    %and3A_23 = vector.broadcast %and3A : i32 to vector<512x2048xi32>
    %and3A_24 = arith.andi %bitcast_convert_type3A, %and3A_23 : vector<512x2048xi32>
    %or3A = arith.ori %and3A_24, %iota3A : vector<512x2048xi32>
    %bitcast_convert_type3A_25 = tpu.bitcast %or3A : vector<512x2048xi32> -> vector<512x2048xf32>
    %bitcast_convert_type3A_26 = arith.constant 2130706432 : i32
    %bitcast_convert_type3A_27 = arith.bitcast %bitcast_convert_type3A_26 : i32 to f32
    %slice3A = vector.extract_strided_slice %bitcast_convert_type3A_25 {offsets = [0, 0], sizes = [512, 1024], strides = [1, 1]} : vector<512x2048xf32> to vector<512x1024xf32>
    %slice3A_28 = vector.extract_strided_slice %bitcast_convert_type3A_25 {offsets = [0, 1024], sizes = [512, 1024], strides = [1, 1]} : vector<512x2048xf32> to vector<512x1024xf32>
    %min3A = arith.minimumf %slice3A, %slice3A_28 : vector<512x1024xf32>
    %max3A_29 = arith.maximumf %slice3A, %slice3A_28 : vector<512x1024xf32>
    %broadcast_in_dim3A_30 = arith.constant 0.000000e+00 : f32
    %broadcast_in_dim3A_31 = vector.broadcast %broadcast_in_dim3A_30 : f32 to vector<512x1xf32>
    %reduce_min3A = arith.constant dense<0x7F800000> : vector<512xf32>
    %reduce_min3A_32 = vector.multi_reduction <minimumf>, %min3A, %reduce_min3A [1] : vector<512x1024xf32> to vector<512xf32>
    %broadcast_in_dim3A_33 = vector.shape_cast %reduce_min3A_32 : vector<512xf32> to vector<512x1xf32>
    %eq3A = vector.broadcast %broadcast_in_dim3A_33 : vector<512x1xf32> to vector<512x1024xf32>
    %eq3A_34 = arith.cmpf oeq, %min3A, %eq3A : vector<512x1024xf32>
    %select_n3A = arith.select %eq3A_34, %max3A_29, %min3A : vector<512x1024xi1>, vector<512x1024xf32>
    %broadcast_in_dim3A_35 = vector.broadcast %bitcast_convert_type3A_27 : f32 to vector<512x1024xf32>
    %select_n3A_36 = arith.select %eq3A_34, %broadcast_in_dim3A_35, %max3A_29 : vector<512x1024xi1>, vector<512x1024xf32>
    %reduce_min3A_37 = arith.constant dense<0x7F800000> : vector<512xf32>
    %reduce_min3A_38 = vector.multi_reduction <minimumf>, %select_n3A, %reduce_min3A_37 [1] : vector<512x1024xf32> to vector<512xf32>
    %broadcast_in_dim3A_39 = vector.shape_cast %reduce_min3A_38 : vector<512xf32> to vector<512x1xf32>
    %sqrt3A = math.sqrt %broadcast_in_dim3A_39 : vector<512x1xf32>
    %add3A_40 = arith.addf %broadcast_in_dim3A_31, %sqrt3A : vector<512x1xf32>
    %bitcast_convert_type3A_41 = tpu.bitcast %broadcast_in_dim3A_39 : vector<512x1xf32> -> vector<512x1xi32>
    %and3A_42 = arith.constant 2047 : i32
    %and3A_43 = vector.broadcast %and3A_42 : i32 to vector<512x1xi32>
    %and3A_44 = arith.andi %bitcast_convert_type3A_41, %and3A_43 : vector<512x1xi32>
    %eq3A_45 = vector.broadcast %broadcast_in_dim3A_39 : vector<512x1xf32> to vector<512x1024xf32>
    %eq3A_46 = arith.cmpf oeq, %select_n3A, %eq3A_45 : vector<512x1024xf32>
    %select_n3A_47 = arith.select %eq3A_46, %select_n3A_36, %select_n3A : vector<512x1024xi1>, vector<512x1024xf32>
    %broadcast_in_dim3A_48 = vector.broadcast %bitcast_convert_type3A_27 : f32 to vector<512x1024xf32>
    %select_n3A_49 = arith.select %eq3A_46, %broadcast_in_dim3A_48, %select_n3A_36 : vector<512x1024xi1>, vector<512x1024xf32>
    %reduce_min3A_50 = arith.constant dense<0x7F800000> : vector<512xf32>
    %reduce_min3A_51 = vector.multi_reduction <minimumf>, %select_n3A_47, %reduce_min3A_50 [1] : vector<512x1024xf32> to vector<512xf32>
    %broadcast_in_dim3A_52 = vector.shape_cast %reduce_min3A_51 : vector<512xf32> to vector<512x1xf32>
    %sqrt3A_53 = math.sqrt %broadcast_in_dim3A_52 : vector<512x1xf32>
    %add3A_54 = arith.addf %add3A_40, %sqrt3A_53 : vector<512x1xf32>
    %bitcast_convert_type3A_55 = tpu.bitcast %broadcast_in_dim3A_52 : vector<512x1xf32> -> vector<512x1xi32>
    %and3A_56 = arith.constant 2047 : i32
    %and3A_57 = vector.broadcast %and3A_56 : i32 to vector<512x1xi32>
    %and3A_58 = arith.andi %bitcast_convert_type3A_55, %and3A_57 : vector<512x1xi32>
    %eq3A_59 = vector.broadcast %broadcast_in_dim3A_52 : vector<512x1xf32> to vector<512x1024xf32>
    %eq3A_60 = arith.cmpf oeq, %select_n3A_47, %eq3A_59 : vector<512x1024xf32>
    %select_n3A_61 = arith.select %eq3A_60, %select_n3A_49, %select_n3A_47 : vector<512x1024xi1>, vector<512x1024xf32>
    %broadcast_in_dim3A_62 = vector.broadcast %bitcast_convert_type3A_27 : f32 to vector<512x1024xf32>
    %select_n3A_63 = arith.select %eq3A_60, %broadcast_in_dim3A_62, %select_n3A_49 : vector<512x1024xi1>, vector<512x1024xf32>
    %reduce_min3A_64 = arith.constant dense<0x7F800000> : vector<512xf32>
    %reduce_min3A_65 = vector.multi_reduction <minimumf>, %select_n3A_61, %reduce_min3A_64 [1] : vector<512x1024xf32> to vector<512xf32>
    %broadcast_in_dim3A_66 = vector.shape_cast %reduce_min3A_65 : vector<512xf32> to vector<512x1xf32>
    %sqrt3A_67 = math.sqrt %broadcast_in_dim3A_66 : vector<512x1xf32>
    %add3A_68 = arith.addf %add3A_54, %sqrt3A_67 : vector<512x1xf32>
    %bitcast_convert_type3A_69 = tpu.bitcast %broadcast_in_dim3A_66 : vector<512x1xf32> -> vector<512x1xi32>
    %and3A_70 = arith.constant 2047 : i32
    %and3A_71 = vector.broadcast %and3A_70 : i32 to vector<512x1xi32>
    %and3A_72 = arith.andi %bitcast_convert_type3A_69, %and3A_71 : vector<512x1xi32>
    %eq3A_73 = vector.broadcast %broadcast_in_dim3A_66 : vector<512x1xf32> to vector<512x1024xf32>
    %eq3A_74 = arith.cmpf oeq, %select_n3A_61, %eq3A_73 : vector<512x1024xf32>
    %select_n3A_75 = arith.select %eq3A_74, %select_n3A_63, %select_n3A_61 : vector<512x1024xi1>, vector<512x1024xf32>
    %broadcast_in_dim3A_76 = vector.broadcast %bitcast_convert_type3A_27 : f32 to vector<512x1024xf32>
    %select_n3A_77 = arith.select %eq3A_74, %broadcast_in_dim3A_76, %select_n3A_63 : vector<512x1024xi1>, vector<512x1024xf32>
    %reduce_min3A_78 = arith.constant dense<0x7F800000> : vector<512xf32>
    %reduce_min3A_79 = vector.multi_reduction <minimumf>, %select_n3A_75, %reduce_min3A_78 [1] : vector<512x1024xf32> to vector<512xf32>
    %broadcast_in_dim3A_80 = vector.shape_cast %reduce_min3A_79 : vector<512xf32> to vector<512x1xf32>
    %sqrt3A_81 = math.sqrt %broadcast_in_dim3A_80 : vector<512x1xf32>
    %add3A_82 = arith.addf %add3A_68, %sqrt3A_81 : vector<512x1xf32>
    %bitcast_convert_type3A_83 = tpu.bitcast %broadcast_in_dim3A_80 : vector<512x1xf32> -> vector<512x1xi32>
    %and3A_84 = arith.constant 2047 : i32
    %and3A_85 = vector.broadcast %and3A_84 : i32 to vector<512x1xi32>
    %and3A_86 = arith.andi %bitcast_convert_type3A_83, %and3A_85 : vector<512x1xi32>
    %eq3A_87 = vector.broadcast %broadcast_in_dim3A_80 : vector<512x1xf32> to vector<512x1024xf32>
    %eq3A_88 = arith.cmpf oeq, %select_n3A_75, %eq3A_87 : vector<512x1024xf32>
    %select_n3A_89 = arith.select %eq3A_88, %select_n3A_77, %select_n3A_75 : vector<512x1024xi1>, vector<512x1024xf32>
    %broadcast_in_dim3A_90 = vector.broadcast %bitcast_convert_type3A_27 : f32 to vector<512x1024xf32>
    %select_n3A_91 = arith.select %eq3A_88, %broadcast_in_dim3A_90, %select_n3A_77 : vector<512x1024xi1>, vector<512x1024xf32>
    %reduce_min3A_92 = arith.constant dense<0x7F800000> : vector<512xf32>
    %reduce_min3A_93 = vector.multi_reduction <minimumf>, %select_n3A_89, %reduce_min3A_92 [1] : vector<512x1024xf32> to vector<512xf32>
    %broadcast_in_dim3A_94 = vector.shape_cast %reduce_min3A_93 : vector<512xf32> to vector<512x1xf32>
    %sqrt3A_95 = math.sqrt %broadcast_in_dim3A_94 : vector<512x1xf32>
    %add3A_96 = arith.addf %add3A_82, %sqrt3A_95 : vector<512x1xf32>
    %bitcast_convert_type3A_97 = tpu.bitcast %broadcast_in_dim3A_94 : vector<512x1xf32> -> vector<512x1xi32>
    %and3A_98 = arith.constant 2047 : i32
    %and3A_99 = vector.broadcast %and3A_98 : i32 to vector<512x1xi32>
    %and3A_100 = arith.andi %bitcast_convert_type3A_97, %and3A_99 : vector<512x1xi32>
    %eq3A_101 = vector.broadcast %broadcast_in_dim3A_94 : vector<512x1xf32> to vector<512x1024xf32>
    %eq3A_102 = arith.cmpf oeq, %select_n3A_89, %eq3A_101 : vector<512x1024xf32>
    %select_n3A_103 = arith.select %eq3A_102, %select_n3A_91, %select_n3A_89 : vector<512x1024xi1>, vector<512x1024xf32>
    %broadcast_in_dim3A_104 = vector.broadcast %bitcast_convert_type3A_27 : f32 to vector<512x1024xf32>
    %select_n3A_105 = arith.select %eq3A_102, %broadcast_in_dim3A_104, %select_n3A_91 : vector<512x1024xi1>, vector<512x1024xf32>
    %reduce_min3A_106 = arith.constant dense<0x7F800000> : vector<512xf32>
    %reduce_min3A_107 = vector.multi_reduction <minimumf>, %select_n3A_103, %reduce_min3A_106 [1] : vector<512x1024xf32> to vector<512xf32>
    %broadcast_in_dim3A_108 = vector.shape_cast %reduce_min3A_107 : vector<512xf32> to vector<512x1xf32>
    %sqrt3A_109 = math.sqrt %broadcast_in_dim3A_108 : vector<512x1xf32>
    %add3A_110 = arith.addf %add3A_96, %sqrt3A_109 : vector<512x1xf32>
    %bitcast_convert_type3A_111 = tpu.bitcast %broadcast_in_dim3A_108 : vector<512x1xf32> -> vector<512x1xi32>
    %and3A_112 = arith.constant 2047 : i32
    %and3A_113 = vector.broadcast %and3A_112 : i32 to vector<512x1xi32>
    %and3A_114 = arith.andi %bitcast_convert_type3A_111, %and3A_113 : vector<512x1xi32>
    %eq3A_115 = vector.broadcast %broadcast_in_dim3A_108 : vector<512x1xf32> to vector<512x1024xf32>
    %eq3A_116 = arith.cmpf oeq, %select_n3A_103, %eq3A_115 : vector<512x1024xf32>
    %select_n3A_117 = arith.select %eq3A_116, %select_n3A_105, %select_n3A_103 : vector<512x1024xi1>, vector<512x1024xf32>
    %broadcast_in_dim3A_118 = vector.broadcast %bitcast_convert_type3A_27 : f32 to vector<512x1024xf32>
    %select_n3A_119 = arith.select %eq3A_116, %broadcast_in_dim3A_118, %select_n3A_105 : vector<512x1024xi1>, vector<512x1024xf32>
    %reduce_min3A_120 = arith.constant dense<0x7F800000> : vector<512xf32>
    %reduce_min3A_121 = vector.multi_reduction <minimumf>, %select_n3A_117, %reduce_min3A_120 [1] : vector<512x1024xf32> to vector<512xf32>
    %broadcast_in_dim3A_122 = vector.shape_cast %reduce_min3A_121 : vector<512xf32> to vector<512x1xf32>
    %sqrt3A_123 = math.sqrt %broadcast_in_dim3A_122 : vector<512x1xf32>
    %add3A_124 = arith.addf %add3A_110, %sqrt3A_123 : vector<512x1xf32>
    %bitcast_convert_type3A_125 = tpu.bitcast %broadcast_in_dim3A_122 : vector<512x1xf32> -> vector<512x1xi32>
    %and3A_126 = arith.constant 2047 : i32
    %and3A_127 = vector.broadcast %and3A_126 : i32 to vector<512x1xi32>
    %and3A_128 = arith.andi %bitcast_convert_type3A_125, %and3A_127 : vector<512x1xi32>
    %eq3A_129 = vector.broadcast %broadcast_in_dim3A_122 : vector<512x1xf32> to vector<512x1024xf32>
    %eq3A_130 = arith.cmpf oeq, %select_n3A_117, %eq3A_129 : vector<512x1024xf32>
    %select_n3A_131 = arith.select %eq3A_130, %select_n3A_119, %select_n3A_117 : vector<512x1024xi1>, vector<512x1024xf32>
    %broadcast_in_dim3A_132 = vector.broadcast %bitcast_convert_type3A_27 : f32 to vector<512x1024xf32>
    %select_n3A_133 = arith.select %eq3A_130, %broadcast_in_dim3A_132, %select_n3A_119 : vector<512x1024xi1>, vector<512x1024xf32>
    %reduce_min3A_134 = arith.constant dense<0x7F800000> : vector<512xf32>
    %reduce_min3A_135 = vector.multi_reduction <minimumf>, %select_n3A_131, %reduce_min3A_134 [1] : vector<512x1024xf32> to vector<512xf32>
    %broadcast_in_dim3A_136 = vector.shape_cast %reduce_min3A_135 : vector<512xf32> to vector<512x1xf32>
    %sqrt3A_137 = math.sqrt %broadcast_in_dim3A_136 : vector<512x1xf32>
    %add3A_138 = arith.addf %add3A_124, %sqrt3A_137 : vector<512x1xf32>
    %bitcast_convert_type3A_139 = tpu.bitcast %broadcast_in_dim3A_136 : vector<512x1xf32> -> vector<512x1xi32>
    %and3A_140 = arith.constant 2047 : i32
    %and3A_141 = vector.broadcast %and3A_140 : i32 to vector<512x1xi32>
    %and3A_142 = arith.andi %bitcast_convert_type3A_139, %and3A_141 : vector<512x1xi32>
    %eq3A_143 = vector.broadcast %broadcast_in_dim3A_136 : vector<512x1xf32> to vector<512x1024xf32>
    %eq3A_144 = arith.cmpf oeq, %select_n3A_131, %eq3A_143 : vector<512x1024xf32>
    %select_n3A_145 = arith.select %eq3A_144, %select_n3A_133, %select_n3A_131 : vector<512x1024xi1>, vector<512x1024xf32>
    %broadcast_in_dim3A_146 = vector.broadcast %bitcast_convert_type3A_27 : f32 to vector<512x1024xf32>
    %select_n3A_147 = arith.select %eq3A_144, %broadcast_in_dim3A_146, %select_n3A_133 : vector<512x1024xi1>, vector<512x1024xf32>
    %reduce_min3A_148 = arith.constant dense<0x7F800000> : vector<512xf32>
    %reduce_min3A_149 = vector.multi_reduction <minimumf>, %select_n3A_145, %reduce_min3A_148 [1] : vector<512x1024xf32> to vector<512xf32>
    %broadcast_in_dim3A_150 = vector.shape_cast %reduce_min3A_149 : vector<512xf32> to vector<512x1xf32>
    %sqrt3A_151 = math.sqrt %broadcast_in_dim3A_150 : vector<512x1xf32>
    %add3A_152 = arith.addf %add3A_138, %sqrt3A_151 : vector<512x1xf32>
    %bitcast_convert_type3A_153 = tpu.bitcast %broadcast_in_dim3A_150 : vector<512x1xf32> -> vector<512x1xi32>
    %and3A_154 = arith.constant 2047 : i32
    %and3A_155 = vector.broadcast %and3A_154 : i32 to vector<512x1xi32>
    %and3A_156 = arith.andi %bitcast_convert_type3A_153, %and3A_155 : vector<512x1xi32>
    %eq3A_157 = vector.broadcast %broadcast_in_dim3A_150 : vector<512x1xf32> to vector<512x1024xf32>
    %eq3A_158 = arith.cmpf oeq, %select_n3A_145, %eq3A_157 : vector<512x1024xf32>
    %select_n3A_159 = arith.select %eq3A_158, %select_n3A_147, %select_n3A_145 : vector<512x1024xi1>, vector<512x1024xf32>
    %broadcast_in_dim3A_160 = vector.broadcast %bitcast_convert_type3A_27 : f32 to vector<512x1024xf32>
    %select_n3A_161 = arith.select %eq3A_158, %broadcast_in_dim3A_160, %select_n3A_147 : vector<512x1024xi1>, vector<512x1024xf32>
    %reduce_min3A_162 = arith.constant dense<0x7F800000> : vector<512xf32>
    %reduce_min3A_163 = vector.multi_reduction <minimumf>, %select_n3A_159, %reduce_min3A_162 [1] : vector<512x1024xf32> to vector<512xf32>
    %broadcast_in_dim3A_164 = vector.shape_cast %reduce_min3A_163 : vector<512xf32> to vector<512x1xf32>
    %sqrt3A_165 = math.sqrt %broadcast_in_dim3A_164 : vector<512x1xf32>
    %add3A_166 = arith.addf %add3A_152, %sqrt3A_165 : vector<512x1xf32>
    %bitcast_convert_type3A_167 = tpu.bitcast %broadcast_in_dim3A_164 : vector<512x1xf32> -> vector<512x1xi32>
    %and3A_168 = arith.constant 2047 : i32
    %and3A_169 = vector.broadcast %and3A_168 : i32 to vector<512x1xi32>
    %and3A_170 = arith.andi %bitcast_convert_type3A_167, %and3A_169 : vector<512x1xi32>
    %eq3A_171 = vector.broadcast %broadcast_in_dim3A_164 : vector<512x1xf32> to vector<512x1024xf32>
    %eq3A_172 = arith.cmpf oeq, %select_n3A_159, %eq3A_171 : vector<512x1024xf32>
    %select_n3A_173 = arith.select %eq3A_172, %select_n3A_161, %select_n3A_159 : vector<512x1024xi1>, vector<512x1024xf32>
    %broadcast_in_dim3A_174 = vector.broadcast %bitcast_convert_type3A_27 : f32 to vector<512x1024xf32>
    %select_n3A_175 = arith.select %eq3A_172, %broadcast_in_dim3A_174, %select_n3A_161 : vector<512x1024xi1>, vector<512x1024xf32>
    %reduce_min3A_176 = arith.constant dense<0x7F800000> : vector<512xf32>
    %reduce_min3A_177 = vector.multi_reduction <minimumf>, %select_n3A_173, %reduce_min3A_176 [1] : vector<512x1024xf32> to vector<512xf32>
    %broadcast_in_dim3A_178 = vector.shape_cast %reduce_min3A_177 : vector<512xf32> to vector<512x1xf32>
    %sqrt3A_179 = math.sqrt %broadcast_in_dim3A_178 : vector<512x1xf32>
    %add3A_180 = arith.addf %add3A_166, %sqrt3A_179 : vector<512x1xf32>
    %bitcast_convert_type3A_181 = tpu.bitcast %broadcast_in_dim3A_178 : vector<512x1xf32> -> vector<512x1xi32>
    %and3A_182 = arith.constant 2047 : i32
    %and3A_183 = vector.broadcast %and3A_182 : i32 to vector<512x1xi32>
    %and3A_184 = arith.andi %bitcast_convert_type3A_181, %and3A_183 : vector<512x1xi32>
    %eq3A_185 = vector.broadcast %broadcast_in_dim3A_178 : vector<512x1xf32> to vector<512x1024xf32>
    %eq3A_186 = arith.cmpf oeq, %select_n3A_173, %eq3A_185 : vector<512x1024xf32>
    %select_n3A_187 = arith.select %eq3A_186, %select_n3A_175, %select_n3A_173 : vector<512x1024xi1>, vector<512x1024xf32>
    %broadcast_in_dim3A_188 = vector.broadcast %bitcast_convert_type3A_27 : f32 to vector<512x1024xf32>
    %select_n3A_189 = arith.select %eq3A_186, %broadcast_in_dim3A_188, %select_n3A_175 : vector<512x1024xi1>, vector<512x1024xf32>
    %reduce_min3A_190 = arith.constant dense<0x7F800000> : vector<512xf32>
    %reduce_min3A_191 = vector.multi_reduction <minimumf>, %select_n3A_187, %reduce_min3A_190 [1] : vector<512x1024xf32> to vector<512xf32>
    %broadcast_in_dim3A_192 = vector.shape_cast %reduce_min3A_191 : vector<512xf32> to vector<512x1xf32>
    %sqrt3A_193 = math.sqrt %broadcast_in_dim3A_192 : vector<512x1xf32>
    %add3A_194 = arith.addf %add3A_180, %sqrt3A_193 : vector<512x1xf32>
    %bitcast_convert_type3A_195 = tpu.bitcast %broadcast_in_dim3A_192 : vector<512x1xf32> -> vector<512x1xi32>
    %and3A_196 = arith.constant 2047 : i32
    %and3A_197 = vector.broadcast %and3A_196 : i32 to vector<512x1xi32>
    %and3A_198 = arith.andi %bitcast_convert_type3A_195, %and3A_197 : vector<512x1xi32>
    %eq3A_199 = vector.broadcast %broadcast_in_dim3A_192 : vector<512x1xf32> to vector<512x1024xf32>
    %eq3A_200 = arith.cmpf oeq, %select_n3A_187, %eq3A_199 : vector<512x1024xf32>
    %select_n3A_201 = arith.select %eq3A_200, %select_n3A_189, %select_n3A_187 : vector<512x1024xi1>, vector<512x1024xf32>
    %broadcast_in_dim3A_202 = vector.broadcast %bitcast_convert_type3A_27 : f32 to vector<512x1024xf32>
    %select_n3A_203 = arith.select %eq3A_200, %broadcast_in_dim3A_202, %select_n3A_189 : vector<512x1024xi1>, vector<512x1024xf32>
    %reduce_min3A_204 = arith.constant dense<0x7F800000> : vector<512xf32>
    %reduce_min3A_205 = vector.multi_reduction <minimumf>, %select_n3A_201, %reduce_min3A_204 [1] : vector<512x1024xf32> to vector<512xf32>
    %broadcast_in_dim3A_206 = vector.shape_cast %reduce_min3A_205 : vector<512xf32> to vector<512x1xf32>
    %sqrt3A_207 = math.sqrt %broadcast_in_dim3A_206 : vector<512x1xf32>
    %add3A_208 = arith.addf %add3A_194, %sqrt3A_207 : vector<512x1xf32>
    %bitcast_convert_type3A_209 = tpu.bitcast %broadcast_in_dim3A_206 : vector<512x1xf32> -> vector<512x1xi32>
    %and3A_210 = arith.constant 2047 : i32
    %and3A_211 = vector.broadcast %and3A_210 : i32 to vector<512x1xi32>
    %and3A_212 = arith.andi %bitcast_convert_type3A_209, %and3A_211 : vector<512x1xi32>
    %eq3A_213 = vector.broadcast %broadcast_in_dim3A_206 : vector<512x1xf32> to vector<512x1024xf32>
    %eq3A_214 = arith.cmpf oeq, %select_n3A_201, %eq3A_213 : vector<512x1024xf32>
    %select_n3A_215 = arith.select %eq3A_214, %select_n3A_203, %select_n3A_201 : vector<512x1024xi1>, vector<512x1024xf32>
    %broadcast_in_dim3A_216 = vector.broadcast %bitcast_convert_type3A_27 : f32 to vector<512x1024xf32>
    %select_n3A_217 = arith.select %eq3A_214, %broadcast_in_dim3A_216, %select_n3A_203 : vector<512x1024xi1>, vector<512x1024xf32>
    %reduce_min3A_218 = arith.constant dense<0x7F800000> : vector<512xf32>
    %reduce_min3A_219 = vector.multi_reduction <minimumf>, %select_n3A_215, %reduce_min3A_218 [1] : vector<512x1024xf32> to vector<512xf32>
    %broadcast_in_dim3A_220 = vector.shape_cast %reduce_min3A_219 : vector<512xf32> to vector<512x1xf32>
    %sqrt3A_221 = math.sqrt %broadcast_in_dim3A_220 : vector<512x1xf32>
    %add3A_222 = arith.addf %add3A_208, %sqrt3A_221 : vector<512x1xf32>
    %bitcast_convert_type3A_223 = tpu.bitcast %broadcast_in_dim3A_220 : vector<512x1xf32> -> vector<512x1xi32>
    %and3A_224 = arith.constant 2047 : i32
    %and3A_225 = vector.broadcast %and3A_224 : i32 to vector<512x1xi32>
    %and3A_226 = arith.andi %bitcast_convert_type3A_223, %and3A_225 : vector<512x1xi32>
    %eq3A_227 = vector.broadcast %broadcast_in_dim3A_220 : vector<512x1xf32> to vector<512x1024xf32>
    %eq3A_228 = arith.cmpf oeq, %select_n3A_215, %eq3A_227 : vector<512x1024xf32>
    %select_n3A_229 = arith.select %eq3A_228, %select_n3A_217, %select_n3A_215 : vector<512x1024xi1>, vector<512x1024xf32>
    %broadcast_in_dim3A_230 = vector.broadcast %bitcast_convert_type3A_27 : f32 to vector<512x1024xf32>
    %select_n3A_231 = arith.select %eq3A_228, %broadcast_in_dim3A_230, %select_n3A_217 : vector<512x1024xi1>, vector<512x1024xf32>
    %reduce_min3A_232 = arith.constant dense<0x7F800000> : vector<512xf32>
    %reduce_min3A_233 = vector.multi_reduction <minimumf>, %select_n3A_229, %reduce_min3A_232 [1] : vector<512x1024xf32> to vector<512xf32>
    %broadcast_in_dim3A_234 = vector.shape_cast %reduce_min3A_233 : vector<512xf32> to vector<512x1xf32>
    %sqrt3A_235 = math.sqrt %broadcast_in_dim3A_234 : vector<512x1xf32>
    %add3A_236 = arith.addf %add3A_222, %sqrt3A_235 : vector<512x1xf32>
    %bitcast_convert_type3A_237 = tpu.bitcast %broadcast_in_dim3A_234 : vector<512x1xf32> -> vector<512x1xi32>
    %and3A_238 = arith.constant 2047 : i32
    %and3A_239 = vector.broadcast %and3A_238 : i32 to vector<512x1xi32>
    %and3A_240 = arith.andi %bitcast_convert_type3A_237, %and3A_239 : vector<512x1xi32>
    %eq3A_241 = vector.broadcast %broadcast_in_dim3A_234 : vector<512x1xf32> to vector<512x1024xf32>
    %eq3A_242 = arith.cmpf oeq, %select_n3A_229, %eq3A_241 : vector<512x1024xf32>
    %select_n3A_243 = arith.select %eq3A_242, %select_n3A_231, %select_n3A_229 : vector<512x1024xi1>, vector<512x1024xf32>
    %broadcast_in_dim3A_244 = vector.broadcast %bitcast_convert_type3A_27 : f32 to vector<512x1024xf32>
    %select_n3A_245 = arith.select %eq3A_242, %broadcast_in_dim3A_244, %select_n3A_231 : vector<512x1024xi1>, vector<512x1024xf32>
    %reduce_min3A_246 = arith.constant dense<0x7F800000> : vector<512xf32>
    %reduce_min3A_247 = vector.multi_reduction <minimumf>, %select_n3A_243, %reduce_min3A_246 [1] : vector<512x1024xf32> to vector<512xf32>
    %broadcast_in_dim3A_248 = vector.shape_cast %reduce_min3A_247 : vector<512xf32> to vector<512x1xf32>
    %sqrt3A_249 = math.sqrt %broadcast_in_dim3A_248 : vector<512x1xf32>
    %add3A_250 = arith.addf %add3A_236, %sqrt3A_249 : vector<512x1xf32>
    %bitcast_convert_type3A_251 = tpu.bitcast %broadcast_in_dim3A_248 : vector<512x1xf32> -> vector<512x1xi32>
    %and3A_252 = arith.constant 2047 : i32
    %and3A_253 = vector.broadcast %and3A_252 : i32 to vector<512x1xi32>
    %and3A_254 = arith.andi %bitcast_convert_type3A_251, %and3A_253 : vector<512x1xi32>
    %eq3A_255 = vector.broadcast %broadcast_in_dim3A_248 : vector<512x1xf32> to vector<512x1024xf32>
    %eq3A_256 = arith.cmpf oeq, %select_n3A_243, %eq3A_255 : vector<512x1024xf32>
    %select_n3A_257 = arith.select %eq3A_256, %select_n3A_245, %select_n3A_243 : vector<512x1024xi1>, vector<512x1024xf32>
    %broadcast_in_dim3A_258 = vector.broadcast %bitcast_convert_type3A_27 : f32 to vector<512x1024xf32>
    %select_n3A_259 = arith.select %eq3A_256, %broadcast_in_dim3A_258, %select_n3A_245 : vector<512x1024xi1>, vector<512x1024xf32>
    %reduce_min3A_260 = arith.constant dense<0x7F800000> : vector<512xf32>
    %reduce_min3A_261 = vector.multi_reduction <minimumf>, %select_n3A_257, %reduce_min3A_260 [1] : vector<512x1024xf32> to vector<512xf32>
    %broadcast_in_dim3A_262 = vector.shape_cast %reduce_min3A_261 : vector<512xf32> to vector<512x1xf32>
    %sqrt3A_263 = math.sqrt %broadcast_in_dim3A_262 : vector<512x1xf32>
    %add3A_264 = arith.addf %add3A_250, %sqrt3A_263 : vector<512x1xf32>
    %bitcast_convert_type3A_265 = tpu.bitcast %broadcast_in_dim3A_262 : vector<512x1xf32> -> vector<512x1xi32>
    %and3A_266 = arith.constant 2047 : i32
    %and3A_267 = vector.broadcast %and3A_266 : i32 to vector<512x1xi32>
    %and3A_268 = arith.andi %bitcast_convert_type3A_265, %and3A_267 : vector<512x1xi32>
    %eq3A_269 = vector.broadcast %broadcast_in_dim3A_262 : vector<512x1xf32> to vector<512x1024xf32>
    %eq3A_270 = arith.cmpf oeq, %select_n3A_257, %eq3A_269 : vector<512x1024xf32>
    %select_n3A_271 = arith.select %eq3A_270, %select_n3A_259, %select_n3A_257 : vector<512x1024xi1>, vector<512x1024xf32>
    %broadcast_in_dim3A_272 = vector.broadcast %bitcast_convert_type3A_27 : f32 to vector<512x1024xf32>
    %select_n3A_273 = arith.select %eq3A_270, %broadcast_in_dim3A_272, %select_n3A_259 : vector<512x1024xi1>, vector<512x1024xf32>
    %reduce_min3A_274 = arith.constant dense<0x7F800000> : vector<512xf32>
    %reduce_min3A_275 = vector.multi_reduction <minimumf>, %select_n3A_271, %reduce_min3A_274 [1] : vector<512x1024xf32> to vector<512xf32>
    %broadcast_in_dim3A_276 = vector.shape_cast %reduce_min3A_275 : vector<512xf32> to vector<512x1xf32>
    %sqrt3A_277 = math.sqrt %broadcast_in_dim3A_276 : vector<512x1xf32>
    %add3A_278 = arith.addf %add3A_264, %sqrt3A_277 : vector<512x1xf32>
    %bitcast_convert_type3A_279 = tpu.bitcast %broadcast_in_dim3A_276 : vector<512x1xf32> -> vector<512x1xi32>
    %and3A_280 = arith.constant 2047 : i32
    %and3A_281 = vector.broadcast %and3A_280 : i32 to vector<512x1xi32>
    %and3A_282 = arith.andi %bitcast_convert_type3A_279, %and3A_281 : vector<512x1xi32>
    %eq3A_283 = vector.broadcast %broadcast_in_dim3A_276 : vector<512x1xf32> to vector<512x1024xf32>
    %eq3A_284 = arith.cmpf oeq, %select_n3A_271, %eq3A_283 : vector<512x1024xf32>
    %select_n3A_285 = arith.select %eq3A_284, %select_n3A_273, %select_n3A_271 : vector<512x1024xi1>, vector<512x1024xf32>
    %broadcast_in_dim3A_286 = vector.broadcast %bitcast_convert_type3A_27 : f32 to vector<512x1024xf32>
    %select_n3A_287 = arith.select %eq3A_284, %broadcast_in_dim3A_286, %select_n3A_273 : vector<512x1024xi1>, vector<512x1024xf32>
    %reduce_min3A_288 = arith.constant dense<0x7F800000> : vector<512xf32>
    %reduce_min3A_289 = vector.multi_reduction <minimumf>, %select_n3A_285, %reduce_min3A_288 [1] : vector<512x1024xf32> to vector<512xf32>
    %broadcast_in_dim3A_290 = vector.shape_cast %reduce_min3A_289 : vector<512xf32> to vector<512x1xf32>
    %sqrt3A_291 = math.sqrt %broadcast_in_dim3A_290 : vector<512x1xf32>
    %add3A_292 = arith.addf %add3A_278, %sqrt3A_291 : vector<512x1xf32>
    %bitcast_convert_type3A_293 = tpu.bitcast %broadcast_in_dim3A_290 : vector<512x1xf32> -> vector<512x1xi32>
    %and3A_294 = arith.constant 2047 : i32
    %and3A_295 = vector.broadcast %and3A_294 : i32 to vector<512x1xi32>
    %and3A_296 = arith.andi %bitcast_convert_type3A_293, %and3A_295 : vector<512x1xi32>
    %eq3A_297 = vector.broadcast %broadcast_in_dim3A_290 : vector<512x1xf32> to vector<512x1024xf32>
    %eq3A_298 = arith.cmpf oeq, %select_n3A_285, %eq3A_297 : vector<512x1024xf32>
    %select_n3A_299 = arith.select %eq3A_298, %select_n3A_287, %select_n3A_285 : vector<512x1024xi1>, vector<512x1024xf32>
    %reduce_min3A_300 = arith.constant dense<0x7F800000> : vector<512xf32>
    %reduce_min3A_301 = vector.multi_reduction <minimumf>, %select_n3A_299, %reduce_min3A_300 [1] : vector<512x1024xf32> to vector<512xf32>
    %broadcast_in_dim3A_302 = vector.shape_cast %reduce_min3A_301 : vector<512xf32> to vector<512x1xf32>
    %sqrt3A_303 = math.sqrt %broadcast_in_dim3A_302 : vector<512x1xf32>
    %add3A_304 = arith.addf %add3A_292, %sqrt3A_303 : vector<512x1xf32>
    %bitcast_convert_type3A_305 = tpu.bitcast %broadcast_in_dim3A_302 : vector<512x1xf32> -> vector<512x1xi32>
    %and3A_306 = arith.constant 2047 : i32
    %and3A_307 = vector.broadcast %and3A_306 : i32 to vector<512x1xi32>
    %and3A_308 = arith.andi %bitcast_convert_type3A_305, %and3A_307 : vector<512x1xi32>
    %swap3A = arith.constant 0 : index
    %swap3A_309 = arith.constant 0 : index
    %swap3A_310 = arith.constant 0 : index
    %swap3A_311 = vector.load %arg4[%swap3A, %swap3A_309, %swap3A_310] : memref<1x512x1xf32, #tpu.memory_space<vmem>>, vector<1x512x1xf32>
    %swap3A_312 = vector.shape_cast %swap3A_311 : vector<1x512x1xf32> to vector<512x1xf32>
    %swap3A_313 = vector.shape_cast %add3A_304 : vector<512x1xf32> to vector<1x512x1xf32>
    tpu.vector_store %arg4[%swap3A, %swap3A_309, %swap3A_310], %swap3A_313 {strides = array<i32>} : memref<1x512x1xf32, #tpu.memory_space<vmem>>, vector<1x512x1xf32>,
    %concatenate3A = tpu.concatenate %and3A_44, %and3A_58, %and3A_72, %and3A_86, %and3A_100, %and3A_114, %and3A_128, %and3A_142, %and3A_156, %and3A_170, %and3A_184, %and3A_198, %and3A_212, %and3A_226, %and3A_240, %and3A_254, %and3A_268, %and3A_282, %and3A_296, %and3A_308 in 1 : vector<512x1xi32>, vector<512x1xi32>, vector<512x1xi32>, vector<512x1xi32>, vector<512x1xi32>, vector<512x1xi32>, vector<512x1xi32>, vector<512x1xi32>, vector<512x1xi32>, vector<512x1xi32>, vector<512x1xi32>, vector<512x1xi32>, vector<512x1xi32>, vector<512x1xi32>, vector<512x1xi32>, vector<512x1xi32>, vector<512x1xi32>, vector<512x1xi32>, vector<512x1xi32>, vector<512x1xi32> -> vector<512x20xi32>
    %swap3A_314 = arith.constant 0 : index
    %swap3A_315 = arith.constant 0 : index
    %swap3A_316 = arith.constant 0 : index
    %swap3A_317 = vector.load %arg5[%swap3A_314, %swap3A_315, %swap3A_316] : memref<1x512x20xi32, #tpu.memory_space<vmem>>, vector<1x512x20xi32>
    %swap3A_318 = vector.shape_cast %swap3A_317 : vector<1x512x20xi32> to vector<512x20xi32>
    %swap3A_319 = vector.shape_cast %concatenate3A : vector<512x20xi32> to vector<1x512x20xi32>
    tpu.vector_store %arg5[%swap3A_314, %swap3A_315, %swap3A_316], %swap3A_319 {strides = array<i32>} : memref<1x512x20xi32, #tpu.memory_space<vmem>>, vector<1x512x20xi32>,
    return
  }
  func.func @transform_0(%arg0: i32, %arg1: i32) -> (i32, i32, i32) {
    %c0_i32 = arith.constant 0 : i32
    %c0_i32_0 = arith.constant 0 : i32
    return %arg0, %arg1, %c0_i32 : i32, i32, i32
  }
  func.func @transform_1(%arg0: i32, %arg1: i32) -> (i32, i32, i32) {
    %c0_i32 = arith.constant 0 : i32
    %c0_i32_0 = arith.constant 0 : i32
    %c0_i32_1 = arith.constant 0 : i32
    return %arg0, %c0_i32, %c0_i32_0 : i32, i32, i32
  }
  func.func @transform_2(%arg0: i32, %arg1: i32) -> (i32, i32, i32) {
    %c0_i32 = arith.constant 0 : i32
    %c0_i32_0 = arith.constant 0 : i32
    return %arg0, %arg1, %c0_i32 : i32, i32, i32
  }
  func.func @transform_3(%arg0: i32, %arg1: i32) -> (i32, i32, i32) {
    %c0_i32 = arith.constant 0 : i32
    %c0_i32_0 = arith.constant 0 : i32
    return %arg0, %arg1, %c0_i32 : i32, i32, i32
  }
}

module attributes {stable_mosaic.version = 14 : i64} {
  func.func @_eig_kernel(%arg0: i32, %arg1: memref<9x2048xf32, #tpu.memory_space<vmem>>, %arg2: memref<1x2048xf32, #tpu.memory_space<vmem>>, %arg3: memref<8x2048xf32, #tpu.memory_space<vmem>>) attributes {dimension_semantics = [#tpu.dimension_semantics<arbitrary>], iteration_bounds = array<i64: 8>, scalar_prefetch = 0 : i64, scratch_operands = 0 : i64, tpu.core_type = #tpu.core_type<tc>, window_params = [{transform_indices = @transform_0, window_bounds = array<i64: 9, 2048>}, {transform_indices = @transform_1, window_bounds = array<i64: 1, 2048>}, {transform_indices = @transform_2, window_bounds = array<i64: 8, 2048>}]} {
    %get3A = arith.constant 0 : index
    %get3A_0 = arith.constant 0 : index
    %get3A_1 = vector.load %arg1[%get3A, %get3A_0] : memref<9x2048xf32, #tpu.memory_space<vmem>>, vector<1x2048xf32>
    %get3A_2 = arith.constant 1 : index
    %get3A_3 = arith.constant 0 : index
    %get3A_4 = vector.load %arg1[%get3A_2, %get3A_3] : memref<9x2048xf32, #tpu.memory_space<vmem>>, vector<1x2048xf32>
    %get3A_5 = arith.constant 2 : index
    %get3A_6 = arith.constant 0 : index
    %get3A_7 = vector.load %arg1[%get3A_5, %get3A_6] : memref<9x2048xf32, #tpu.memory_space<vmem>>, vector<1x2048xf32>
    %get3A_8 = arith.constant 3 : index
    %get3A_9 = arith.constant 0 : index
    %get3A_10 = vector.load %arg1[%get3A_8, %get3A_9] : memref<9x2048xf32, #tpu.memory_space<vmem>>, vector<1x2048xf32>
    %get3A_11 = arith.constant 4 : index
    %get3A_12 = arith.constant 0 : index
    %get3A_13 = vector.load %arg1[%get3A_11, %get3A_12] : memref<9x2048xf32, #tpu.memory_space<vmem>>, vector<1x2048xf32>
    %get3A_14 = arith.constant 5 : index
    %get3A_15 = arith.constant 0 : index
    %get3A_16 = vector.load %arg1[%get3A_14, %get3A_15] : memref<9x2048xf32, #tpu.memory_space<vmem>>, vector<1x2048xf32>
    %get3A_17 = arith.constant 6 : index
    %get3A_18 = arith.constant 0 : index
    %get3A_19 = vector.load %arg1[%get3A_17, %get3A_18] : memref<9x2048xf32, #tpu.memory_space<vmem>>, vector<1x2048xf32>
    %get3A_20 = arith.constant 7 : index
    %get3A_21 = arith.constant 0 : index
    %get3A_22 = vector.load %arg1[%get3A_20, %get3A_21] : memref<9x2048xf32, #tpu.memory_space<vmem>>, vector<1x2048xf32>
    %get3A_23 = arith.constant 8 : index
    %get3A_24 = arith.constant 0 : index
    %get3A_25 = vector.load %arg1[%get3A_23, %get3A_24] : memref<9x2048xf32, #tpu.memory_space<vmem>>, vector<1x2048xf32>
    %get3A_26 = arith.constant 0 : index
    %get3A_27 = arith.constant 0 : index
    %get3A_28 = vector.load %arg2[%get3A_26, %get3A_27] : memref<1x2048xf32, #tpu.memory_space<vmem>>, vector<1x2048xf32>
    %mul3A = arith.mulf %get3A_1, %get3A_1 : vector<1x2048xf32>
    %div3A = arith.constant 2.000000e+01 : f32
    %div3A_29 = vector.broadcast %div3A : f32 to vector<1x2048xf32>
    %div3A_30 = arith.divf %mul3A, %div3A_29 : vector<1x2048xf32>
    %sub3A = arith.subf %get3A_10, %div3A_30 : vector<1x2048xf32>
    %mul3A_31 = arith.mulf %get3A_1, %get3A_4 : vector<1x2048xf32>
    %div3A_32 = arith.constant 2.000000e+01 : f32
    %div3A_33 = vector.broadcast %div3A_32 : f32 to vector<1x2048xf32>
    %div3A_34 = arith.divf %mul3A_31, %div3A_33 : vector<1x2048xf32>
    %sub3A_35 = arith.subf %get3A_13, %div3A_34 : vector<1x2048xf32>
    %mul3A_36 = arith.mulf %get3A_1, %get3A_7 : vector<1x2048xf32>
    %div3A_37 = arith.constant 2.000000e+01 : f32
    %div3A_38 = vector.broadcast %div3A_37 : f32 to vector<1x2048xf32>
    %div3A_39 = arith.divf %mul3A_36, %div3A_38 : vector<1x2048xf32>
    %sub3A_40 = arith.subf %get3A_16, %div3A_39 : vector<1x2048xf32>
    %mul3A_41 = arith.mulf %get3A_4, %get3A_4 : vector<1x2048xf32>
    %div3A_42 = arith.constant 2.000000e+01 : f32
    %div3A_43 = vector.broadcast %div3A_42 : f32 to vector<1x2048xf32>
    %div3A_44 = arith.divf %mul3A_41, %div3A_43 : vector<1x2048xf32>
    %sub3A_45 = arith.subf %get3A_19, %div3A_44 : vector<1x2048xf32>
    %mul3A_46 = arith.mulf %get3A_4, %get3A_7 : vector<1x2048xf32>
    %div3A_47 = arith.constant 2.000000e+01 : f32
    %div3A_48 = vector.broadcast %div3A_47 : f32 to vector<1x2048xf32>
    %div3A_49 = arith.divf %mul3A_46, %div3A_48 : vector<1x2048xf32>
    %sub3A_50 = arith.subf %get3A_22, %div3A_49 : vector<1x2048xf32>
    %mul3A_51 = arith.mulf %get3A_7, %get3A_7 : vector<1x2048xf32>
    %div3A_52 = arith.constant 2.000000e+01 : f32
    %div3A_53 = vector.broadcast %div3A_52 : f32 to vector<1x2048xf32>
    %div3A_54 = arith.divf %mul3A_51, %div3A_53 : vector<1x2048xf32>
    %sub3A_55 = arith.subf %get3A_25, %div3A_54 : vector<1x2048xf32>
    %add3A = arith.addf %sub3A, %sub3A_45 : vector<1x2048xf32>
    %add3A_56 = arith.addf %add3A, %sub3A_55 : vector<1x2048xf32>
    %mul3A_57 = arith.constant 0.333333343 : f32
    %mul3A_58 = vector.broadcast %mul3A_57 : f32 to vector<1x2048xf32>
    %mul3A_59 = arith.mulf %add3A_56, %mul3A_58 : vector<1x2048xf32>
    %sub3A_60 = arith.subf %sub3A, %mul3A_59 : vector<1x2048xf32>
    %sub3A_61 = arith.subf %sub3A_45, %mul3A_59 : vector<1x2048xf32>
    %sub3A_62 = arith.subf %sub3A_55, %mul3A_59 : vector<1x2048xf32>
    %mul3A_63 = arith.mulf %sub3A_35, %sub3A_35 : vector<1x2048xf32>
    %mul3A_64 = arith.mulf %sub3A_40, %sub3A_40 : vector<1x2048xf32>
    %add3A_65 = arith.addf %mul3A_63, %mul3A_64 : vector<1x2048xf32>
    %mul3A_66 = arith.mulf %sub3A_50, %sub3A_50 : vector<1x2048xf32>
    %add3A_67 = arith.addf %add3A_65, %mul3A_66 : vector<1x2048xf32>
    %mul3A_68 = arith.mulf %sub3A_60, %sub3A_60 : vector<1x2048xf32>
    %mul3A_69 = arith.mulf %sub3A_61, %sub3A_61 : vector<1x2048xf32>
    %add3A_70 = arith.addf %mul3A_68, %mul3A_69 : vector<1x2048xf32>
    %mul3A_71 = arith.mulf %sub3A_62, %sub3A_62 : vector<1x2048xf32>
    %add3A_72 = arith.addf %add3A_70, %mul3A_71 : vector<1x2048xf32>
    %mul3A_73 = arith.constant 2.000000e+00 : f32
    %mul3A_74 = vector.broadcast %mul3A_73 : f32 to vector<1x2048xf32>
    %mul3A_75 = arith.mulf %mul3A_74, %add3A_67 : vector<1x2048xf32>
    %add3A_76 = arith.addf %add3A_72, %mul3A_75 : vector<1x2048xf32>
    %mul3A_77 = arith.constant 0.166666672 : f32
    %mul3A_78 = vector.broadcast %mul3A_77 : f32 to vector<1x2048xf32>
    %mul3A_79 = arith.mulf %add3A_76, %mul3A_78 : vector<1x2048xf32>
    %max3A = arith.constant 0.000000e+00 : f32
    %max3A_80 = vector.broadcast %max3A : f32 to vector<1x2048xf32>
    %max3A_81 = arith.maximumf %mul3A_79, %max3A_80 : vector<1x2048xf32>
    %sqrt3A = math.sqrt %max3A_81 : vector<1x2048xf32>
    %max3A_82 = arith.constant 9.99999968E-21 : f32
    %max3A_83 = vector.broadcast %max3A_82 : f32 to vector<1x2048xf32>
    %max3A_84 = arith.maximumf %sqrt3A, %max3A_83 : vector<1x2048xf32>
    %mul3A_85 = arith.mulf %sub3A_61, %sub3A_62 : vector<1x2048xf32>
    %mul3A_86 = arith.mulf %sub3A_50, %sub3A_50 : vector<1x2048xf32>
    %sub3A_87 = arith.subf %mul3A_85, %mul3A_86 : vector<1x2048xf32>
    %mul3A_88 = arith.mulf %sub3A_60, %sub3A_87 : vector<1x2048xf32>
    %mul3A_89 = arith.mulf %sub3A_35, %sub3A_62 : vector<1x2048xf32>
    %mul3A_90 = arith.mulf %sub3A_50, %sub3A_40 : vector<1x2048xf32>
    %sub3A_91 = arith.subf %mul3A_89, %mul3A_90 : vector<1x2048xf32>
    %mul3A_92 = arith.mulf %sub3A_35, %sub3A_91 : vector<1x2048xf32>
    %sub3A_93 = arith.subf %mul3A_88, %mul3A_92 : vector<1x2048xf32>
    %mul3A_94 = arith.mulf %sub3A_35, %sub3A_50 : vector<1x2048xf32>
    %mul3A_95 = arith.mulf %sub3A_61, %sub3A_40 : vector<1x2048xf32>
    %sub3A_96 = arith.subf %mul3A_94, %mul3A_95 : vector<1x2048xf32>
    %mul3A_97 = arith.mulf %sub3A_40, %sub3A_96 : vector<1x2048xf32>
    %add3A_98 = arith.addf %sub3A_93, %mul3A_97 : vector<1x2048xf32>
    %mul3A_99 = arith.constant 2.000000e+00 : f32
    %mul3A_100 = vector.broadcast %mul3A_99 : f32 to vector<1x2048xf32>
    %mul3A_101 = arith.mulf %mul3A_100, %max3A_84 : vector<1x2048xf32>
    %mul3A_102 = arith.mulf %mul3A_101, %max3A_84 : vector<1x2048xf32>
    %mul3A_103 = arith.mulf %mul3A_102, %max3A_84 : vector<1x2048xf32>
    %div3A_104 = arith.divf %add3A_98, %mul3A_103 : vector<1x2048xf32>
    %jit3A = arith.constant -1.000000e+00 : f32
    %jit3A_105 = arith.constant 1.000000e+00 : f32
    %max3A_106 = vector.broadcast %jit3A : f32 to vector<1x2048xf32>
    %max3A_107 = arith.maximumf %max3A_106, %div3A_104 : vector<1x2048xf32>
    %min3A = vector.broadcast %jit3A_105 : f32 to vector<1x2048xf32>
    %min3A_108 = arith.minimumf %min3A, %max3A_107 : vector<1x2048xf32>
    %abs3A = math.absf %min3A_108 : vector<1x2048xf32>
    %mul3A_109 = arith.constant -0.0012624911 : f32
    %mul3A_110 = vector.broadcast %mul3A_109 : f32 to vector<1x2048xf32>
    %mul3A_111 = arith.mulf %mul3A_110, %abs3A : vector<1x2048xf32>
    %add3A_112 = arith.constant 6.670090e-03 : f32
    %add3A_113 = vector.broadcast %add3A_112 : f32 to vector<1x2048xf32>
    %add3A_114 = arith.addf %mul3A_111, %add3A_113 : vector<1x2048xf32>
    %mul3A_115 = arith.mulf %add3A_114, %abs3A : vector<1x2048xf32>
    %add3A_116 = arith.constant -0.0170881264 : f32
    %add3A_117 = vector.broadcast %add3A_116 : f32 to vector<1x2048xf32>
    %add3A_118 = arith.addf %mul3A_115, %add3A_117 : vector<1x2048xf32>
    %mul3A_119 = arith.mulf %add3A_118, %abs3A : vector<1x2048xf32>
    %add3A_120 = arith.constant 0.0308918804 : f32
    %add3A_121 = vector.broadcast %add3A_120 : f32 to vector<1x2048xf32>
    %add3A_122 = arith.addf %mul3A_119, %add3A_121 : vector<1x2048xf32>
    %mul3A_123 = arith.mulf %add3A_122, %abs3A : vector<1x2048xf32>
    %add3A_124 = arith.constant -0.0501743034 : f32
    %add3A_125 = vector.broadcast %add3A_124 : f32 to vector<1x2048xf32>
    %add3A_126 = arith.addf %mul3A_123, %add3A_125 : vector<1x2048xf32>
    %mul3A_127 = arith.mulf %add3A_126, %abs3A : vector<1x2048xf32>
    %add3A_128 = arith.constant 0.0889789909 : f32
    %add3A_129 = vector.broadcast %add3A_128 : f32 to vector<1x2048xf32>
    %add3A_130 = arith.addf %mul3A_127, %add3A_129 : vector<1x2048xf32>
    %mul3A_131 = arith.mulf %add3A_130, %abs3A : vector<1x2048xf32>
    %add3A_132 = arith.constant -0.214598805 : f32
    %add3A_133 = vector.broadcast %add3A_132 : f32 to vector<1x2048xf32>
    %add3A_134 = arith.addf %mul3A_131, %add3A_133 : vector<1x2048xf32>
    %mul3A_135 = arith.mulf %add3A_134, %abs3A : vector<1x2048xf32>
    %add3A_136 = arith.constant 1.57079625 : f32
    %add3A_137 = vector.broadcast %add3A_136 : f32 to vector<1x2048xf32>
    %add3A_138 = arith.addf %mul3A_135, %add3A_137 : vector<1x2048xf32>
    %sub3A_139 = arith.constant 1.000000e+00 : f32
    %sub3A_140 = vector.broadcast %sub3A_139 : f32 to vector<1x2048xf32>
    %sub3A_141 = arith.subf %sub3A_140, %abs3A : vector<1x2048xf32>
    %max3A_142 = arith.constant 0.000000e+00 : f32
    %max3A_143 = vector.broadcast %max3A_142 : f32 to vector<1x2048xf32>
    %max3A_144 = arith.maximumf %sub3A_141, %max3A_143 : vector<1x2048xf32>
    %sqrt3A_145 = math.sqrt %max3A_144 : vector<1x2048xf32>
    %mul3A_146 = arith.mulf %add3A_138, %sqrt3A_145 : vector<1x2048xf32>
    %lt3A = arith.constant 0.000000e+00 : f32
    %lt3A_147 = vector.broadcast %lt3A : f32 to vector<1x2048xf32>
    %lt3A_148 = arith.cmpf olt, %min3A_108, %lt3A_147 : vector<1x2048xf32>
    %sub3A_149 = arith.constant 3.14159274 : f32
    %sub3A_150 = vector.broadcast %sub3A_149 : f32 to vector<1x2048xf32>
    %sub3A_151 = arith.subf %sub3A_150, %mul3A_146 : vector<1x2048xf32>
    %select_n3A = arith.select %lt3A_148, %sub3A_151, %mul3A_146 : vector<1x2048xi1>, vector<1x2048xf32>
    %mul3A_152 = arith.constant 0.333333343 : f32
    %mul3A_153 = vector.broadcast %mul3A_152 : f32 to vector<1x2048xf32>
    %mul3A_154 = arith.mulf %select_n3A, %mul3A_153 : vector<1x2048xf32>
    %mul3A_155 = arith.mulf %mul3A_154, %mul3A_154 : vector<1x2048xf32>
    %mul3A_156 = arith.constant 2.48015876E-5 : f32
    %mul3A_157 = vector.broadcast %mul3A_156 : f32 to vector<1x2048xf32>
    %mul3A_158 = arith.mulf %mul3A_155, %mul3A_157 : vector<1x2048xf32>
    %add3A_159 = arith.constant -0.00138888892 : f32
    %add3A_160 = vector.broadcast %add3A_159 : f32 to vector<1x2048xf32>
    %add3A_161 = arith.addf %add3A_160, %mul3A_158 : vector<1x2048xf32>
    %mul3A_162 = arith.mulf %mul3A_155, %add3A_161 : vector<1x2048xf32>
    %add3A_163 = arith.constant 0.0416666679 : f32
    %add3A_164 = vector.broadcast %add3A_163 : f32 to vector<1x2048xf32>
    %add3A_165 = arith.addf %add3A_164, %mul3A_162 : vector<1x2048xf32>
    %mul3A_166 = arith.mulf %mul3A_155, %add3A_165 : vector<1x2048xf32>
    %add3A_167 = arith.constant -5.000000e-01 : f32
    %add3A_168 = vector.broadcast %add3A_167 : f32 to vector<1x2048xf32>
    %add3A_169 = arith.addf %add3A_168, %mul3A_166 : vector<1x2048xf32>
    %mul3A_170 = arith.mulf %mul3A_155, %add3A_169 : vector<1x2048xf32>
    %add3A_171 = arith.constant 1.000000e+00 : f32
    %add3A_172 = vector.broadcast %add3A_171 : f32 to vector<1x2048xf32>
    %add3A_173 = arith.addf %add3A_172, %mul3A_170 : vector<1x2048xf32>
    %mul3A_174 = arith.constant -1.98412701E-4 : f32
    %mul3A_175 = vector.broadcast %mul3A_174 : f32 to vector<1x2048xf32>
    %mul3A_176 = arith.mulf %mul3A_155, %mul3A_175 : vector<1x2048xf32>
    %add3A_177 = arith.constant 0.00833333377 : f32
    %add3A_178 = vector.broadcast %add3A_177 : f32 to vector<1x2048xf32>
    %add3A_179 = arith.addf %add3A_178, %mul3A_176 : vector<1x2048xf32>
    %mul3A_180 = arith.mulf %mul3A_155, %add3A_179 : vector<1x2048xf32>
    %add3A_181 = arith.constant -0.166666672 : f32
    %add3A_182 = vector.broadcast %add3A_181 : f32 to vector<1x2048xf32>
    %add3A_183 = arith.addf %add3A_182, %mul3A_180 : vector<1x2048xf32>
    %mul3A_184 = arith.mulf %mul3A_155, %add3A_183 : vector<1x2048xf32>
    %add3A_185 = arith.constant 1.000000e+00 : f32
    %add3A_186 = vector.broadcast %add3A_185 : f32 to vector<1x2048xf32>
    %add3A_187 = arith.addf %add3A_186, %mul3A_184 : vector<1x2048xf32>
    %mul3A_188 = arith.mulf %mul3A_154, %add3A_187 : vector<1x2048xf32>
    %mul3A_189 = arith.constant 2.000000e+00 : f32
    %mul3A_190 = vector.broadcast %mul3A_189 : f32 to vector<1x2048xf32>
    %mul3A_191 = arith.mulf %mul3A_190, %sqrt3A : vector<1x2048xf32>
    %mul3A_192 = arith.constant -5.000000e-01 : f32
    %mul3A_193 = vector.broadcast %mul3A_192 : f32 to vector<1x2048xf32>
    %mul3A_194 = arith.mulf %mul3A_193, %add3A_173 : vector<1x2048xf32>
    %mul3A_195 = arith.constant 0.866025388 : f32
    %mul3A_196 = vector.broadcast %mul3A_195 : f32 to vector<1x2048xf32>
    %mul3A_197 = arith.mulf %mul3A_196, %mul3A_188 : vector<1x2048xf32>
    %sub3A_198 = arith.subf %mul3A_194, %mul3A_197 : vector<1x2048xf32>
    %mul3A_199 = arith.mulf %mul3A_191, %sub3A_198 : vector<1x2048xf32>
    %add3A_200 = arith.addf %mul3A_59, %mul3A_199 : vector<1x2048xf32>
    %sub3A_201 = arith.subf %sub3A, %add3A_200 : vector<1x2048xf32>
    %sub3A_202 = arith.subf %sub3A_45, %add3A_200 : vector<1x2048xf32>
    %sub3A_203 = arith.subf %sub3A_55, %add3A_200 : vector<1x2048xf32>
    %mul3A_204 = arith.mulf %sub3A_35, %sub3A_50 : vector<1x2048xf32>
    %mul3A_205 = arith.mulf %sub3A_40, %sub3A_202 : vector<1x2048xf32>
    %sub3A_206 = arith.subf %mul3A_204, %mul3A_205 : vector<1x2048xf32>
    %mul3A_207 = arith.mulf %sub3A_40, %sub3A_35 : vector<1x2048xf32>
    %mul3A_208 = arith.mulf %sub3A_201, %sub3A_50 : vector<1x2048xf32>
    %sub3A_209 = arith.subf %mul3A_207, %mul3A_208 : vector<1x2048xf32>
    %mul3A_210 = arith.mulf %sub3A_201, %sub3A_202 : vector<1x2048xf32>
    %mul3A_211 = arith.mulf %sub3A_35, %sub3A_35 : vector<1x2048xf32>
    %sub3A_212 = arith.subf %mul3A_210, %mul3A_211 : vector<1x2048xf32>
    %mul3A_213 = arith.mulf %sub3A_35, %sub3A_203 : vector<1x2048xf32>
    %mul3A_214 = arith.mulf %sub3A_40, %sub3A_50 : vector<1x2048xf32>
    %sub3A_215 = arith.subf %mul3A_213, %mul3A_214 : vector<1x2048xf32>
    %mul3A_216 = arith.mulf %sub3A_40, %sub3A_40 : vector<1x2048xf32>
    %mul3A_217 = arith.mulf %sub3A_201, %sub3A_203 : vector<1x2048xf32>
    %sub3A_218 = arith.subf %mul3A_216, %mul3A_217 : vector<1x2048xf32>
    %mul3A_219 = arith.mulf %sub3A_201, %sub3A_50 : vector<1x2048xf32>
    %mul3A_220 = arith.mulf %sub3A_35, %sub3A_40 : vector<1x2048xf32>
    %sub3A_221 = arith.subf %mul3A_219, %mul3A_220 : vector<1x2048xf32>
    %mul3A_222 = arith.mulf %sub3A_202, %sub3A_203 : vector<1x2048xf32>
    %mul3A_223 = arith.mulf %sub3A_50, %sub3A_50 : vector<1x2048xf32>
    %sub3A_224 = arith.subf %mul3A_222, %mul3A_223 : vector<1x2048xf32>
    %mul3A_225 = arith.mulf %sub3A_50, %sub3A_40 : vector<1x2048xf32>
    %mul3A_226 = arith.mulf %sub3A_35, %sub3A_203 : vector<1x2048xf32>
    %sub3A_227 = arith.subf %mul3A_225, %mul3A_226 : vector<1x2048xf32>
    %mul3A_228 = arith.mulf %sub3A_35, %sub3A_50 : vector<1x2048xf32>
    %mul3A_229 = arith.mulf %sub3A_202, %sub3A_40 : vector<1x2048xf32>
    %sub3A_230 = arith.subf %mul3A_228, %mul3A_229 : vector<1x2048xf32>
    %mul3A_231 = arith.mulf %sub3A_206, %sub3A_206 : vector<1x2048xf32>
    %mul3A_232 = arith.mulf %sub3A_209, %sub3A_209 : vector<1x2048xf32>
    %add3A_233 = arith.addf %mul3A_231, %mul3A_232 : vector<1x2048xf32>
    %mul3A_234 = arith.mulf %sub3A_212, %sub3A_212 : vector<1x2048xf32>
    %add3A_235 = arith.addf %add3A_233, %mul3A_234 : vector<1x2048xf32>
    %mul3A_236 = arith.mulf %sub3A_215, %sub3A_215 : vector<1x2048xf32>
    %mul3A_237 = arith.mulf %sub3A_218, %sub3A_218 : vector<1x2048xf32>
    %add3A_238 = arith.addf %mul3A_236, %mul3A_237 : vector<1x2048xf32>
    %mul3A_239 = arith.mulf %sub3A_221, %sub3A_221 : vector<1x2048xf32>
    %add3A_240 = arith.addf %add3A_238, %mul3A_239 : vector<1x2048xf32>
    %mul3A_241 = arith.mulf %sub3A_224, %sub3A_224 : vector<1x2048xf32>
    %mul3A_242 = arith.mulf %sub3A_227, %sub3A_227 : vector<1x2048xf32>
    %add3A_243 = arith.addf %mul3A_241, %mul3A_242 : vector<1x2048xf32>
    %mul3A_244 = arith.mulf %sub3A_230, %sub3A_230 : vector<1x2048xf32>
    %add3A_245 = arith.addf %add3A_243, %mul3A_244 : vector<1x2048xf32>
    %gt3A = arith.cmpf ogt, %add3A_240, %add3A_235 : vector<1x2048xf32>
    %select_n3A_246 = arith.select %gt3A, %sub3A_215, %sub3A_206 : vector<1x2048xi1>, vector<1x2048xf32>
    %select_n3A_247 = arith.select %gt3A, %sub3A_218, %sub3A_209 : vector<1x2048xi1>, vector<1x2048xf32>
    %select_n3A_248 = arith.select %gt3A, %sub3A_221, %sub3A_212 : vector<1x2048xi1>, vector<1x2048xf32>
    %select_n3A_249 = arith.select %gt3A, %add3A_240, %add3A_235 : vector<1x2048xi1>, vector<1x2048xf32>
    %gt3A_250 = arith.cmpf ogt, %add3A_245, %select_n3A_249 : vector<1x2048xf32>
    %select_n3A_251 = arith.select %gt3A_250, %sub3A_224, %select_n3A_246 : vector<1x2048xi1>, vector<1x2048xf32>
    %select_n3A_252 = arith.select %gt3A_250, %sub3A_227, %select_n3A_247 : vector<1x2048xi1>, vector<1x2048xf32>
    %select_n3A_253 = arith.select %gt3A_250, %sub3A_230, %select_n3A_248 : vector<1x2048xi1>, vector<1x2048xf32>
    %select_n3A_254 = arith.select %gt3A_250, %add3A_245, %select_n3A_249 : vector<1x2048xi1>, vector<1x2048xf32>
    %max3A_255 = arith.constant 1.000000e-30 : f32
    %max3A_256 = vector.broadcast %max3A_255 : f32 to vector<1x2048xf32>
    %max3A_257 = arith.maximumf %select_n3A_254, %max3A_256 : vector<1x2048xf32>
    %rsqrt3A = math.rsqrt %max3A_257 : vector<1x2048xf32>
    %mul3A_258 = arith.mulf %select_n3A_251, %rsqrt3A : vector<1x2048xf32>
    %mul3A_259 = arith.mulf %select_n3A_252, %rsqrt3A : vector<1x2048xf32>
    %mul3A_260 = arith.mulf %select_n3A_253, %rsqrt3A : vector<1x2048xf32>
    %add3A_261 = arith.addf %sub3A, %sub3A_45 : vector<1x2048xf32>
    %add3A_262 = arith.addf %add3A_261, %sub3A_55 : vector<1x2048xf32>
    %add3A_263 = arith.constant 9.99999993E-9 : f32
    %add3A_264 = vector.broadcast %add3A_263 : f32 to vector<1x2048xf32>
    %add3A_265 = arith.addf %add3A_262, %add3A_264 : vector<1x2048xf32>
    %div3A_266 = arith.divf %add3A_200, %add3A_265 : vector<1x2048xf32>
    %mul3A_267 = arith.constant 5.000000e-02 : f32
    %mul3A_268 = vector.broadcast %mul3A_267 : f32 to vector<1x2048xf32>
    %mul3A_269 = arith.mulf %get3A_28, %mul3A_268 : vector<1x2048xf32>
    %broadcast_in_dim3A = arith.constant 0.000000e+00 : f32
    %broadcast_in_dim3A_270 = vector.broadcast %broadcast_in_dim3A : f32 to vector<1x2048xf32>
    %concatenate3A = tpu.concatenate %mul3A_258, %mul3A_259, %mul3A_260, %div3A_266, %mul3A_269, %broadcast_in_dim3A_270, %broadcast_in_dim3A_270, %broadcast_in_dim3A_270 in 0 : vector<1x2048xf32>, vector<1x2048xf32>, vector<1x2048xf32>, vector<1x2048xf32>, vector<1x2048xf32>, vector<1x2048xf32>, vector<1x2048xf32>, vector<1x2048xf32> -> vector<8x2048xf32>
    %swap3A = arith.constant 0 : index
    %swap3A_271 = arith.constant 0 : index
    %swap3A_272 = vector.load %arg3[%swap3A, %swap3A_271] : memref<8x2048xf32, #tpu.memory_space<vmem>>, vector<8x2048xf32>
    tpu.vector_store %arg3[%swap3A, %swap3A_271], %concatenate3A {strides = array<i32>} : memref<8x2048xf32, #tpu.memory_space<vmem>>, vector<8x2048xf32>,
    return
  }
  func.func @transform_0(%arg0: i32) -> (i32, i32) {
    %c0_i32 = arith.constant 0 : i32
    %c0_i32_0 = arith.constant 0 : i32
    return %c0_i32, %arg0 : i32, i32
  }
  func.func @transform_1(%arg0: i32) -> (i32, i32) {
    %c0_i32 = arith.constant 0 : i32
    %c0_i32_0 = arith.constant 0 : i32
    return %c0_i32, %arg0 : i32, i32
  }
  func.func @transform_2(%arg0: i32) -> (i32, i32) {
    %c0_i32 = arith.constant 0 : i32
    %c0_i32_0 = arith.constant 0 : i32
    return %c0_i32, %arg0 : i32, i32
  }
}

module attributes {stable_mosaic.version = 14 : i64} {
  func.func @_loss_kernel(%arg0: i32, %arg1: i32, %arg2: memref<1x512x3xf32, #tpu.memory_space<vmem>>, %arg3: memref<1x3x2048xf32, #tpu.memory_space<vmem>>, %arg4: memref<1x512x8xf32, #tpu.memory_space<vmem>>, %arg5: memref<1x8x2048xf32, #tpu.memory_space<vmem>>, %arg6: memref<1x16xf32, #tpu.memory_space<vmem>>, %arg7: memref<1x1x16xf32, #tpu.memory_space<vmem>>) attributes {dimension_semantics = [#tpu.dimension_semantics<arbitrary>, #tpu.dimension_semantics<arbitrary>], iteration_bounds = array<i64: 4, 4>, scalar_prefetch = 0 : i64, scratch_operands = 0 : i64, tpu.core_type = #tpu.core_type<tc>, window_params = [{transform_indices = @transform_0, window_bounds = array<i64: 1, 512, 3>}, {transform_indices = @transform_1, window_bounds = array<i64: 1, 3, 2048>}, {transform_indices = @transform_2, window_bounds = array<i64: 1, 512, 8>}, {transform_indices = @transform_3, window_bounds = array<i64: 1, 8, 2048>}, {pipeline_mode = #tpu.pipeline_mode<synchronous>, transform_indices = @transform_4, window_bounds = array<i64: 1, 16>}, {transform_indices = @transform_5, window_bounds = array<i64: 1, 1, 16>}]} {
    %eq3A = arith.constant 0 : i32
    %eq3A_0 = arith.cmpi eq, %arg0, %eq3A : i32
    %eq3A_1 = arith.constant 0 : i32
    %eq3A_2 = arith.cmpi eq, %arg1, %eq3A_1 : i32
    %and3A = arith.andi %eq3A_0, %eq3A_2 : i1
    %convert_element_type3A = arith.extui %and3A : i1 to i32
    %cond3A = arith.constant 0 : i32
    %cond3A_3 = arith.cmpi ne, %convert_element_type3A, %cond3A : i32
    scf.if %cond3A_3 {
      %broadcast_in_dim3A_231 = arith.constant 0.000000e+00 : f32
      %broadcast_in_dim3A_232 = vector.broadcast %broadcast_in_dim3A_231 : f32 to vector<1x16xf32>
      %swap3A_233 = arith.constant 0 : index
      %swap3A_234 = arith.constant 0 : index
      %swap3A_235 = vector.load %arg6[%swap3A_233, %swap3A_234] : memref<1x16xf32, #tpu.memory_space<vmem>>, vector<1x16xf32>
      tpu.vector_store %arg6[%swap3A_233, %swap3A_234], %broadcast_in_dim3A_232 {strides = array<i32>} : memref<1x16xf32, #tpu.memory_space<vmem>>, vector<1x16xf32>,
    } else {
    }
    %eq3A_4 = arith.constant 0 : i32
    %eq3A_5 = arith.cmpi eq, %arg1, %eq3A_4 : i32
    %convert_element_type3A_6 = arith.extui %eq3A_5 : i1 to i32
    %cond3A_7 = arith.constant 0 : i32
    %cond3A_8 = arith.cmpi ne, %convert_element_type3A_6, %cond3A_7 : i32
    scf.if %cond3A_8 {
      %broadcast_in_dim3A_231 = arith.constant 0.000000e+00 : f32
      %broadcast_in_dim3A_232 = vector.broadcast %broadcast_in_dim3A_231 : f32 to vector<1x1x16xf32>
      %swap3A_233 = arith.constant 0 : index
      %swap3A_234 = arith.constant 0 : index
      %swap3A_235 = arith.constant 0 : index
      %swap3A_236 = vector.load %arg7[%swap3A_233, %swap3A_234, %swap3A_235] : memref<1x1x16xf32, #tpu.memory_space<vmem>>, vector<1x1x16xf32>
      tpu.vector_store %arg7[%swap3A_233, %swap3A_234, %swap3A_235], %broadcast_in_dim3A_232 {strides = array<i32>} : memref<1x1x16xf32, #tpu.memory_space<vmem>>, vector<1x1x16xf32>,
    } else {
    }
    %get3A = arith.constant 0 : index
    %get3A_9 = arith.constant 0 : index
    %get3A_10 = arith.constant 0 : index
    %get3A_11 = vector.load %arg2[%get3A, %get3A_9, %get3A_10] : memref<1x512x3xf32, #tpu.memory_space<vmem>>, vector<1x512x3xf32>
    %get3A_12 = vector.shape_cast %get3A_11 : vector<1x512x3xf32> to vector<512x3xf32>
    %get3A_13 = arith.constant 0 : index
    %get3A_14 = arith.constant 0 : index
    %get3A_15 = arith.constant 0 : index
    %get3A_16 = vector.load %arg3[%get3A_13, %get3A_14, %get3A_15] : memref<1x3x2048xf32, #tpu.memory_space<vmem>>, vector<1x3x2048xf32>
    %get3A_17 = vector.shape_cast %get3A_16 : vector<1x3x2048xf32> to vector<3x2048xf32>
    %get3A_18 = arith.constant 0 : index
    %get3A_19 = arith.constant 0 : index
    %get3A_20 = arith.constant 0 : index
    %get3A_21 = vector.load %arg4[%get3A_18, %get3A_19, %get3A_20] : memref<1x512x8xf32, #tpu.memory_space<vmem>>, vector<1x512x8xf32>
    %get3A_22 = vector.shape_cast %get3A_21 : vector<1x512x8xf32> to vector<512x8xf32>
    %get3A_23 = arith.constant 0 : index
    %get3A_24 = arith.constant 0 : index
    %get3A_25 = arith.constant 0 : index
    %get3A_26 = vector.load %arg5[%get3A_23, %get3A_24, %get3A_25] : memref<1x8x2048xf32, #tpu.memory_space<vmem>>, vector<1x8x2048xf32>
    %get3A_27 = vector.shape_cast %get3A_26 : vector<1x8x2048xf32> to vector<8x2048xf32>
    %mul3A = arith.mulf %get3A_12, %get3A_12 : vector<512x3xf32>
    %reduce_sum3A = arith.constant dense<0.000000e+00> : vector<512xf32>
    %reduce_sum3A_28 = vector.multi_reduction <add>, %mul3A, %reduce_sum3A [1] : vector<512x3xf32> to vector<512xf32>
    %broadcast_in_dim3A = vector.shape_cast %reduce_sum3A_28 : vector<512xf32> to vector<512x1xf32>
    %mul3A_29 = arith.mulf %get3A_17, %get3A_17 : vector<3x2048xf32>
    %reduce_sum3A_30 = arith.constant dense<0.000000e+00> : vector<2048xf32>
    %reduce_sum3A_31 = vector.multi_reduction <add>, %mul3A_29, %reduce_sum3A_30 [0] : vector<3x2048xf32> to vector<2048xf32>
    %broadcast_in_dim3A_32 = vector.shape_cast %reduce_sum3A_31 : vector<2048xf32> to vector<1x2048xf32>
    %convert_element_type3A_33 = arith.truncf %get3A_12 : vector<512x3xf32> to vector<512x3xbf16>
    %convert_element_type3A_34 = arith.truncf %get3A_17 : vector<3x2048xf32> to vector<3x2048xbf16>
    %dot_general3A = arith.constant dense<0.000000e+00> : vector<512x2048xf32>
    %dot_general3A_35 = tpu.matmul %convert_element_type3A_33, %convert_element_type3A_34, %dot_general3A {dimension_numbers = #tpu.dot_dimension_numbers<[1], [0], [0], [1], [0, 0, 1, 1], [], []>, transpose_lhs_hint = false} : vector<512x3xbf16>, vector<3x2048xbf16>, vector<512x2048xf32> -> vector<512x2048xf32>
    %add3A = vector.broadcast %broadcast_in_dim3A : vector<512x1xf32> to vector<512x2048xf32>
    %add3A_36 = vector.broadcast %broadcast_in_dim3A_32 : vector<1x2048xf32> to vector<512x2048xf32>
    %add3A_37 = arith.addf %add3A, %add3A_36 : vector<512x2048xf32>
    %mul3A_38 = arith.constant 2.000000e+00 : f32
    %mul3A_39 = vector.broadcast %mul3A_38 : f32 to vector<512x2048xf32>
    %mul3A_40 = arith.mulf %mul3A_39, %dot_general3A_35 : vector<512x2048xf32>
    %sub3A = arith.subf %add3A_37, %mul3A_40 : vector<512x2048xf32>
    %max3A = arith.constant 0.000000e+00 : f32
    %max3A_41 = vector.broadcast %max3A : f32 to vector<512x2048xf32>
    %max3A_42 = arith.maximumf %sub3A, %max3A_41 : vector<512x2048xf32>
    %iota3A = tpu.iota {dimensions = array<i32: 1>} : vector<512x2048xi32>
    %reduce_min3A = arith.constant dense<0x7F800000> : vector<512xf32>
    %reduce_min3A_43 = vector.multi_reduction <minimumf>, %max3A_42, %reduce_min3A [1] : vector<512x2048xf32> to vector<512xf32>
    %broadcast_in_dim3A_44 = vector.shape_cast %reduce_min3A_43 : vector<512xf32> to vector<512x1xf32>
    %convert_element_type3A_45 = arith.sitofp %iota3A : vector<512x2048xi32> to vector<512x2048xf32>
    %eq3A_46 = vector.broadcast %broadcast_in_dim3A_44 : vector<512x1xf32> to vector<512x2048xf32>
    %eq3A_47 = arith.cmpf oeq, %max3A_42, %eq3A_46 : vector<512x2048xf32>
    %jit3A = arith.constant 2.048000e+03 : f32
    %broadcast_in_dim3A_48 = vector.broadcast %jit3A : f32 to vector<512x2048xf32>
    %select_n3A = arith.select %eq3A_47, %convert_element_type3A_45, %broadcast_in_dim3A_48 : vector<512x2048xi1>, vector<512x2048xf32>
    %reduce_min3A_49 = arith.constant dense<0x7F800000> : vector<512xf32>
    %reduce_min3A_50 = vector.multi_reduction <minimumf>, %select_n3A, %reduce_min3A_49 [1] : vector<512x2048xf32> to vector<512xf32>
    %broadcast_in_dim3A_51 = vector.shape_cast %reduce_min3A_50 : vector<512xf32> to vector<512x1xf32>
    %eq3A_52 = vector.broadcast %broadcast_in_dim3A_44 : vector<512x1xf32> to vector<512x2048xf32>
    %eq3A_53 = arith.cmpf oeq, %max3A_42, %eq3A_52 : vector<512x2048xf32>
    %eq3A_54 = vector.broadcast %broadcast_in_dim3A_51 : vector<512x1xf32> to vector<512x2048xf32>
    %eq3A_55 = arith.cmpf oeq, %convert_element_type3A_45, %eq3A_54 : vector<512x2048xf32>
    %and3A_56 = arith.andi %eq3A_53, %eq3A_55 : vector<512x2048xi1>
    %convert_element_type3A_57 = arith.extui %and3A_56 : vector<512x2048xi1> to vector<512x2048xi32>
    %convert_element_type3A_58 = arith.sitofp %convert_element_type3A_57 : vector<512x2048xi32> to vector<512x2048xf32>
    %convert_element_type3A_59 = arith.truncf %convert_element_type3A_58 : vector<512x2048xf32> to vector<512x2048xbf16>
    %convert_element_type3A_60 = arith.truncf %get3A_27 : vector<8x2048xf32> to vector<8x2048xbf16>
    %convert_element_type3A_61 = arith.extf %convert_element_type3A_60 : vector<8x2048xbf16> to vector<8x2048xf32>
    %sub3A_62 = arith.subf %get3A_27, %convert_element_type3A_61 : vector<8x2048xf32>
    %convert_element_type3A_63 = arith.truncf %sub3A_62 : vector<8x2048xf32> to vector<8x2048xbf16>
    %dot_general3A_64 = arith.constant dense<0.000000e+00> : vector<512x8xf32>
    %dot_general3A_65 = tpu.matmul %convert_element_type3A_59, %convert_element_type3A_60, %dot_general3A_64 {dimension_numbers = #tpu.dot_dimension_numbers<[1], [1], [0], [0], [0, 0, 1, 0], [], []>, transpose_lhs_hint = false} : vector<512x2048xbf16>, vector<8x2048xbf16>, vector<512x8xf32> -> vector<512x8xf32>
    %dot_general3A_66 = arith.constant dense<0.000000e+00> : vector<512x8xf32>
    %dot_general3A_67 = tpu.matmul %convert_element_type3A_59, %convert_element_type3A_63, %dot_general3A_66 {dimension_numbers = #tpu.dot_dimension_numbers<[1], [1], [0], [0], [0, 0, 1, 0], [], []>, transpose_lhs_hint = false} : vector<512x2048xbf16>, vector<8x2048xbf16>, vector<512x8xf32> -> vector<512x8xf32>
    %add3A_68 = arith.addf %dot_general3A_65, %dot_general3A_67 : vector<512x8xf32>
    %slice3A = vector.extract_strided_slice %get3A_22 {offsets = [0, 0], sizes = [512, 3], strides = [1, 1]} : vector<512x8xf32> to vector<512x3xf32>
    %slice3A_69 = vector.extract_strided_slice %add3A_68 {offsets = [0, 0], sizes = [512, 3], strides = [1, 1]} : vector<512x8xf32> to vector<512x3xf32>
    %mul3A_70 = arith.mulf %slice3A, %slice3A_69 : vector<512x3xf32>
    %reduce_sum3A_71 = arith.constant dense<0.000000e+00> : vector<512xf32>
    %reduce_sum3A_72 = vector.multi_reduction <add>, %mul3A_70, %reduce_sum3A_71 [1] : vector<512x3xf32> to vector<512xf32>
    %broadcast_in_dim3A_73 = vector.shape_cast %reduce_sum3A_72 : vector<512xf32> to vector<512x1xf32>
    %slice3A_74 = vector.extract_strided_slice %add3A_68 {offsets = [0, 4], sizes = [512, 1], strides = [1, 1]} : vector<512x8xf32> to vector<512x1xf32>
    %slice3A_75 = vector.extract_strided_slice %add3A_68 {offsets = [0, 3], sizes = [512, 1], strides = [1, 1]} : vector<512x8xf32> to vector<512x1xf32>
    %slice3A_76 = vector.extract_strided_slice %get3A_22 {offsets = [0, 4], sizes = [512, 1], strides = [1, 1]} : vector<512x8xf32> to vector<512x1xf32>
    %slice3A_77 = vector.extract_strided_slice %get3A_22 {offsets = [0, 3], sizes = [512, 1], strides = [1, 1]} : vector<512x8xf32> to vector<512x1xf32>
    %abs3A = math.absf %broadcast_in_dim3A_73 : vector<512x1xf32>
    %reduce_sum3A_78 = vector.shape_cast %abs3A : vector<512x1xf32> to vector<1x512x1xf32>
    %reduce_sum3A_79 = arith.constant dense<0.000000e+00> : vector<1xf32>
    %reduce_sum3A_80 = vector.multi_reduction <add>, %reduce_sum3A_78, %reduce_sum3A_79 [1, 2] : vector<1x512x1xf32> to vector<1xf32>
    %reduce_sum3A_81 = vector.shape_cast %reduce_sum3A_80 : vector<1xf32> to vector<1x1x1xf32>
    %reduce_sum3A_82 = vector.extract %reduce_sum3A_81[0, 0, 0] : f32 from vector<1x1x1xf32>
    %broadcast_in_dim3A_83 = vector.broadcast %reduce_sum3A_82 : f32 to vector<1x1xf32>
    %sub3A_84 = arith.subf %slice3A_76, %slice3A_74 : vector<512x1xf32>
    %abs3A_85 = math.absf %sub3A_84 : vector<512x1xf32>
    %add3A_86 = arith.constant 9.99999993E-9 : f32
    %add3A_87 = vector.broadcast %add3A_86 : f32 to vector<512x1xf32>
    %add3A_88 = arith.addf %slice3A_74, %add3A_87 : vector<512x1xf32>
    %div3A = arith.divf %abs3A_85, %add3A_88 : vector<512x1xf32>
    %reduce_sum3A_89 = vector.shape_cast %div3A : vector<512x1xf32> to vector<1x512x1xf32>
    %reduce_sum3A_90 = arith.constant dense<0.000000e+00> : vector<1xf32>
    %reduce_sum3A_91 = vector.multi_reduction <add>, %reduce_sum3A_89, %reduce_sum3A_90 [1, 2] : vector<1x512x1xf32> to vector<1xf32>
    %reduce_sum3A_92 = vector.shape_cast %reduce_sum3A_91 : vector<1xf32> to vector<1x1x1xf32>
    %reduce_sum3A_93 = vector.extract %reduce_sum3A_92[0, 0, 0] : f32 from vector<1x1x1xf32>
    %broadcast_in_dim3A_94 = vector.broadcast %reduce_sum3A_93 : f32 to vector<1x1xf32>
    %sub3A_95 = arith.subf %slice3A_77, %slice3A_75 : vector<512x1xf32>
    %abs3A_96 = math.absf %sub3A_95 : vector<512x1xf32>
    %reduce_sum3A_97 = vector.shape_cast %abs3A_96 : vector<512x1xf32> to vector<1x512x1xf32>
    %reduce_sum3A_98 = arith.constant dense<0.000000e+00> : vector<1xf32>
    %reduce_sum3A_99 = vector.multi_reduction <add>, %reduce_sum3A_97, %reduce_sum3A_98 [1, 2] : vector<1x512x1xf32> to vector<1xf32>
    %reduce_sum3A_100 = vector.shape_cast %reduce_sum3A_99 : vector<1xf32> to vector<1x1x1xf32>
    %reduce_sum3A_101 = vector.extract %reduce_sum3A_100[0, 0, 0] : f32 from vector<1x1x1xf32>
    %broadcast_in_dim3A_102 = vector.broadcast %reduce_sum3A_101 : f32 to vector<1x1xf32>
    %slice3A_103 = vector.extract_strided_slice %get3A_12 {offsets = [0, 1], sizes = [512, 1], strides = [1, 1]} : vector<512x3xf32> to vector<512x1xf32>
    %slice3A_104 = vector.extract_strided_slice %get3A_12 {offsets = [0, 2], sizes = [512, 1], strides = [1, 1]} : vector<512x3xf32> to vector<512x1xf32>
    %gt3A = arith.constant -1.000000e-01 : f32
    %gt3A_105 = vector.broadcast %gt3A : f32 to vector<512x1xf32>
    %gt3A_106 = arith.cmpf ogt, %slice3A_103, %gt3A_105 : vector<512x1xf32>
    %lt3A = arith.constant 1.000000e-01 : f32
    %lt3A_107 = vector.broadcast %lt3A : f32 to vector<512x1xf32>
    %lt3A_108 = arith.cmpf olt, %slice3A_103, %lt3A_107 : vector<512x1xf32>
    %and3A_109 = arith.andi %gt3A_106, %lt3A_108 : vector<512x1xi1>
    %convert_element_type3A_110 = arith.extui %and3A_109 : vector<512x1xi1> to vector<512x1xi32>
    %convert_element_type3A_111 = arith.sitofp %convert_element_type3A_110 : vector<512x1xi32> to vector<512x1xf32>
    %gt3A_112 = arith.constant 3.000000e-01 : f32
    %gt3A_113 = vector.broadcast %gt3A_112 : f32 to vector<512x1xf32>
    %gt3A_114 = arith.cmpf ogt, %slice3A_104, %gt3A_113 : vector<512x1xf32>
    %convert_element_type3A_115 = arith.extui %gt3A_114 : vector<512x1xi1> to vector<512x1xi32>
    %convert_element_type3A_116 = arith.sitofp %convert_element_type3A_115 : vector<512x1xi32> to vector<512x1xf32>
    %gt3A_117 = arith.constant 2.000000e-01 : f32
    %gt3A_118 = vector.broadcast %gt3A_117 : f32 to vector<512x1xf32>
    %gt3A_119 = arith.cmpf ogt, %slice3A_103, %gt3A_118 : vector<512x1xf32>
    %convert_element_type3A_120 = arith.extui %gt3A_119 : vector<512x1xi1> to vector<512x1xi32>
    %convert_element_type3A_121 = arith.sitofp %convert_element_type3A_120 : vector<512x1xi32> to vector<512x1xf32>
    %reduce_sum3A_122 = vector.shape_cast %convert_element_type3A_111 : vector<512x1xf32> to vector<1x512x1xf32>
    %reduce_sum3A_123 = arith.constant dense<0.000000e+00> : vector<1xf32>
    %reduce_sum3A_124 = vector.multi_reduction <add>, %reduce_sum3A_122, %reduce_sum3A_123 [1, 2] : vector<1x512x1xf32> to vector<1xf32>
    %reduce_sum3A_125 = vector.shape_cast %reduce_sum3A_124 : vector<1xf32> to vector<1x1x1xf32>
    %reduce_sum3A_126 = vector.extract %reduce_sum3A_125[0, 0, 0] : f32 from vector<1x1x1xf32>
    %broadcast_in_dim3A_127 = vector.broadcast %reduce_sum3A_126 : f32 to vector<1x1xf32>
    %mul3A_128 = arith.mulf %convert_element_type3A_111, %slice3A_103 : vector<512x1xf32>
    %reduce_sum3A_129 = vector.shape_cast %mul3A_128 : vector<512x1xf32> to vector<1x512x1xf32>
    %reduce_sum3A_130 = arith.constant dense<0.000000e+00> : vector<1xf32>
    %reduce_sum3A_131 = vector.multi_reduction <add>, %reduce_sum3A_129, %reduce_sum3A_130 [1, 2] : vector<1x512x1xf32> to vector<1xf32>
    %reduce_sum3A_132 = vector.shape_cast %reduce_sum3A_131 : vector<1xf32> to vector<1x1x1xf32>
    %reduce_sum3A_133 = vector.extract %reduce_sum3A_132[0, 0, 0] : f32 from vector<1x1x1xf32>
    %broadcast_in_dim3A_134 = vector.broadcast %reduce_sum3A_133 : f32 to vector<1x1xf32>
    %mul3A_135 = arith.mulf %convert_element_type3A_111, %slice3A_103 : vector<512x1xf32>
    %mul3A_136 = arith.mulf %mul3A_135, %slice3A_103 : vector<512x1xf32>
    %reduce_sum3A_137 = vector.shape_cast %mul3A_136 : vector<512x1xf32> to vector<1x512x1xf32>
    %reduce_sum3A_138 = arith.constant dense<0.000000e+00> : vector<1xf32>
    %reduce_sum3A_139 = vector.multi_reduction <add>, %reduce_sum3A_137, %reduce_sum3A_138 [1, 2] : vector<1x512x1xf32> to vector<1xf32>
    %reduce_sum3A_140 = vector.shape_cast %reduce_sum3A_139 : vector<1xf32> to vector<1x1x1xf32>
    %reduce_sum3A_141 = vector.extract %reduce_sum3A_140[0, 0, 0] : f32 from vector<1x1x1xf32>
    %broadcast_in_dim3A_142 = vector.broadcast %reduce_sum3A_141 : f32 to vector<1x1xf32>
    %reduce_sum3A_143 = vector.shape_cast %convert_element_type3A_116 : vector<512x1xf32> to vector<1x512x1xf32>
    %reduce_sum3A_144 = arith.constant dense<0.000000e+00> : vector<1xf32>
    %reduce_sum3A_145 = vector.multi_reduction <add>, %reduce_sum3A_143, %reduce_sum3A_144 [1, 2] : vector<1x512x1xf32> to vector<1xf32>
    %reduce_sum3A_146 = vector.shape_cast %reduce_sum3A_145 : vector<1xf32> to vector<1x1x1xf32>
    %reduce_sum3A_147 = vector.extract %reduce_sum3A_146[0, 0, 0] : f32 from vector<1x1x1xf32>
    %broadcast_in_dim3A_148 = vector.broadcast %reduce_sum3A_147 : f32 to vector<1x1xf32>
    %mul3A_149 = arith.mulf %convert_element_type3A_116, %slice3A_104 : vector<512x1xf32>
    %reduce_sum3A_150 = vector.shape_cast %mul3A_149 : vector<512x1xf32> to vector<1x512x1xf32>
    %reduce_sum3A_151 = arith.constant dense<0.000000e+00> : vector<1xf32>
    %reduce_sum3A_152 = vector.multi_reduction <add>, %reduce_sum3A_150, %reduce_sum3A_151 [1, 2] : vector<1x512x1xf32> to vector<1xf32>
    %reduce_sum3A_153 = vector.shape_cast %reduce_sum3A_152 : vector<1xf32> to vector<1x1x1xf32>
    %reduce_sum3A_154 = vector.extract %reduce_sum3A_153[0, 0, 0] : f32 from vector<1x1x1xf32>
    %broadcast_in_dim3A_155 = vector.broadcast %reduce_sum3A_154 : f32 to vector<1x1xf32>
    %mul3A_156 = arith.mulf %convert_element_type3A_116, %slice3A_104 : vector<512x1xf32>
    %mul3A_157 = arith.mulf %mul3A_156, %slice3A_104 : vector<512x1xf32>
    %reduce_sum3A_158 = vector.shape_cast %mul3A_157 : vector<512x1xf32> to vector<1x512x1xf32>
    %reduce_sum3A_159 = arith.constant dense<0.000000e+00> : vector<1xf32>
    %reduce_sum3A_160 = vector.multi_reduction <add>, %reduce_sum3A_158, %reduce_sum3A_159 [1, 2] : vector<1x512x1xf32> to vector<1xf32>
    %reduce_sum3A_161 = vector.shape_cast %reduce_sum3A_160 : vector<1xf32> to vector<1x1x1xf32>
    %reduce_sum3A_162 = vector.extract %reduce_sum3A_161[0, 0, 0] : f32 from vector<1x1x1xf32>
    %broadcast_in_dim3A_163 = vector.broadcast %reduce_sum3A_162 : f32 to vector<1x1xf32>
    %reduce_sum3A_164 = vector.shape_cast %convert_element_type3A_121 : vector<512x1xf32> to vector<1x512x1xf32>
    %reduce_sum3A_165 = arith.constant dense<0.000000e+00> : vector<1xf32>
    %reduce_sum3A_166 = vector.multi_reduction <add>, %reduce_sum3A_164, %reduce_sum3A_165 [1, 2] : vector<1x512x1xf32> to vector<1xf32>
    %reduce_sum3A_167 = vector.shape_cast %reduce_sum3A_166 : vector<1xf32> to vector<1x1x1xf32>
    %reduce_sum3A_168 = vector.extract %reduce_sum3A_167[0, 0, 0] : f32 from vector<1x1x1xf32>
    %broadcast_in_dim3A_169 = vector.broadcast %reduce_sum3A_168 : f32 to vector<1x1xf32>
    %mul3A_170 = arith.mulf %convert_element_type3A_121, %slice3A_103 : vector<512x1xf32>
    %reduce_sum3A_171 = vector.shape_cast %mul3A_170 : vector<512x1xf32> to vector<1x512x1xf32>
    %reduce_sum3A_172 = arith.constant dense<0.000000e+00> : vector<1xf32>
    %reduce_sum3A_173 = vector.multi_reduction <add>, %reduce_sum3A_171, %reduce_sum3A_172 [1, 2] : vector<1x512x1xf32> to vector<1xf32>
    %reduce_sum3A_174 = vector.shape_cast %reduce_sum3A_173 : vector<1xf32> to vector<1x1x1xf32>
    %reduce_sum3A_175 = vector.extract %reduce_sum3A_174[0, 0, 0] : f32 from vector<1x1x1xf32>
    %broadcast_in_dim3A_176 = vector.broadcast %reduce_sum3A_175 : f32 to vector<1x1xf32>
    %mul3A_177 = arith.mulf %convert_element_type3A_121, %slice3A_103 : vector<512x1xf32>
    %mul3A_178 = arith.mulf %mul3A_177, %slice3A_103 : vector<512x1xf32>
    %reduce_sum3A_179 = vector.shape_cast %mul3A_178 : vector<512x1xf32> to vector<1x512x1xf32>
    %reduce_sum3A_180 = arith.constant dense<0.000000e+00> : vector<1xf32>
    %reduce_sum3A_181 = vector.multi_reduction <add>, %reduce_sum3A_179, %reduce_sum3A_180 [1, 2] : vector<1x512x1xf32> to vector<1xf32>
    %reduce_sum3A_182 = vector.shape_cast %reduce_sum3A_181 : vector<1xf32> to vector<1x1x1xf32>
    %reduce_sum3A_183 = vector.extract %reduce_sum3A_182[0, 0, 0] : f32 from vector<1x1x1xf32>
    %broadcast_in_dim3A_184 = vector.broadcast %reduce_sum3A_183 : f32 to vector<1x1xf32>
    %lt3A_185 = arith.constant -2.000000e-01 : f32
    %lt3A_186 = vector.broadcast %lt3A_185 : f32 to vector<512x1xf32>
    %lt3A_187 = arith.cmpf olt, %slice3A_103, %lt3A_186 : vector<512x1xf32>
    %convert_element_type3A_188 = arith.extui %lt3A_187 : vector<512x1xi1> to vector<512x1xi32>
    %convert_element_type3A_189 = arith.sitofp %convert_element_type3A_188 : vector<512x1xi32> to vector<512x1xf32>
    %reduce_sum3A_190 = vector.shape_cast %convert_element_type3A_189 : vector<512x1xf32> to vector<1x512x1xf32>
    %reduce_sum3A_191 = arith.constant dense<0.000000e+00> : vector<1xf32>
    %reduce_sum3A_192 = vector.multi_reduction <add>, %reduce_sum3A_190, %reduce_sum3A_191 [1, 2] : vector<1x512x1xf32> to vector<1xf32>
    %reduce_sum3A_193 = vector.shape_cast %reduce_sum3A_192 : vector<1xf32> to vector<1x1x1xf32>
    %reduce_sum3A_194 = vector.extract %reduce_sum3A_193[0, 0, 0] : f32 from vector<1x1x1xf32>
    %broadcast_in_dim3A_195 = vector.broadcast %reduce_sum3A_194 : f32 to vector<1x1xf32>
    %gt3A_196 = arith.constant 0.000000e+00 : f32
    %gt3A_197 = vector.broadcast %gt3A_196 : f32 to vector<512x1xf32>
    %gt3A_198 = arith.cmpf ogt, %slice3A_103, %gt3A_197 : vector<512x1xf32>
    %convert_element_type3A_199 = arith.extui %gt3A_198 : vector<512x1xi1> to vector<512x1xi32>
    %convert_element_type3A_200 = arith.sitofp %convert_element_type3A_199 : vector<512x1xi32> to vector<512x1xf32>
    %mul3A_201 = arith.mulf %convert_element_type3A_116, %convert_element_type3A_200 : vector<512x1xf32>
    %reduce_sum3A_202 = vector.shape_cast %mul3A_201 : vector<512x1xf32> to vector<1x512x1xf32>
    %reduce_sum3A_203 = arith.constant dense<0.000000e+00> : vector<1xf32>
    %reduce_sum3A_204 = vector.multi_reduction <add>, %reduce_sum3A_202, %reduce_sum3A_203 [1, 2] : vector<1x512x1xf32> to vector<1xf32>
    %reduce_sum3A_205 = vector.shape_cast %reduce_sum3A_204 : vector<1xf32> to vector<1x1x1xf32>
    %reduce_sum3A_206 = vector.extract %reduce_sum3A_205[0, 0, 0] : f32 from vector<1x1x1xf32>
    %broadcast_in_dim3A_207 = vector.broadcast %reduce_sum3A_206 : f32 to vector<1x1xf32>
    %broadcast_in_dim3A_208 = arith.constant 0.000000e+00 : f32
    %broadcast_in_dim3A_209 = vector.broadcast %broadcast_in_dim3A_208 : f32 to vector<1x5xf32>
    %concatenate3A = tpu.concatenate %broadcast_in_dim3A_127, %broadcast_in_dim3A_134, %broadcast_in_dim3A_142, %broadcast_in_dim3A_148, %broadcast_in_dim3A_155, %broadcast_in_dim3A_163, %broadcast_in_dim3A_169, %broadcast_in_dim3A_176, %broadcast_in_dim3A_184, %broadcast_in_dim3A_195, %broadcast_in_dim3A_207, %broadcast_in_dim3A_209 in 1 : vector<1x1xf32>, vector<1x1xf32>, vector<1x1xf32>, vector<1x1xf32>, vector<1x1xf32>, vector<1x1xf32>, vector<1x1xf32>, vector<1x1xf32>, vector<1x1xf32>, vector<1x1xf32>, vector<1x1xf32>, vector<1x5xf32> -> vector<1x16xf32>
    %get3A_210 = arith.constant 0 : index
    %get3A_211 = arith.constant 0 : index
    %get3A_212 = arith.constant 0 : index
    %get3A_213 = vector.load %arg7[%get3A_210, %get3A_211, %get3A_212] : memref<1x1x16xf32, #tpu.memory_space<vmem>>, vector<1x1x16xf32>
    %get3A_214 = vector.shape_cast %get3A_213 : vector<1x1x16xf32> to vector<1x16xf32>
    %add3A_215 = arith.addf %get3A_214, %concatenate3A : vector<1x16xf32>
    %swap3A = arith.constant 0 : index
    %swap3A_216 = arith.constant 0 : index
    %swap3A_217 = arith.constant 0 : index
    %swap3A_218 = vector.load %arg7[%swap3A, %swap3A_216, %swap3A_217] : memref<1x1x16xf32, #tpu.memory_space<vmem>>, vector<1x1x16xf32>
    %swap3A_219 = vector.shape_cast %swap3A_218 : vector<1x1x16xf32> to vector<1x16xf32>
    %swap3A_220 = vector.shape_cast %add3A_215 : vector<1x16xf32> to vector<1x1x16xf32>
    tpu.vector_store %arg7[%swap3A, %swap3A_216, %swap3A_217], %swap3A_220 {strides = array<i32>} : memref<1x1x16xf32, #tpu.memory_space<vmem>>, vector<1x1x16xf32>,
    %broadcast_in_dim3A_221 = arith.constant 0.000000e+00 : f32
    %broadcast_in_dim3A_222 = vector.broadcast %broadcast_in_dim3A_221 : f32 to vector<1x13xf32>
    %concatenate3A_223 = tpu.concatenate %broadcast_in_dim3A_83, %broadcast_in_dim3A_94, %broadcast_in_dim3A_102, %broadcast_in_dim3A_222 in 1 : vector<1x1xf32>, vector<1x1xf32>, vector<1x1xf32>, vector<1x13xf32> -> vector<1x16xf32>
    %get3A_224 = arith.constant 0 : index
    %get3A_225 = arith.constant 0 : index
    %get3A_226 = vector.load %arg6[%get3A_224, %get3A_225] : memref<1x16xf32, #tpu.memory_space<vmem>>, vector<1x16xf32>
    %add3A_227 = arith.addf %get3A_226, %concatenate3A_223 : vector<1x16xf32>
    %swap3A_228 = arith.constant 0 : index
    %swap3A_229 = arith.constant 0 : index
    %swap3A_230 = vector.load %arg6[%swap3A_228, %swap3A_229] : memref<1x16xf32, #tpu.memory_space<vmem>>, vector<1x16xf32>
    tpu.vector_store %arg6[%swap3A_228, %swap3A_229], %add3A_227 {strides = array<i32>} : memref<1x16xf32, #tpu.memory_space<vmem>>, vector<1x16xf32>,
    return
  }
  func.func @transform_0(%arg0: i32, %arg1: i32) -> (i32, i32, i32) {
    %c0_i32 = arith.constant 0 : i32
    %c0_i32_0 = arith.constant 0 : i32
    return %arg0, %arg1, %c0_i32 : i32, i32, i32
  }
  func.func @transform_1(%arg0: i32, %arg1: i32) -> (i32, i32, i32) {
    %c0_i32 = arith.constant 0 : i32
    %c0_i32_0 = arith.constant 0 : i32
    %c0_i32_1 = arith.constant 0 : i32
    return %arg0, %c0_i32, %c0_i32_0 : i32, i32, i32
  }
  func.func @transform_2(%arg0: i32, %arg1: i32) -> (i32, i32, i32) {
    %c0_i32 = arith.constant 0 : i32
    %c0_i32_0 = arith.constant 0 : i32
    return %arg0, %arg1, %c0_i32 : i32, i32, i32
  }
  func.func @transform_3(%arg0: i32, %arg1: i32) -> (i32, i32, i32) {
    %c0_i32 = arith.constant 0 : i32
    %c0_i32_0 = arith.constant 0 : i32
    %c0_i32_1 = arith.constant 0 : i32
    return %arg0, %c0_i32, %c0_i32_0 : i32, i32, i32
  }
  func.func @transform_4(%arg0: i32, %arg1: i32) -> (i32, i32) {
    %c0_i32 = arith.constant 0 : i32
    %c0_i32_0 = arith.constant 0 : i32
    %c0_i32_1 = arith.constant 0 : i32
    return %c0_i32, %c0_i32_0 : i32, i32
  }
  func.func @transform_5(%arg0: i32, %arg1: i32) -> (i32, i32, i32) {
    %c0_i32 = arith.constant 0 : i32
    %c0_i32_0 = arith.constant 0 : i32
    %c0_i32_1 = arith.constant 0 : i32
    return %arg0, %c0_i32, %c0_i32_0 : i32, i32, i32
  }
}

</mosaic_0001>

<sc_bundles>
// kernel: kernel.6.cloned.1.call-start
scs
__scs_entry_jumppad:
0x0: {  	(pc) =	sbr.rel $0x88, $3  }
0x1: {  	(tag) =	ssettag $0x0;
	lr =	simm.s32 $0x1  }
0x2: {  	[smem:$0x3F9E] =	sst lr;
	_ =	strace $0xD0000000  }
0x3: {  	_ = 	snop  }
0x4: {  	_ = 	snop  }
0x5: {  	_ = 	snop  }
0x6: {  	_ = 	snop  }
0x7: {  	_ = 	snop  }
__scs_overlays_trampoline_lowered:
0x8: {  	[smem:$0x3FAD] =	sst s0  }
0x9: {  	[smem:$0x3FAE] =	sst s1  }
0xa: {  	[smem:$0x3FAF] =	sst s2  }
0xb: {  	[smem:$0x3FB0] =	sst s3  }
0xc: {  	[smem:$0x3FB1] =	sst s4  }
0xd: {  	[smem:$0x3FB2] =	sst s5  }
0xe: {  	[smem:$0x3FB3] =	sst s6  }
0xf: {  	[smem:$0x3FB4] =	sst s7  }
0x10: {  	[smem:$0x3FB5] =	sst s8  }
0x11: {  	[smem:$0x3FB6] =	sst s9;
	s0 =	simm.s32 @!p0 $0x0  }
0x12: {  	s1 =	sld [smem:$0x3F9C];
	s0 =	simm.s32 @p0 $0x1  }
0x13: {  	[smem:$0x3FB7] =	sst s0;
	s0 =	simm.s32 @!p1 $0x0  }
0x14: {  	s2 =	sld [smem:$0x3F9B];
	s0 =	simm.s32 @p1 $0x1  }
0x15: {  	[smem:$0x3FB8] =	sst s0;
	s0 =	simm.s32 @!p2 $0x0  }
0x16: {  	s3 =	sld [smem:$0x3FDB];
	s0 =	simm.s32 @p2 $0x1  }
0x17: {  	s4 =	simm.s32 $0x1BF5;
	[smem:$0x3FBA] =	sst s0  }
0x18: {  	s0 =	sld [smem:$0x3F9D];
	_ =	swait.ge [sflag:s4], $0x0  }
0x19: {  	s7 =	sld [smem:$0x3F9E]  }
0x1a: {  	s8 =	sadd.s32 $0xFFFFE003, lr  }
0x1b: {  	s9 =	sadd.s32 $0xFFFFFEF7, lr;
	s5 =	simm.s32 $0xFFFFFFFF;
	p2 =	slt.u32 s8, $0xFFFFF086  }
0x1c: {  	p1 =	slt.u32 s9, $0xF7A;
	s5 =	simm.s32 @!p2 $0x0  }
0x1d: {  	s5 =	simm.s32 @p1 $0x1;
	p0 =	seq.s32 s7, s2  }
0x1e: {  	s7 =	smul.u32 @!p0 $0xF7A, s2;
	p2 =	seq.s32 @!p0 s5, $0x0  }
0x1f: {  	s9 =	smul.u32 $0xF7A, s1;
	s8 =	simm.s32 @!p0 $0x1BF5;
	p2 =	por !p2, p0  }
0x20: {  	[sflag:s8] =	ssyncset.s32 @!p0 $0xFFFFF086;
	s6 =	sadd.s32 @!p0 s3, s7;
	s7 =	simm.s32 @!p0 $0x108  }
0x21: {  	s3 =	sadd.s32 s3, s9;
	s6 =	sadd.s32 @!p0 $0x88, s6;
	s7 =	simm.s32 @p2 $0x1082  }
0x22: {  	[simem:s7], [sflag:s8] =	dma.local @!p0 [hbm:s6], $0xF7A  }
0x23: {  	s9 =	sor.u32 $0xD0000000, s2;
	s6 =	simm.s32 $0x108;
	_ =	swait.ge @!p0 [sflag:s8], $0x0  }
0x24: {  	s3 =	sadd.s32 $0x88, s3;
	s6 =	simm.s32 @!p1 $0x1082;
	[sflag:s4] =	ssyncset.s32 $0xFFFFF086  }
0x25: {  	[simem:s6], [sflag:s4] =	dma.local [hbm:s3], $0xF7A  }
0x26: {  	[smem:$0x3F9E] =	sst s1;
	(tag) =	ssettag s2;
	_ =	strace s9  }
0x27: {  	s1 =	sld [smem:$0x3FAE]  }
0x28: {  	s2 =	sld [smem:$0x3FAF]  }
0x29: {  	s4 =	sld [smem:$0x3FB1]  }
0x2a: {  	p0 =	seq.s32 s5, $0x0;
	s5 =	sld [smem:$0x3FB2]  }
0x2b: {  	s6 =	sld [smem:$0x3FB3]  }
0x2c: {  	s7 =	sld [smem:$0x3FB4]  }
0x2d: {  	s3 =	simm.s32 $0x108;
	s8 =	sld [smem:$0x3FB5]  }
0x2e: {  	s3 =	simm.s32 @!p0 $0x1082;
	s9 =	sld [smem:$0x3FB6]  }
0x2f: {  	lr =	sadd.s32 s0, s3;
	s0 =	sld [smem:$0x3FAD]  }
0x30: {  	s3 =	sld [smem:$0x3FB0]  }
0x31: {  	[smem:$0x3FB9] =	sst s10  }
0x32: {  	s10 =	sld [smem:$0x3FB7];
	_ =	sdelay $0x3  }
0x33: {  	p0 =	seq.s32 s10, $0x1;
	s10 =	sld [smem:$0x3FB9];
	_ =	sdelay $0x3  }
0x34: {  	[smem:$0x3FB9] =	sst s10  }
0x35: {  	s10 =	sld [smem:$0x3FB8];
	_ =	sdelay $0x3  }
0x36: {  	p1 =	seq.s32 s10, $0x1;
	s10 =	sld [smem:$0x3FB9];
	_ =	sdelay $0x3  }
0x37: {  	[smem:$0x3FB9] =	sst s10  }
0x38: {  	s10 =	sld [smem:$0x3FBA]  }
0x39: {  	_ = 	snop;
	(pc) =	sbr.ind lr, $3  }
0x3a: {  	_ = 	snop  }
0x3b: {  	_ = 	snop  }
0x3c: {  	p2 =	seq.s32 s10, $0x1;
	s10 =	sld [smem:$0x3FB9]  }
0x3d: {  	_ =	shalt  }
0x3e: {  	_ =	shalt  }
0x3f: {  	_ =	shalt  }
0x40: {  	_ =	shalt  }
0x41: {  	_ =	shalt  }
0x42: {  	_ =	shalt  }
0x43: {  	_ =	shalt  }
0x44: {  	_ =	shalt  }
0x45: {  	_ =	shalt  }
0x46: {  	_ =	shalt  }
0x47: {  	_ =	shalt  }
0x48: {  	_ =	shalt  }
0x49: {  	_ =	shalt  }
0x4a: {  	_ =	shalt  }
0x4b: {  	_ =	shalt  }
0x4c: {  	_ =	shalt  }
0x4d: {  	_ =	shalt  }
0x4e: {  	_ =	shalt  }
0x4f: {  	_ =	shalt  }
0x50: {  	_ =	shalt  }
0x51: {  	_ =	shalt  }
0x52: {  	_ =	shalt  }
0x53: {  	_ =	shalt  }
0x54: {  	_ =	shalt  }
0x55: {  	_ =	shalt  }
0x56: {  	_ =	shalt  }
0x57: {  	_ =	shalt  }
0x58: {  	_ =	shalt  }
0x59: {  	_ =	shalt  }
0x5a: {  	_ =	shalt  }
0x5b: {  	_ =	shalt  }
0x5c: {  	_ =	shalt  }
0x5d: {  	_ =	shalt  }
0x5e: {  	_ =	shalt  }
0x5f: {  	_ =	shalt  }
0x60: {  	_ =	shalt  }
0x61: {  	_ =	shalt  }
0x62: {  	_ =	shalt  }
0x63: {  	_ =	shalt  }
0x64: {  	_ =	shalt  }
0x65: {  	_ =	shalt  }
0x66: {  	_ =	shalt  }
0x67: {  	_ =	shalt  }
0x68: {  	_ =	shalt  }
0x69: {  	_ =	shalt  }
0x6a: {  	_ =	shalt  }
0x6b: {  	_ =	shalt  }
0x6c: {  	_ =	shalt  }
0x6d: {  	_ =	shalt  }
0x6e: {  	_ =	shalt  }
0x6f: {  	_ =	shalt  }
0x70: {  	_ =	shalt  }
0x71: {  	_ =	shalt  }
0x72: {  	_ =	shalt  }
0x73: {  	_ =	shalt  }
0x74: {  	_ =	shalt  }
0x75: {  	_ =	shalt  }
0x76: {  	_ =	shalt  }
0x77: {  	_ =	shalt  }
0x78: {  	_ =	shalt  }
0x79: {  	_ =	shalt  }
0x7a: {  	_ =	shalt  }
0x7b: {  	_ =	shalt  }
0x7c: {  	_ =	shalt  }
0x7d: {  	_ =	shalt  }
0x7e: {  	_ =	shalt  }
0x7f: {  	_ =	shalt  }
0x80: {  	_ =	shalt  }
0x81: {  	_ =	shalt  }
0x82: {  	_ =	shalt  }
0x83: {  	_ =	shalt  }
0x84: {  	_ =	shalt  }
0x85: {  	_ =	shalt  }
0x86: {  	_ =	shalt  }
0x87: {  	_ =	shalt  }
.Lfunc_end0:
.L_simem_size_0:
called_computation_lowered:
.L_overlay_start_0:
0x88: {  	s2 =	sld [smem:$0x3FD9]  }
0x89: {  	s3 =	sld [smem:$0x3FFE];
	_ =	sdelay $0x1  }
0x8a: {  	s1 =	srdreg.scid  }
0x8b: {  	s0 =	sand.u32 $0x1, s1  }
0x8c: {  	s16 =	sshll.u32 s0, $0xA;
	s2 =	sadd.s32 s3, s2  }
0x8d: {  	s2 =	sadd.s32 s2, s16  }
0x8e: {  	[smem:$0x3FC5] =	sst s2  }
0x8f: {  	_ = 	snop  }
0x90: {  	(tm) =	ssettm $0x1  }
0x91: {  	s17 =	sld [smem:$0x3FFB];
	_ =	sdelay $0x3  }
0x92: {  	_ =	strace s17  }
0x93: {  	s2 =	sld [smem:$0x3FFC];
	_ =	sdelay $0x3  }
0x94: {  	_ =	strace s2  }
0x95: {  	s2 =	sld [smem:$0x3FFD];
	_ =	sdelay $0x3  }
0x96: {  	_ =	strace s2  }
0x97: {  	_ =	strace $0x8FFFFFFF  }
0x98: {  	s18 =	sld [smem:$0x3FDB];
	_ =	sdelay $0x1  }
0x99: {  	s19 =	simm.s32 $_scs_section_size  }
0x9a: {  	s4 =	simm.s32 $_size__tile_overlayer_lowered;
	s5 =	simm.s32 $_tile_overlayer_lowered  }
0x9b: {  	s22 =	simm.s32 $0x1BFF;
	s21 =	sshll.u32 s5, $0x1;
	s2 =	sadd.s32 s19, s18  }
0x9c: {  	s6 =	simm.s32 $0x0;
	s20 =	sshll.u32 s4, $0x1;
	s4 =	sadd.s32 s21, s2  }
0x9d: {  	[timem:s6], [sflag:s22] =	dma.local [hbm:s4], s20  }
0x9e: {  	_ =	swait.ge [sflag:s22], s20  }
0x9f: {  	s3 =	ssub.s32 $0x0, s20;
	[sflag:s22] =	ssyncset.done $0x0  }
0xa0: {  	[sflag:s22] =	ssyncadd.s32 s3;
	_ =	sdelay $0x1  }
0xa1: {  	s23 =	simm.s32 $0x1B8B  }
0xa2: {  	_ =	swait.ge [sflag:s23], $0x1  }
0xa3: {  	[sflag:s23] =	ssyncset.done $0x0  }
0xa4: {  	s25 =	simm.s32 $0x1B8E;
	s24 =	sld [smem:$0x3FFE];
	[sflag:s23] =	ssyncadd.s32 $0xFFFFFFFF  }
0xa5: {  	s26 =	simm.s32 $execute0_lowered;
	[smem:$0x3FD2] =	sst s25  }
0xa6: {  	s4 =	sshll.u32 s26, $0x1;
	_ =	strace $0x80000046;
	[dreg:$0x1] =	wrdreg $0xFFFFFFFF  }
0xa7: {  	s28 =	simm.s32 $_size_execute0_lowered;
	s2 =	sadd.s32 s2, s4;
	[dreg:$0x0] =	wrdreg $0x0  }
0xa8: {  	s4 =	sshll.u32 s28, $0x1;
	[dreg:$0x2] =	wrdreg s2  }
0xa9: {  	[dreg:$0x3] =	wrdreg s4  }
0xaa: {  	[dreg:$0x4] =	wrdreg $0xC0  }
0xab: {  	_ =	task [dreg:s6], $0x5FFFF  }
0xac: {  	[dreg:$0x1] =	wrdreg $0xFFFFFFFF  }
0xad: {  	[dreg:$0x0] =	wrdreg $0x60  }
0xae: {  	[dreg:$0x2] =	wrdreg s24  }
0xaf: {  	[dreg:$0x3] =	wrdreg $0x9  }
0xb0: {  	_ =	task.clear_ibuf [dreg:s6], $0x4FFFF;
	_ =	strace $0x90000046  }
0xb1: {  	s29 =	simm.s32 $0x9;
	_ =	strace $0x80000048  }
0xb2: {  	_ =	swait.ge [sflag:s29], $0x1  }
0xb3: {  	[sflag:s29] =	ssyncadd.s32 $0xFFFFFFFF  }
0xb4: {  	_ =	strace $0x90000048  }
0xb5: {  	_ =	sfence  }
0xb6: {  	s30 =	sld [smem:$0x0];
	_ =	sdelay $0x2  }
0xb7: {  	s31 =	sshll.u32 s1, $0xD;
	s1 =	sshrl.u32 s1, $0x2  }
0xb8: {  	s3 =	sand.u32 $0x4000, s31;
	s1 =	sadd.s32 s1, s30  }
0xb9: {  	s0 =	sor.u32 s3, s0;
	s1 =	sshll.u32 s1, $0x11  }
0xba: {  	s0 =	sor.u32 s1, s0  }
0xbb: {  	s0 =	sadd.s32 $0x8F2B, s0  }
0xbc: {  	[sflag:s0] =	ssyncadd.remote.s32 $0x1  }
0xbd: {  	_ =	sfence.sel $0xFFFF  }
0xbe: {  	[dreg:$0x0] =	wrdreg $0xFFFFFFFF;
	(pc) =	sbr.abs _section_cstart, $3  }
0xbf: {  	[dreg:$0x1] =	wrdreg $0xFFFFFFFF  }
0xc0: {  	_ =	task.clear_ibuf [dreg:s6], $0x2FFFF;
	_ =	strace $0x9FFFFFFF  }
0xc1: {  	(tm) =	ssettm $0x7FFFFFFF  }
tec
execute0_lowered:
.L_overlay_start_1:
0x0: {  	(tag) =	ssettag $0x1  }
0x1: {  	s4 =	rddreg [dreg:$0x0]  }
0x2: {  	s0 =	rddreg [dreg:$0x1]  }
0x3: {  	s2 =	simm.s32 $0x0;
	s1 =	stileid.u32;
	s5 =	srdreg.scid  }
0x4: {  	s9 =	simm.s32 $0x1;
	s10 =	simm.s32 $0x4800;
	s11 =	simm.s32 $0x7800  }
0x5: {  	s12 =	simm.s32 $0x0;
	[smem:$0x7FF] =	sst s2;
	s3 =	sshll.u32 s1, $0x3  }
0x6: {  	s5 =	sand.u32 $0x1, s5;
	s6 =	sshll.u32 s1, $0x1;
	_ =	strace $0x80000047  }
0x7: {  	s3 =	sand.u32 $0x70, s3;
	s6 =	sor.u32 s5, s6;
	s5 =	ssub.s32 $0x2, s5  }
0x8: {  	s7 =	sshll.u32 s6, $0xA;
	s8 =	sshrl.u32 s5, $0x1;
	s6 =	smul.u32 $0x600, s6  }
0x9: {  	s3 =	sadd.s32 s3, s4;
	s7 =	sadd.s32 s7, s4;
	s8 =	ssub.s32 s5, s8  }
0xa: {  	s3 =	sadd.s32 $0x40000, s3;
	s4 =	sadd.s32 s4, s6;
	s5 =	sadd.s32 $0xC000, s7  }
0xb: {  	s6 =	smax.u32 s8, $0x1;
	s7 =	simm.s32 $0x80;
	s8 =	simm.s32 $0x400  }
.LBB2_1:
0xc: {  	[tilespmem:s2], [sflag:$0x1] =	stream.strided.gather [hbm4b:s3+s7], $0x4800, s8, s7, $0x38;
	[tilespmem:$0x9800] =	vst v63  }
0xd: {  	_ =	swait.ge [sflag:s9], $0x4800  }
0xe: {  	[sflag:s9] =	ssyncset.done $0x0  }
0xf: {  	[sflag:s9] =	ssyncadd.s32 $0xFFFFB800  }
0x10: {  	[tilespmem:s10], [sflag:$0x1] =	stream.linear.gather [hbm4b:s4+s2], $0x3000, $0x38;
	[tilespmem:$0x9800] =	vst v63  }
0x11: {  	_ =	swait.ge [sflag:s9], $0x3000  }
0x12: {  	[sflag:s9] =	ssyncset.done $0x0  }
0x13: {  	s13 =	simm.s32 $0x0;
	s14 =	simm.s32 $0x0;
	[sflag:s9] =	ssyncadd.s32 $0xFFFFD000  }
.LBB2_2:
0x14: {  	s15 =	sand.u32 $0x70, s14;
	s16 =	sand.u32 $0xC00, s13  }
0x15: {  	s15 =	sor.u32 s15, s16  }
0x16: {  	s16 =	sor.u32 s16, s14;
	v0 =	vld [tilespmem:s15+$0x4800]  }
0x17: {  	v7 =	vld [tilespmem:s15+$0x4900];
	s16 =	sor.u32 $0x180, s16  }
0x18: {  	v63 =	vld [tilespmem:s16+$0x4800];
	_ =	sdelay $0x3  }
0x19: {  	v1 =	vadd.s32 $0x800, v0  }
0x1a: {  	v6 =	vld [tilespmem:s15+$0x4880];
	v2 =	vadd.s32 $0x1000, v0  }
0x1b: {  	v3 =	vadd.s32 $0x1800, v0;
	v16 =	vld.idx.msk [tilespmem:v0+s2+$0x0], $0xffff  }
0x1c: {  	v4 =	vadd.s32 $0x2000, v0;
	v22 =	vld.idx.msk [tilespmem:v7+s2+$0x0], $0xffff  }
0x1d: {  	v5 =	vadd.s32 $0x2800, v0;
	v28 =	vld.idx.msk [tilespmem:v63+s2+$0x0], $0xffff  }
0x1e: {  	v40 =	vadd.s32 $0x3000, v0;
	v8 =	vld.idx.msk [tilespmem:v1+s2+$0x0], $0xffff  }
0x1f: {  	v41 =	vadd.s32 $0x3800, v0;
	v9 =	vld.idx.msk [tilespmem:v2+s2+$0x0], $0xffff  }
0x20: {  	v42 =	vadd.s32 $0x800, v6;
	v14 =	vld.idx.msk [tilespmem:v3+s2+$0x0], $0xffff  }
0x21: {  	v43 =	vadd.s32 $0x1000, v6;
	v15 =	vld.idx.msk [tilespmem:v4+s2+$0x0], $0xffff  }
0x22: {  	v44 =	vadd.s32 $0x1800, v6;
	v10 =	vld.idx.msk [tilespmem:v5+s2+$0x0], $0xffff  }
0x23: {  	v45 =	vadd.s32 $0x2000, v6;
	v13 =	vld.idx.msk [tilespmem:v40+s2+$0x0], $0xffff  }
0x24: {  	v46 =	vadd.s32 $0x2800, v6;
	v11 =	vld.idx.msk [tilespmem:v41+s2+$0x0], $0xffff  }
0x25: {  	v47 =	vadd.s32 $0x3000, v6;
	v17 =	vld.idx.msk [tilespmem:v42+s2+$0x0], $0xffff  }
0x26: {  	v54 =	vadd.s32 $0x3800, v6;
	v56 =	vld.idx.msk [tilespmem:v43+s2+$0x0], $0xffff  }
0x27: {  	v55 =	vadd.s32 $0x4000, v6;
	v51 =	vld.idx.msk [tilespmem:v44+s2+$0x0], $0xffff  }
0x28: {  	v58 =	vadd.s32 $0x800, v7;
	v57 =	vld.idx.msk [tilespmem:v45+s2+$0x0], $0xffff  }
0x29: {  	v59 =	vadd.s32 $0x1000, v7;
	v19 =	vld.idx.msk [tilespmem:v46+s2+$0x0], $0xffff  }
0x2a: {  	v60 =	vadd.s32 $0x1800, v7;
	v20 =	vld.idx.msk [tilespmem:v47+s2+$0x0], $0xffff  }
0x2b: {  	v61 =	vadd.s32 $0x2000, v7;
	v18 =	vld.idx.msk [tilespmem:v54+s2+$0x0], $0xffff  }
0x2c: {  	v62 =	vadd.s32 $0x2800, v7;
	v21 =	vld.idx.msk [tilespmem:v55+s2+$0x0], $0xffff  }
0x2d: {  	v36 =	vadd.s32 $0x3000, v7;
	v29 =	vld.idx.msk [tilespmem:v58+s2+$0x0], $0xffff  }
0x2e: {  	v37 =	vadd.s32 $0x3800, v7;
	v25 =	vld.idx.msk [tilespmem:v59+s2+$0x0], $0xffff  }
0x2f: {  	v38 =	vadd.s32 $0x4000, v7;
	v30 =	vld.idx.msk [tilespmem:v60+s2+$0x0], $0xffff  }
0x30: {  	v31 =	vld.idx.msk [tilespmem:v61+s2+$0x0], $0xffff  }
0x31: {  	v33 =	vld.idx.msk [tilespmem:v62+s2+$0x0], $0xffff  }
0x32: {  	v39 =	vadd.s32 $0x800, v63;
	v26 =	vld.idx.msk [tilespmem:v36+s2+$0x0], $0xffff  }
0x33: {  	v0 =	vadd.s32 $0x4000, v0;
	v27 =	vld.idx.msk [tilespmem:v37+s2+$0x0], $0xffff  }
0x34: {  	v23 =	vld.idx.msk [tilespmem:v38+s2+$0x0], $0xffff  }
0x35: {  	v40 =	vadd.s32 $0x1000, v63;
	v45 =	vld [tilespmem:s15+$0x4A00]  }
0x36: {  	v41 =	vadd.s32 $0x1800, v63;
	v59 =	vld [tilespmem:s15+$0x4A80]  }
0x37: {  	v42 =	vadd.s32 $0x2000, v63;
	v24 =	vld.idx.msk [tilespmem:v39+s2+$0x0], $0xffff  }
0x38: {  	v43 =	vadd.s32 $0x2800, v63;
	v12 =	vld.idx.msk [tilespmem:v0+s2+$0x0], $0xffff  }
0x39: {  	v44 =	vadd.s32 $0x3000, v63;
	v0 =	vld.idx.msk [tilespmem:v6+s2+$0x0], $0xffff  }
0x3a: {  	v1 =	vld.idx.msk [tilespmem:v40+s2+$0x0], $0xffff  }
0x3b: {  	v2 =	vld.idx.msk [tilespmem:v41+s2+$0x0], $0xffff  }
0x3c: {  	v3 =	vld.idx.msk [tilespmem:v42+s2+$0x0], $0xffff  }
0x3d: {  	v46 =	vadd.s32 $0x3800, v63;
	v48 =	vld.idx.msk [tilespmem:v43+s2+$0x0], $0xffff  }
0x3e: {  	v47 =	vadd.s32 $0x4000, v63;
	v49 =	vld.idx.msk [tilespmem:v44+s2+$0x0], $0xffff  }
0x3f: {  	v50 =	vadd.s32 $0x800, v45;
	v40 =	vld [tilespmem:s15+$0x4B00]  }
0x40: {  	v55 =	vadd.s32 $0x2000, v45;
	v54 =	vld.idx.msk [tilespmem:v45+s2+$0x0], $0xffff  }
0x41: {  	v58 =	vadd.s32 $0x2800, v45;
	v36 =	vld.idx.msk [tilespmem:v59+s2+$0x0], $0xffff  }
0x42: {  	v38 =	vadd.s32 $0x2800, v59;
	[tilespmem:$0x1FCA0] =	vst v1;
	v1 =	vld.idx.msk [tilespmem:v46+s2+$0x0], $0xffff  }
0x43: {  	v39 =	vadd.s32 $0x3000, v59;
	[tilespmem:$0x1FCB0] =	vst v2;
	v2 =	vld.idx.msk [tilespmem:v47+s2+$0x0], $0xffff  }
0x44: {  	[tilespmem:$0x1FCC0] =	vst v3;
	v3 =	vld.idx.msk [tilespmem:v50+s2+$0x0], $0xffff  }
0x45: {  	v4 =	vld.idx.msk [tilespmem:v55+s2+$0x0], $0xffff  }
0x46: {  	v63 =	vld.idx.msk [tilespmem:v58+s2+$0x0], $0xffff  }
0x47: {  	v52 =	vadd.s32 $0x1000, v45;
	v11 =	vadd.f32 $0.0e+00, v11;
	v43 =	vld.idx.msk [tilespmem:v38+s2+$0x0], $0xffff  }
0x48: {  	v53 =	vadd.s32 $0x1800, v45;
	v44 =	vld.idx.msk [tilespmem:v39+s2+$0x0], $0xffff  }
0x49: {  	v60 =	vadd.s32 $0x3000, v45;
	v11 =	vadd.f32 v18, v11;
	[tilespmem:$0x1FCD0] =	vst v48;
	v18 =	vld [tilespmem:$0x1FCC0]  }
0x4a: {  	v32 =	vadd.s32 $0x800, v59;
	[tilespmem:$0x1FD10] =	vst v54;
	v48 =	vld.idx.msk [tilespmem:v40+s2+$0x0], $0xffff  }
0x4b: {  	v11 =	vadd.f32 v27, v11;
	v27 =	vld [tilespmem:$0x1FD10]  }
0x4c: {  	v61 =	vadd.s32 $0x3800, v45;
	v62 =	vadd.s32 $0x4000, v45;
	v45 =	vadd.s32 $0x800, v40;
	[tilespmem:$0x1FCF0] =	vst v1;
	v1 =	vld.idx.msk [tilespmem:v52+s2+$0x0], $0xffff  }
0x4d: {  	v47 =	vadd.s32 $0x1800, v40;
	[tilespmem:$0x1FD00] =	vst v2;
	v2 =	vld.idx.msk [tilespmem:v53+s2+$0x0], $0xffff  }
0x4e: {  	s17 =	sor.u32 s13, s14;
	v50 =	vadd.s32 $0x2800, v40;
	[tilespmem:$0x1FD20] =	vst v3;
	v3 =	vld.idx.msk [tilespmem:v60+s2+$0x0], $0xffff  }
0x4f: {  	s17 =	sor.u32 $0x380, s17;
	[tilespmem:$0x1FD50] =	vst v4;
	v4 =	vld.idx.msk [tilespmem:v32+s2+$0x0], $0xffff  }
0x50: {  	v52 =	vld [tilespmem:s17+$0x4800]  }
0x51: {  	v34 =	vadd.s32 $0x1000, v59;
	v35 =	vadd.s32 $0x1800, v59;
	v58 =	vld.idx.msk [tilespmem:v45+s2+$0x0], $0xffff  }
0x52: {  	v37 =	vadd.s32 $0x2000, v59;
	v41 =	vadd.s32 $0x3800, v59;
	v42 =	vadd.s32 $0x4000, v59;
	v59 =	vld.idx.msk [tilespmem:v47+s2+$0x0], $0xffff  }
0x53: {  	[tilespmem:$0x1FCE0] =	vst v49;
	v49 =	vadd.s32 $0x2000, v40;
	v60 =	vld.idx.msk [tilespmem:v50+s2+$0x0], $0xffff  }
0x54: {  	v50 =	vld [tilespmem:s15+$0x5880]  }
0x55: {  	[tilespmem:$0x1FD30] =	vst v1;
	v1 =	vld.idx.msk [tilespmem:v61+s2+$0x0], $0xffff  }
0x56: {  	[tilespmem:$0x1FD40] =	vst v2;
	v2 =	vld.idx.msk [tilespmem:v62+s2+$0x0], $0xffff  }
0x57: {  	[tilespmem:$0x1FD70] =	vst v3;
	v3 =	vld.idx.msk [tilespmem:v37+s2+$0x0], $0xffff  }
0x58: {  	v53 =	vadd.s32 $0x3000, v40;
	[tilespmem:$0x1FDB0] =	vst v4;
	v4 =	vld.idx.msk [tilespmem:v49+s2+$0x0], $0xffff  }
0x59: {  	v37 =	vld [tilespmem:s15+$0x5900]  }
0x5a: {  	[tilespmem:$0x1FD60] =	vst v63;
	v62 =	vadd.s32 $0x800, v52;
	v39 =	vld.idx.msk [tilespmem:v52+s2+$0x0], $0xffff  }
0x5b: {  	[tilespmem:$0x1FD80] =	vst v1;
	v1 =	vld.idx.msk [tilespmem:v34+s2+$0x0], $0xffff  }
0x5c: {  	[tilespmem:$0x1FD90] =	vst v2;
	v2 =	vld.idx.msk [tilespmem:v35+s2+$0x0], $0xffff  }
0x5d: {  	v63 =	vadd.s32 $0x1000, v52;
	[tilespmem:$0x1FDE0] =	vst v3;
	v3 =	vld.idx.msk [tilespmem:v53+s2+$0x0], $0xffff  }
0x5e: {  	v34 =	vadd.s32 $0x2000, v52;
	v35 =	vld [tilespmem:s15+$0x5800]  }
0x5f: {  	v6 =	vadd.s32 $0x4000, v52;
	[tilespmem:$0x1FE50] =	vst v4;
	v4 =	vld.idx.msk [tilespmem:v62+s2+$0x0], $0xffff  }
0x60: {  	v46 =	vadd.s32 $0x1000, v40;
	[tilespmem:$0x1FDC0] =	vst v1;
	v1 =	vld.idx.msk [tilespmem:v41+s2+$0x0], $0xffff  }
0x61: {  	v55 =	vadd.s32 $0x4000, v40;
	[tilespmem:$0x1FDD0] =	vst v2;
	v2 =	vld.idx.msk [tilespmem:v42+s2+$0x0], $0xffff  }
0x62: {  	[tilespmem:$0x1FE60] =	vst v3;
	v42 =	vadd.s32 $0x2800, v52;
	v3 =	vld.idx.msk [tilespmem:v63+s2+$0x0], $0xffff  }
0x63: {  	[tilespmem:$0x1FDF0] =	vst v43;
	v43 =	vadd.s32 $0x3000, v52;
	v62 =	vld.idx.msk [tilespmem:v34+s2+$0x0], $0xffff  }
0x64: {  	v63 =	vld.idx.msk [tilespmem:v6+s2+$0x0], $0xffff  }
0x65: {  	v5 =	vadd.s32 $0x4000, v35;
	[tilespmem:$0x1FE10] =	vst v1;
	v1 =	vld.idx.msk [tilespmem:v46+s2+$0x0], $0xffff  }
0x66: {  	v54 =	vadd.s32 $0x3800, v40;
	[tilespmem:$0x1FE20] =	vst v2;
	v2 =	vld.idx.msk [tilespmem:v55+s2+$0x0], $0xffff  }
0x67: {  	[tilespmem:$0x1FE00] =	vst v44;
	v45 =	vadd.s32 $0x800, v35;
	v55 =	vld.idx.msk [tilespmem:v42+s2+$0x0], $0xffff  }
0x68: {  	v32 =	vadd.s32 $0x1800, v52;
	v44 =	vadd.s32 $0x3800, v52;
	[tilespmem:$0x1FEA0] =	vst v3;
	v3 =	vld.idx.msk [tilespmem:v43+s2+$0x0], $0xffff;
	v46 =	vadd.s32 $0x1000, v35  }
0x69: {  	v38 =	vadd.s32 $0x2800, v50;
	v47 =	vadd.s32 $0x1800, v35;
	v49 =	vadd.s32 $0x2800, v35;
	v42 =	vld.idx.msk [tilespmem:v35+s2+$0x0], $0xffff  }
0x6a: {  	[tilespmem:$0x1FE30] =	vst v48;
	v48 =	vadd.s32 $0x2000, v35;
	v52 =	vadd.s32 $0x3000, v35;
	v53 =	vadd.s32 $0x3800, v35;
	v35 =	vld.idx.msk [tilespmem:v5+s2+$0x0], $0xffff  }
0x6b: {  	[tilespmem:$0x1FE40] =	vst v1;
	v1 =	vld.idx.msk [tilespmem:v54+s2+$0x0], $0xffff  }
0x6c: {  	[tilespmem:$0x1FE80] =	vst v2;
	v2 =	vld.idx.msk [tilespmem:v45+s2+$0x0], $0xffff  }
0x6d: {  	[tilespmem:$0x1FEC0] =	vst v3;
	v3 =	vld.idx.msk [tilespmem:v46+s2+$0x0], $0xffff  }
0x6e: {  	[tilespmem:$0x1FDA0] =	vst v36;
	v36 =	vadd.s32 $0x2000, v50;
	v54 =	vld.idx.msk [tilespmem:v49+s2+$0x0], $0xffff  }
0x6f: {  	v6 =	vadd.s32 $0x4000, v50;
	v49 =	vld.idx.msk [tilespmem:v38+s2+$0x0], $0xffff  }
0x70: {  	[tilespmem:$0x1FE70] =	vst v1;
	v1 =	vld.idx.msk [tilespmem:v32+s2+$0x0], $0xffff  }
0x71: {  	[tilespmem:$0x1FEE0] =	vst v2;
	v2 =	vld.idx.msk [tilespmem:v48+s2+$0x0], $0xffff  }
0x72: {  	v61 =	vadd.s32 $0x800, v50;
	[tilespmem:$0x1FEF0] =	vst v3;
	v3 =	vld.idx.msk [tilespmem:v52+s2+$0x0], $0xffff  }
0x73: {  	v32 =	vadd.s32 $0x1000, v50;
	v48 =	vld.idx.msk [tilespmem:v36+s2+$0x0], $0xffff  }
0x74: {  	v52 =	vld.idx.msk [tilespmem:v6+s2+$0x0], $0xffff  }
0x75: {  	v40 =	vadd.s32 $0x3000, v50;
	v6 =	vld [tilespmem:s15+$0x5980]  }
0x76: {  	v41 =	vadd.s32 $0x3800, v50;
	[tilespmem:$0x1FEB0] =	vst v1;
	v1 =	vld.idx.msk [tilespmem:v44+s2+$0x0], $0xffff  }
0x77: {  	[tilespmem:$0x1FF10] =	vst v2;
	v2 =	vld.idx.msk [tilespmem:v61+s2+$0x0], $0xffff  }
0x78: {  	[tilespmem:$0x1FF30] =	vst v3;
	v3 =	vld.idx.msk [tilespmem:v32+s2+$0x0], $0xffff  }
0x79: {  	v5 =	vadd.s32 $0x4000, v37;
	v44 =	vld.idx.msk [tilespmem:v50+s2+$0x0], $0xffff  }
0x7a: {  	v34 =	vadd.s32 $0x1800, v50;
	v50 =	vld.idx.msk [tilespmem:v40+s2+$0x0], $0xffff  }
0x7b: {  	v46 =	vadd.s32 $0x1000, v37;
	v61 =	vld.idx.msk [tilespmem:v41+s2+$0x0], $0xffff  }
0x7c: {  	[tilespmem:$0x1FED0] =	vst v1;
	v1 =	vld.idx.msk [tilespmem:v47+s2+$0x0], $0xffff  }
0x7d: {  	[tilespmem:$0x1FF50] =	vst v35;
	v35 =	vadd.s32 $0x3800, v37;
	v41 =	vld.idx.msk [tilespmem:v37+s2+$0x0], $0xffff  }
0x7e: {  	v45 =	vadd.s32 $0x800, v37;
	v40 =	vld.idx.msk [tilespmem:v5+s2+$0x0], $0xffff  }
0x7f: {  	v36 =	vadd.s32 $0x800, v6;
	v5 =	vld [tilespmem:s15+$0x5A00]  }
0x80: {  	[tilespmem:$0x1FF60] =	vst v2;
	v2 =	vld.idx.msk [tilespmem:v46+s2+$0x0], $0xffff  }
0x81: {  	[tilespmem:$0x1FF00] =	vst v1;
	v1 =	vld.idx.msk [tilespmem:v53+s2+$0x0], $0xffff  }
0x82: {  	v43 =	vadd.s32 $0x2000, v6;
	v46 =	vld.idx.msk [tilespmem:v35+s2+$0x0], $0xffff  }
0x83: {  	v12 =	vadd.f32 $0.0e+00, v12;
	[tilespmem:$0x1FF20] =	vst v54;
	v54 =	vadd.s32 $0x2000, v37;
	v53 =	vld.idx.msk [tilespmem:v45+s2+$0x0], $0xffff  }
0x84: {  	v32 =	vadd.s32 $0x2800, v37;
	[tilespmem:$0x1FF70] =	vst v3;
	v3 =	vld.idx.msk [tilespmem:v36+s2+$0x0], $0xffff  }
0x85: {  	[tilespmem:$0x1FE90] =	vst v4;
	v4 =	vadd.s32 $0x800, v5;
	v36 =	vadd.f32 $0.0e+00, v8;
	v8 =	vadd.f32 v21, v12;
	v12 =	vld [tilespmem:$0x1FCA0]  }
0x86: {  	v47 =	vadd.s32 $0x1800, v37;
	[tilespmem:$0x1FF40] =	vst v1;
	v1 =	vld.idx.msk [tilespmem:v34+s2+$0x0], $0xffff  }
0x87: {  	v45 =	vld.idx.msk [tilespmem:v43+s2+$0x0], $0xffff;
	v34 =	vadd.s32 $0x3000, v37  }
0x88: {  	v14 =	vadd.f32 $0.0e+00, v14;
	v38 =	vadd.s32 $0x1800, v6;
	[tilespmem:$0x1FF90] =	vst v53;
	v53 =	vld.idx.msk [tilespmem:v54+s2+$0x0], $0xffff  }
0x89: {  	v54 =	vld.idx.msk [tilespmem:v32+s2+$0x0], $0xffff;
	v32 =	vadd.s32 $0x2800, v6  }
0x8a: {  	v14 =	vadd.f32 v51, v14;
	v51 =	vld.idx.msk [tilespmem:v4+s2+$0x0], $0xffff  }
0x8b: {  	[tilespmem:$0x1FF80] =	vst v1;
	v1 =	vld.idx.msk [tilespmem:v47+s2+$0x0], $0xffff  }
0x8c: {  	[tilespmem:$0x1FFA0] =	vst v2;
	v37 =	vadd.s32 $0x1000, v6;
	v2 =	vld.idx.msk [tilespmem:v34+s2+$0x0], $0xffff  }
0x8d: {  	v47 =	vld.idx.msk [tilespmem:v38+s2+$0x0], $0xffff  }
0x8e: {  	[tilespmem:$0x1FFE0] =	vst v3;
	v3 =	vadd.s32 $0x3800, v5;
	v34 =	vadd.f32 $0.0e+00, v16;
	v43 =	vld.idx.msk [tilespmem:v32+s2+$0x0], $0xffff;
	v32 =	vadd.f32 $0.0e+00, v15  }
0x8f: {  	v35 =	vadd.s32 $0x3800, v6;
	v38 =	vld.idx.msk [tilespmem:v6+s2+$0x0], $0xffff  }
0x90: {  	v16 =	vadd.f32 v0, v34;
	v34 =	vadd.s32 $0x1000, v5;
	v15 =	vadd.f32 v57, v32;
	v0 =	vld [tilespmem:s15+$0x5A80]  }
0x91: {  	[tilespmem:$0x1FFC0] =	vst v2;
	v2 =	vld.idx.msk [tilespmem:v37+s2+$0x0], $0xffff;
	v37 =	vadd.f32 $0.0e+00, v9  }
0x92: {  	v7 =	vadd.f32 v17, v36;
	v32 =	vld.idx.msk [tilespmem:v5+s2+$0x0], $0xffff;
	v21 =	vadd.f32 v31, v15  }
0x93: {  	v31 =	vld.idx.msk [tilespmem:v3+s2+$0x0], $0xffff;
	v17 =	vadd.f32 v56, v37;
	v37 =	vadd.f32 $0.0e+00, v13  }
0x94: {  	v36 =	vadd.f32 $0.0e+00, v10;
	v7 =	vadd.f32 v29, v7;
	v56 =	vld.idx.msk [tilespmem:v35+s2+$0x0], $0xffff  }
0x95: {  	v4 =	vadd.s32 $0x3000, v5;
	[tilespmem:$0x1FFB0] =	vst v1;
	v1 =	vadd.f32 v22, v16;
	v10 =	vadd.f32 v20, v37;
	v37 =	vld.idx.msk [tilespmem:v34+s2+$0x0], $0xffff  }
0x96: {  	v9 =	vadd.s32 $0x2000, v5;
	v13 =	vadd.s32 $0x2800, v5;
	v16 =	vadd.f32 v25, v17;
	v17 =	vld [tilespmem:$0x1FCB0]  }
0x97: {  	v35 =	vadd.s32 $0x1800, v5;
	v5 =	vadd.s32 $0x4000, v5;
	v25 =	vadd.f32 v28, v1;
	v1 =	vld [tilespmem:s15+$0x5B00]  }
0x98: {  	v7 =	vadd.f32 v24, v7;
	v22 =	vadd.s32 $0x800, v0;
	v24 =	vld.idx.msk [tilespmem:v0+s2+$0x0], $0xffff  }
0x99: {  	v12 =	vadd.f32 v12, v16;
	v16 =	vadd.f32 v18, v21;
	v21 =	vld [tilespmem:$0x1FCF0]  }
0x9a: {  	v15 =	vadd.s32 $0x2800, v0;
	v18 =	vld [tilespmem:$0x1FD50]  }
0x9b: {  	v34 =	vld.idx.msk [tilespmem:v13+s2+$0x0], $0xffff  }
0x9c: {  	v20 =	vadd.f32 v30, v14;
	[tilespmem:$0x1FFF0] =	vst v2;
	v2 =	vadd.s32 $0x3000, v6;
	v30 =	vld.idx.msk [tilespmem:v5+s2+$0x0], $0xffff  }
0x9d: {  	v6 =	vadd.s32 $0x4000, v6;
	v29 =	vld.idx.msk [tilespmem:v22+s2+$0x0], $0xffff  }
0x9e: {  	v22 =	vld [tilespmem:$0x1FD00]  }
0x9f: {  	v13 =	vadd.f32 v27, v25;
	v25 =	vld.idx.msk [tilespmem:v15+s2+$0x0], $0xffff  }
0xa0: {  	v3 =	vadd.f32 v17, v20;
	v20 =	vld [tilespmem:$0x1FCE0]  }
0xa1: {  	[tilespmem:$0x1FFD0] =	vst v40;
	v40 =	vld.idx.msk [tilespmem:v2+s2+$0x0], $0xffff  }
0xa2: {  	v10 =	vadd.f32 v26, v10;
	v26 =	vadd.s32 $0x1800, v0;
	v57 =	vld.idx.msk [tilespmem:v6+s2+$0x0], $0xffff  }
0xa3: {  	v6 =	vadd.f32 v19, v36;
	v36 =	vld.idx.msk [tilespmem:v35+s2+$0x0], $0xffff  }
0xa4: {  	v35 =	vld.idx.msk [tilespmem:v9+s2+$0x0], $0xffff  }
0xa5: {  	v19 =	vld [tilespmem:$0x1FCD0]  }
0xa6: {  	v9 =	vld [tilespmem:$0x1FD30]  }
0xa7: {  	v27 =	vld.idx.msk [tilespmem:v26+s2+$0x0], $0xffff  }
0xa8: {  	v17 =	vadd.s32 $0x2000, v0;
	v11 =	vadd.f32 v21, v11;
	v21 =	vld [tilespmem:$0x1FD80]  }
0xa9: {  	v8 =	vadd.f32 v23, v8;
	v16 =	vadd.f32 v18, v16;
	v18 =	vld [tilespmem:$0x1FDE0]  }
0xaa: {  	v6 =	vadd.f32 v33, v6;
	v33 =	vld.idx.msk [tilespmem:v4+s2+$0x0], $0xffff  }
0xab: {  	v23 =	vadd.f32 v22, v8;
	v8 =	vld [tilespmem:$0x1FD20]  }
0xac: {  	v22 =	vld [tilespmem:$0x1FD90]  }
0xad: {  	v26 =	vld.idx.msk [tilespmem:v17+s2+$0x0], $0xffff  }
0xae: {  	v4 =	vadd.s32 $0x1000, v0;
	v10 =	vadd.f32 v20, v10;
	v20 =	vld [tilespmem:$0x1FD70]  }
0xaf: {  	v17 =	vld [tilespmem:$0x1FDD0]  }
0xb0: {  	v14 =	vadd.s32 $0x3800, v0;
	v2 =	vadd.f32 v9, v12;
	v12 =	vld [tilespmem:$0x1FD40]  }
0xb1: {  	v6 =	vadd.f32 v19, v6;
	v19 =	vld [tilespmem:$0x1FD60]  }
0xb2: {  	v16 =	vadd.f32 v18, v16;
	v18 =	vld [tilespmem:$0x1FE40]  }
0xb3: {  	v28 =	vld.idx.msk [tilespmem:v4+s2+$0x0], $0xffff  }
0xb4: {  	v15 =	vadd.f32 v22, v23;
	v23 =	vld [tilespmem:$0x1FDA0]  }
0xb5: {  	v22 =	vld.idx.msk [tilespmem:v14+s2+$0x0], $0xffff  }
0xb6: {  	v4 =	vadd.s32 $0x3000, v0;
	v7 =	vadd.f32 v8, v7;
	v14 =	vld [tilespmem:$0x1FE20]  }
0xb7: {  	v8 =	vadd.s32 $0x4000, v0;
	v9 =	vadd.f32 v12, v3;
	v3 =	vadd.f32 v21, v11;
	v11 =	vld [tilespmem:$0x1FDB0]  }
0xb8: {  	v6 =	vadd.f32 v19, v6;
	v19 =	vld [tilespmem:$0x1FDF0]  }
0xb9: {  	v12 =	vld [tilespmem:$0x1FDC0]  }
0xba: {  	v21 =	vld [tilespmem:$0x1FE00]  }
0xbb: {  	v13 =	vadd.f32 v23, v13;
	v23 =	vld.idx.msk [tilespmem:v4+s2+$0x0], $0xffff  }
0xbc: {  	v10 =	vadd.f32 v20, v10;
	v20 =	vld.idx.msk [tilespmem:v8+s2+$0x0], $0xffff  }
0xbd: {  	v5 =	vadd.s32 $0x1800, v1;
	v9 =	vadd.f32 v17, v9;
	v17 =	vld [tilespmem:$0x1FE30];
	v6 =	vadd.f32 v19, v6  }
0xbe: {  	v0 =	vadd.s32 $0x800, v1;
	v2 =	vadd.f32 v12, v2;
	v12 =	vld [tilespmem:$0x1FE10]  }
0xbf: {  	v6 =	vadd.f32 v60, v6;
	v60 =	vld [tilespmem:$0x1FE60]  }
0xc0: {  	v15 =	vadd.f32 v14, v15;
	v14 =	vld [tilespmem:$0x1FEB0]  }
0xc1: {  	v6 =	vadd.f32 v55, v6;
	v55 =	vld [tilespmem:$0x1FEC0]  }
0xc2: {  	v9 =	vadd.f32 v59, v9;
	v59 =	vld.idx.msk [tilespmem:v5+s2+$0x0], $0xffff;
	v10 =	vadd.f32 v21, v10  }
0xc3: {  	v4 =	vadd.s32 $0x1000, v1;
	v21 =	vld.idx.msk [tilespmem:v0+s2+$0x0], $0xffff  }
0xc4: {  	v3 =	vadd.f32 v12, v3;
	v12 =	vld [tilespmem:$0x1FEA0];
	v10 =	vadd.f32 v60, v10  }
0xc5: {  	v0 =	vld [tilespmem:s15+$0x5B80]  }
0xc6: {  	v7 =	vadd.f32 v11, v7;
	v10 =	vadd.f32 v55, v10;
	v55 =	vld [tilespmem:$0x1FEF0]  }
0xc7: {  	v19 =	vld [tilespmem:$0x1FE50];
	v2 =	vadd.f32 v18, v2  }
0xc8: {  	v7 =	vadd.f32 v58, v7;
	v58 =	vld.idx.msk [tilespmem:v4+s2+$0x0], $0xffff  }
0xc9: {  	v5 =	vadd.s32 $0x3800, v1;
	v13 =	vadd.f32 v17, v13;
	v17 =	vld.idx.msk [tilespmem:v1+s2+$0x0], $0xffff;
	v2 =	vadd.f32 v12, v2  }
0xca: {  	v18 =	vld [tilespmem:$0x1FE70]  }
0xcb: {  	v2 =	vadd.f32 v55, v2;
	v55 =	vld [tilespmem:$0x1FF10]  }
0xcc: {  	v11 =	vadd.s32 $0x2000, v1;
	v13 =	vadd.f32 v39, v13;
	v39 =	vld [tilespmem:$0x1FE90];
	v16 =	vadd.f32 v19, v16  }
0xcd: {  	v8 =	vadd.s32 $0x2800, v1;
	v19 =	vld [tilespmem:$0x1FE80]  }
0xce: {  	v9 =	vadd.f32 v14, v9;
	v14 =	vld.idx.msk [tilespmem:v5+s2+$0x0], $0xffff;
	v16 =	vadd.f32 v62, v16  }
0xcf: {  	v4 =	vadd.s32 $0x3000, v1;
	v13 =	vadd.f32 v42, v13;
	v42 =	vld [tilespmem:$0x1FEE0]  }
0xd0: {  	v16 =	vadd.f32 v55, v16;
	v55 =	vld [tilespmem:$0x1FF30]  }
0xd1: {  	v1 =	vadd.s32 $0x4000, v1;
	v60 =	vld.idx.msk [tilespmem:v11+s2+$0x0], $0xffff  }
0xd2: {  	v11 =	vadd.f32 v19, v15;
	v19 =	vld.idx.msk [tilespmem:v8+s2+$0x0], $0xffff  }
0xd3: {  	v5 =	vadd.s32 $0x3000, v0;
	v8 =	vld [tilespmem:$0x1FED0]  }
0xd4: {  	v3 =	vadd.f32 v18, v3;
	v18 =	vld.idx.msk [tilespmem:v4+s2+$0x0], $0xffff;
	v62 =	vadd.s32 $0x1800, v0  }
0xd5: {  	v10 =	vadd.f32 v55, v10;
	v55 =	vld [tilespmem:$0x1FF40]  }
0xd6: {  	v12 =	vld.idx.msk [tilespmem:v1+s2+$0x0], $0xffff  }
0xd7: {  	v4 =	vadd.s32 $0x3800, v0;
	v1 =	vld [tilespmem:s15+$0x6800]  }
0xd8: {  	v7 =	vadd.f32 v39, v7;
	v39 =	vadd.s32 $0x1000, v0;
	v5 =	vld.idx.msk [tilespmem:v5+s2+$0x0], $0xffff;
	v3 =	vadd.f32 v8, v3  }
0xd9: {  	v11 =	vadd.f32 v63, v11;
	v63 =	vadd.s32 $0x2000, v0;
	v62 =	vld.idx.msk [tilespmem:v62+s2+$0x0], $0xffff  }
0xda: {  	v3 =	vadd.f32 v55, v3;
	v55 =	vld [tilespmem:$0x1FF50]  }
0xdb: {  	v8 =	vld [tilespmem:$0x1FF00]  }
0xdc: {  	v15 =	vadd.s32 $0x800, v0;
	v4 =	vld.idx.msk [tilespmem:v4+s2+$0x0], $0xffff  }
0xdd: {  	v7 =	vadd.f32 v42, v7;
	v42 =	vadd.s32 $0x2800, v0;
	v39 =	vld.idx.msk [tilespmem:v39+s2+$0x0], $0xffff  }
0xde: {  	v13 =	vadd.f32 v44, v13;
	v44 =	vld.idx.msk [tilespmem:v63+s2+$0x0], $0xffff;
	v63 =	vadd.s32 $0x800, v1  }
0xdf: {  	v11 =	vadd.f32 v55, v11;
	v55 =	vld [tilespmem:$0x1FF60]  }
0xe0: {  	v9 =	vadd.f32 v8, v9;
	v8 =	vld [tilespmem:$0x1FF20]  }
0xe1: {  	v15 =	vld.idx.msk [tilespmem:v15+s2+$0x0], $0xffff  }
0xe2: {  	v42 =	vld.idx.msk [tilespmem:v42+s2+$0x0], $0xffff  }
0xe3: {  	v13 =	vadd.f32 v41, v13;
	v41 =	vld.idx.msk [tilespmem:v63+s2+$0x0], $0xffff  }
0xe4: {  	v7 =	vadd.f32 v55, v7;
	v55 =	vld [tilespmem:$0x1FF70]  }
0xe5: {  	v6 =	vadd.f32 v8, v6;
	v8 =	vld.idx.msk [tilespmem:v0+s2+$0x0], $0xffff;
	v0 =	vadd.s32 $0x4000, v0  }
0xe6: {  	v16 =	vadd.f32 v48, v16;
	v3 =	vadd.f32 v61, v3;
	v61 =	vld [tilespmem:$0x1FF90]  }
0xe7: {  	v48 =	vadd.s32 $0x1000, v1;
	v63 =	vld [tilespmem:$0x1FFA0]  }
0xe8: {  	v16 =	vadd.f32 v53, v16;
	v53 =	vld.idx.msk [tilespmem:v1+s2+$0x0], $0xffff;
	v6 =	vadd.f32 v49, v6;
	v49 =	vadd.s32 $0x1800, v1  }
0xe9: {  	v2 =	vadd.f32 v55, v2;
	v55 =	vld [tilespmem:$0x1FF80]  }
0xea: {  	v13 =	vadd.f32 v38, v13;
	v10 =	vadd.f32 v50, v10;
	v50 =	vadd.s32 $0x2000, v1;
	v0 =	vld.idx.msk [tilespmem:v0+s2+$0x0], $0xffff  }
0xeb: {  	v7 =	vadd.f32 v61, v7;
	v61 =	vld [tilespmem:$0x1FFB0]  }
0xec: {  	v13 =	vadd.f32 v32, v13;
	v3 =	vadd.f32 v46, v3;
	v46 =	vld.idx.msk [tilespmem:v48+s2+$0x0], $0xffff;
	v48 =	vadd.s32 $0x3800, v1  }
0xed: {  	v16 =	vadd.f32 v45, v16;
	v38 =	vld.idx.msk [tilespmem:v49+s2+$0x0], $0xffff;
	v11 =	vadd.f32 v52, v11;
	v52 =	vadd.s32 $0x2800, v1  }
0xee: {  	v2 =	vadd.f32 v63, v2;
	v63 =	vld [tilespmem:$0x1FFC0];
	v9 =	vadd.f32 v55, v9  }
0xef: {  	v6 =	vadd.f32 v54, v6;
	v54 =	vadd.s32 $0x3000, v1;
	v49 =	vld.idx.msk [tilespmem:v50+s2+$0x0], $0xffff;
	v1 =	vadd.s32 $0x4000, v1  }
0xf0: {  	v13 =	vadd.f32 v24, v13;
	v9 =	vadd.f32 v61, v9;
	v61 =	vld [tilespmem:s15+$0x6880]  }
0xf1: {  	v16 =	vadd.f32 v35, v16;
	v6 =	vadd.f32 v43, v6;
	v43 =	vld.idx.msk [tilespmem:v48+s2+$0x0], $0xffff  }
0xf2: {  	v13 =	vadd.f32 v17, v13;
	v45 =	vld.idx.msk [tilespmem:v52+s2+$0x0], $0xffff  }
0xf3: {  	v16 =	vadd.f32 v26, v16;
	v10 =	vadd.f32 v63, v10;
	v63 =	vld [tilespmem:$0x1FFD0]  }
0xf4: {  	v8 =	vadd.f32 v8, v13;
	v1 =	vld.idx.msk [tilespmem:v1+s2+$0x0], $0xffff  }
0xf5: {  	v16 =	vadd.f32 v60, v16;
	v55 =	vld [tilespmem:$0x1FFE0];
	v52 =	vadd.s32 $0x800, v61  }
0xf6: {  	v8 =	vadd.f32 v53, v8;
	v10 =	vadd.f32 v40, v10;
	v40 =	vld.idx.msk [tilespmem:v54+s2+$0x0], $0xffff;
	v54 =	vadd.s32 $0x1000, v61  }
0xf7: {  	v3 =	vadd.f32 v56, v3;
	v9 =	vadd.f32 v47, v9;
	v47 =	vld [tilespmem:s15+$0x6900];
	v56 =	vadd.s32 $0x2000, v61  }
0xf8: {  	v6 =	vadd.f32 v34, v6;
	v11 =	vadd.f32 v63, v11;
	v63 =	vld [tilespmem:$0x1FFF0];
	v48 =	vadd.s32 $0x3800, v61  }
0xf9: {  	v3 =	vadd.f32 v31, v3;
	v9 =	vadd.f32 v36, v9;
	v50 =	vadd.s32 $0x4000, v61;
	v36 =	vld.idx.msk [tilespmem:v61+s2+$0x0], $0xffff  }
0xfa: {  	v16 =	vadd.f32 v44, v16;
	v6 =	vadd.f32 v25, v6;
	v34 =	vld.idx.msk [tilespmem:v52+s2+$0x0], $0xffff  }
0xfb: {  	v3 =	vadd.f32 v22, v3;
	v11 =	vadd.f32 v57, v11;
	v57 =	vadd.s32 $0x2800, v61;
	v24 =	vld.idx.msk [tilespmem:v54+s2+$0x0], $0xffff  }
0xfc: {  	v6 =	vadd.f32 v19, v6;
	v9 =	vadd.f32 v27, v9;
	v26 =	vld.idx.msk [tilespmem:v56+s2+$0x0], $0xffff  }
0xfd: {  	v16 =	vadd.f32 v49, v16;
	v3 =	vadd.f32 v14, v3;
	v35 =	vadd.s32 $0x4000, v47;
	v17 =	vld.idx.msk [tilespmem:v48+s2+$0x0], $0xffff  }
0xfe: {  	v10 =	vadd.f32 v33, v10;
	v9 =	vadd.f32 v59, v9;
	v59 =	vadd.s32 $0x3000, v47;
	v25 =	vld.idx.msk [tilespmem:v50+s2+$0x0], $0xffff  }
0xff: {  	v3 =	vadd.f32 v4, v3;
	v7 =	vadd.f32 v55, v7;
	v55 =	vadd.s32 $0x1800, v61;
	v19 =	vld.idx.msk [tilespmem:v47+s2+$0x0], $0xffff  }
0x100: {  	v10 =	vadd.f32 v23, v10;
	v2 =	vadd.f32 v63, v2;
	v63 =	vadd.s32 $0x3000, v61;
	v23 =	vld.idx.msk [tilespmem:v57+s2+$0x0], $0xffff  }
0x101: {  	v6 =	vadd.f32 v42, v6;
	v3 =	vadd.f32 v43, v3;
	v52 =	vadd.s32 $0x1000, v47;
	v57 =	vld [tilespmem:s15+$0x6980]  }
0x102: {  	v7 =	vadd.f32 v51, v7;
	v54 =	vadd.s32 $0x1800, v47;
	v2 =	vadd.f32 v37, v2;
	v27 =	vld.idx.msk [tilespmem:v35+s2+$0x0], $0xffff  }
0x103: {  	v6 =	vadd.f32 v45, v6;
	v11 =	vadd.f32 v30, v11;
	v61 =	vadd.s32 $0x3800, v47;
	v13 =	vld.idx.msk [tilespmem:v59+s2+$0x0], $0xffff  }
0x104: {  	v7 =	vadd.f32 v29, v7;
	v51 =	vadd.s32 $0x800, v47;
	v2 =	vadd.f32 v28, v2;
	v28 =	vld.idx.msk [tilespmem:v55+s2+$0x0], $0xffff  }
0x105: {  	v10 =	vadd.f32 v18, v10;
	v56 =	vadd.s32 $0x2800, v47;
	v11 =	vadd.f32 v20, v11;
	v20 =	vld.idx.msk [tilespmem:v63+s2+$0x0], $0xffff  }
0x106: {  	v7 =	vadd.f32 v21, v7;
	v9 =	vadd.f32 v62, v9;
	v55 =	vadd.s32 $0x2000, v47;
	v60 =	vld.idx.msk [tilespmem:v52+s2+$0x0], $0xffff  }
0x107: {  	v5 =	vadd.f32 v5, v10;
	v63 =	vld.idx.msk [tilespmem:v54+s2+$0x0], $0xffff;
	v2 =	vadd.f32 v58, v2  }
0x108: {  	v7 =	vadd.f32 v15, v7;
	v9 =	vadd.f32 v38, v9;
	v21 =	vld.idx.msk [tilespmem:v61+s2+$0x0], $0xffff;
	v42 =	vadd.s32 $0x800, v57  }
0x109: {  	v5 =	vadd.f32 v40, v5;
	v58 =	vld.idx.msk [tilespmem:v51+s2+$0x0], $0xffff;
	v44 =	vadd.s32 $0x1000, v57;
	v2 =	vadd.f32 v39, v2  }
0x10a: {  	v11 =	vadd.f32 v12, v11;
	v7 =	vadd.f32 v41, v7;
	v47 =	vadd.s32 $0x2000, v57;
	v39 =	vld.idx.msk [tilespmem:v56+s2+$0x0], $0xffff  }
0x10b: {  	v50 =	vadd.f32 v36, v8;
	v37 =	vld.idx.msk [tilespmem:v55+s2+$0x0], $0xffff;
	v2 =	vadd.f32 v46, v2;
	v46 =	vadd.s32 $0x1800, v57  }
0x10c: {  	v0 =	vadd.f32 v0, v11;
	v7 =	vadd.f32 v34, v7;
	v49 =	vadd.s32 $0x2800, v57;
	v48 =	vld.idx.msk [tilespmem:v57+s2+$0x0], $0xffff  }
0x10d: {  	v16 =	vadd.f32 v26, v16;
	v3 =	vadd.f32 v17, v3;
	v52 =	vadd.s32 $0x3000, v57;
	v51 =	vld.idx.msk [tilespmem:v42+s2+$0x0], $0xffff  }
0x10e: {  	v0 =	vadd.f32 v1, v0;
	v53 =	vadd.s32 $0x3800, v57;
	v6 =	vadd.f32 v23, v6;
	v14 =	vld.idx.msk [tilespmem:v44+s2+$0x0], $0xffff  }
0x10f: {  	v18 =	vadd.s32 $0x4000, v57;
	v1 =	vadd.f32 v19, v50;
	v9 =	vadd.f32 v28, v9;
	v55 =	vld.idx.msk [tilespmem:v47+s2+$0x0], $0xffff  }
0x110: {  	v0 =	vadd.f32 v25, v0;
	v2 =	vadd.f32 v24, v2;
	v54 =	vld.idx.msk [tilespmem:v46+s2+$0x0], $0xffff  }
0x111: {  	v5 =	vadd.f32 v20, v5;
	v7 =	vadd.f32 v58, v7;
	v56 =	vld.idx.msk [tilespmem:v49+s2+$0x0], $0xffff  }
0x112: {  	v11 =	vld.idx.msk [tilespmem:v52+s2+$0x0], $0xffff;
	v2 =	vadd.f32 v60, v2;
	v1 =	vadd.f32 v48, v1  }
0x113: {  	v9 =	vadd.f32 v63, v9;
	v57 =	vld.idx.msk [tilespmem:v53+s2+$0x0], $0xffff;
	v7 =	vadd.f32 v51, v7  }
0x114: {  	v58 =	vld.idx.msk [tilespmem:v18+s2+$0x0], $0xffff;
	v10 =	vadd.f32 v37, v16;
	v2 =	vadd.f32 v14, v2;
	[tilespmem:s15+$0x7800] =	vst v1  }
0x115: {  	v59 =	vadd.f32 v39, v6;
	[tilespmem:s15+$0x7880] =	vst v7;
	v60 =	vadd.f32 v54, v9  }
0x116: {  	v5 =	vadd.f32 v13, v5;
	v61 =	vadd.f32 v55, v10;
	[tilespmem:s15+$0x7900] =	vst v2  }
0x117: {  	p0 =	sne.s32 s14, $0x1F0;
	v62 =	vadd.f32 v21, v3;
	v1 =	vadd.f32 v56, v59;
	[tilespmem:s16+$0x7800] =	vst v60  }
.Ltmp0:
0x118: {  	v0 =	vadd.f32 v27, v0;
	v63 =	vadd.f32 v11, v5;
	[tilespmem:s15+$0x7A00] =	vst v61;
	(pc) =	sbr.rel @p0 .LBB2_2-.Ltmp0, $4  }
0x119: {  	v2 =	vadd.f32 v57, v62;
	[tilespmem:s15+$0x7A80] =	vst v1  }
0x11a: {  	v0 =	vadd.f32 v58, v0;
	[tilespmem:s15+$0x7B00] =	vst v63  }
0x11b: {  	[tilespmem:s17+$0x7800] =	vst v2  }
0x11c: {  	s13 =	sadd.s32 $0x80, s13;
	s14 =	sadd.s32 $0x10, s14;
	[tilespmem:s15+$0x8800] =	vst v0  }
0x11d: {  	s12 =	sadd.s32 $0x1, s12  }
0x11e: {  	p0 =	sne.s32 s12, s6  }
.Ltmp1:
0x11f: {  	_ = 	snop;
	(pc) =	sbr.rel @p0 .LBB2_1-.Ltmp1, $4  }
0x120: {  	[hbm4b:s5+s2] =	stream.linear.scatter [tilespmem:s11], [sflag:$0x1], $0x2000, $0x38;
	[tilespmem:$0x9800] =	vst v63  }
0x121: {  	_ =	swait.ge [sflag:s9], $0x2000  }
0x122: {  	[sflag:s9] =	ssyncset.done $0x0  }
0x123: {  	[sflag:s9] =	ssyncadd.s32 $0xFFFFE000  }
0x124: {  	_ =	sfence.sel $0x180000  }
0x125: {  	[bflag:$0x0] =	sbarrier.arrive $0xFFFF  }
0x126: {  	p0 =	sne.s32 s1, $0x0;
	_ =	strace $0x90000047  }
0x127: {  	s0 =	sadd.s32 @!p0 $0x100000, s0;
	[bflag:$0x2] =	sbarrier.arrive $0xFFFF  }
0x128: {  	[sflag:s0] =	ssyncadd.tile.s32 @!p0 $0x1;
	_ =	shalt  }
.Lfunc_end2:
_tile_overlayer_lowered:
.L_overlay_start_2:
0x129: {  	(tag) =	ssettag $0x2  }
0x12a: {  	s0 =	rddreg [dreg:$0x0];
	s2 =	stileid.u32  }
0x12b: {  	s1 =	rddreg [dreg:$0x1];
	p0 =	sne.s32 s2, $0x0  }
0x12c: {  	s3 =	rddreg [dreg:$0x2];
	[bflag:$0x3] =	sbarrier.arrive $0xFFFF;
	s2 =	simm.s32 @!p0 $0x1C01  }
0x12d: {  	[timem:s3], [sflag:s2] =	dma.local @!p0 [hbm:s0], s1  }
0x12e: {  	s0 =	simm.s32 @!p0 $0x1  }
0x12f: {  	_ =	swait.ge @!p0 [sflag:s0], s1  }
0x130: {  	s1 =	ssub.s32 @!p0 $0x0, s1;
	[sflag:s0] =	ssyncset.done @!p0 $0x0  }
0x131: {  	[sflag:s0] =	ssyncadd.s32 @!p0 s1  }
0x132: {  	[bflag:$0x3] =	sbarrier.arrive $0xFFFF  }
0x133: {  	_ =	shalt  }

</sc_bundles>
